<compile_context>
chip_gen: v7x
topology: tpu7x:2x2x1
jax: 0.10.2.dev20260603
libtpu: 0.0.44.dev20260713+nightly
codegen_flags: <defaults>
</compile_context>

<pallas_src>
import functools

import jax
import jax.numpy as jnp
from jax import lax
from jax.experimental import pallas as pl
from jax.experimental.pallas import tpu as pltpu
from jax.experimental.pallas import tpu_sc as plsc

B = 16
MC = 12
ROWS = MC + 1
CAMERA_HEIGHT = 1.6

_SIN_C = (1.0, -1 / 6, 1 / 120, -1 / 5040, 1 / 362880, -1 / 39916800, 1 / 6227020800)
_COS_C = (1.0, -1 / 2, 1 / 24, -1 / 720, 1 / 40320, -1 / 3628800, 1 / 479001600)


def _horner(t2, coeffs):
    acc = jnp.full((B,), coeffs[-1], dtype=jnp.float32)
    for c in coeffs[-2::-1]:
        acc = acc * t2 + jnp.float32(c)
    return acc


def _sincos_halfangle(x):
    t = x * jnp.float32(0.5)
    t2 = t * t
    s = t * _horner(t2, _SIN_C)
    c = _horner(t2, _COS_C)
    return jnp.float32(2) * s * c, jnp.float32(1) - jnp.float32(2) * s * s


def _sincos_direct(x):
    t2 = x * x
    return x * _horner(t2, _SIN_C), _horner(t2, _COS_C)


def _rsqrt(y):
    i = plsc.bitcast(y, jnp.int32)
    i = jnp.int32(0x5F3759DF) - lax.shift_right_logical(i, 1)
    g = plsc.bitcast(i, jnp.float32)
    for _ in range(2):
        g = g * (jnp.float32(1.5) - jnp.float32(0.5) * y * g * g)
    return g


@functools.partial(
    pl.kernel,
    out_type=jax.ShapeDtypeStruct((B * ROWS * 3,), jnp.float32),
    mesh=plsc.VectorSubcoreMesh(
        core_axis_name="c", subcore_axis_name="s", num_cores=1, num_subcores=1
    ),
    compiler_params=pltpu.CompilerParams(
        needs_layout_passes=False,
    ),
    scratch_types=[
        pltpu.VMEM((B * MC * 2,), jnp.float32),
        pltpu.VMEM((B,), jnp.int32),
        pltpu.VMEM((B,), jnp.float32),
        pltpu.VMEM((B * ROWS * 3,), jnp.float32),
        pltpu.SemaphoreType.DMA,
    ],
)
def _render_loss_sc(
    gt_hbm, nums_hbm, ratio_hbm, out_hbm, gt_v, nums_v, ratio_v, out_v, sem
):
    sid = lax.axis_index("s")

    @pl.when(sid == 0)
    def _():
        c1 = pltpu.make_async_copy(gt_hbm, gt_v, sem)
        c2 = pltpu.make_async_copy(nums_hbm, nums_v, sem)
        c3 = pltpu.make_async_copy(ratio_hbm, ratio_v, sem)
        c1.start()
        c2.start()
        c3.start()
        c1.wait()
        c2.wait()
        c3.wait()
        nums = nums_v[...]
        ratio = ratio_v[...]
        lanes = lax.iota(jnp.int32, B)
        neg_h = jnp.float32(-CAMERA_HEIGHT) * ratio

        base = lanes * (MC * 2)
        X = []
        Z = []
        for j in range(MC):
            lon = plsc.load_gather(gt_v, [base + (2 * j)])
            lat = plsc.load_gather(gt_v, [base + (2 * j + 1)])
            sl, cl = _sincos_halfangle(lon)
            st, ct = _sincos_direct(lat)
            s = neg_h / st
            X.append(ct * sl * s)
            Z.append(ct * cl * s)

        NX = []
        NZ = []
        for j in range(MC):
            if j + 1 < MC:
                has_next = (j + 1) < nums
                xn = jnp.where(has_next, X[j + 1], X[0])
                zn = jnp.where(has_next, Z[j + 1], Z[0])
            else:
                xn = X[0]
                zn = Z[0]
            dx = xn - X[j]
            dz = zn - Z[j]
            inv = _rsqrt(dx * dx + dz * dz)
            NX.append(-dz * inv)
            NZ.append(dx * inv)

        zero = jnp.zeros((B,), jnp.float32)
        outbase = lanes * (ROWS * 3)
        for k in range(ROWS):
            closing = k == nums
            if k < MC:
                in_poly = k < nums
                rx = jnp.where(in_poly, NX[k], jnp.where(closing, NX[0], zero))
                rz = jnp.where(in_poly, NZ[k], jnp.where(closing, NZ[0], zero))
            else:
                rx = jnp.where(closing, NX[0], zero)
                rz = jnp.where(closing, NZ[0], zero)
            plsc.store_scatter(out_v, [outbase + 3 * k], rx)
            plsc.store_scatter(out_v, [outbase + 3 * k + 1], zero)
            plsc.store_scatter(out_v, [outbase + 3 * k + 2], rz)
        pltpu.sync_copy(out_v, out_hbm)


def kernel(GT_up, corner_nums, up_down_ratio):
    gt = GT_up.astype(jnp.float32).reshape(B * MC * 2)
    nums = corner_nums.astype(jnp.int32)
    ratio = up_down_ratio.astype(jnp.float32)
    out = _render_loss_sc(gt, nums, ratio)
    return out.reshape(B, ROWS, 3)

# --- scband reference (transcript-rebuilt; emitter-appended) ---
"""Pipeline reference for scband-render-loss-28733331210359 (READ-ONLY COPY).

The authoritative reference and input builder live on the scoring server;
editing this copy changes nothing except your own understanding.
"""

import jax, jax.numpy as jnp
import numpy as np

B = 16
MAX_CORNERS = 12
CAMERA_HEIGHT = 1.6


def lonlat2xyz(lonlat):
    lon = lonlat[..., 0]
    lat = lonlat[..., 1]
    x = jnp.cos(lat) * jnp.sin(lon)
    y = jnp.sin(lat)
    z = jnp.cos(lat) * jnp.cos(lon)
    return jnp.stack([x, y, z], axis=-1)


def setup_inputs(seed: int = 0) -> dict:
    key = jax.random.key(seed)
    k1, k2, k3, k4 = jax.random.split(key, 4)
    # lon uniformly around the circle, lat strictly negative (ceiling/'up' corners)
    lon = jax.random.uniform(k1, (B, MAX_CORNERS, 1), minval=-np.pi, maxval=np.pi)
    lat = jax.random.uniform(k2, (B, MAX_CORNERS, 1), minval=-1.4, maxval=-0.2)
    GT_up = jnp.concatenate([lon, lat], axis=-1).astype(jnp.float32)
    corner_nums = jax.random.randint(k3, (B,), 4, MAX_CORNERS + 1, dtype=jnp.int64 if jax.config.jax_enable_x64 else jnp.int32)
    up_down_ratio = jax.random.uniform(k4, (B,), minval=0.5, maxval=2.0).astype(jnp.float32)
    return {"GT_up": GT_up, "corner_nums": corner_nums, "up_down_ratio": up_down_ratio}


def reference(GT_up, corner_nums, up_down_ratio):
    # RenderLoss.forward -> lonlat2xyz_up then Corner2Depth.forward_origin (default mode)
    xyz = lonlat2xyz(GT_up)
    s = -(CAMERA_HEIGHT * up_down_ratio[..., None, None]) / xyz[..., 1:2]
    xyz = xyz * s
    nums = corner_nums[:, None]  # [B, 1], traced
    j = jnp.arange(MAX_CORNERS)[None, :]  # [1, MAX_CORNERS]
    # closed polygon: successor of vertex j is j+1, wrapping to 0 at index num-1
    nxt = jnp.where(j + 1 < nums, j + 1, 0)  # [B, MAX_CORNERS]
    c_next = jnp.take_along_axis(xyz, nxt[..., None], axis=1)  # [B, MAX_CORNERS, 3]
    diff = c_next - xyz  # [B, MAX_CORNERS, 3]
    # cross(diff, y_axis) with y_axis=(0,1,0): (-dz, 0, dx)
    cross = jnp.stack([-diff[..., 2], jnp.zeros_like(diff[..., 0]), diff[..., 0]], axis=-1)
    norm = jnp.linalg.norm(cross, ord=2, axis=-1, keepdims=True)
    valid = (j < nums)[..., None]  # [B, MAX_CORNERS, 1]
    cross = cross / jnp.where(valid, norm, jnp.ones_like(norm))
    normal = cross  # planes[:, :3]
    # rows 0..num-1 -> normal[k]; row num -> normal[0]; rows > num -> 0
    k = jnp.arange(MAX_CORNERS + 1)[None, :]  # [1, 13]
    src = jnp.where(k < nums, jnp.minimum(k, MAX_CORNERS - 1), 0)  # [B, 13]
    rows = jnp.take_along_axis(normal, src[..., None], axis=1)  # [B, 13, 3]
    keep = (k <= nums)[..., None]  # [B, 13, 1]
    normal_maps = jnp.where(keep, rows, jnp.zeros((), dtype=xyz.dtype))
    return normal_maps  # [B, 13, 3]

if __name__ == "__main__":
    import jax
    _d = setup_inputs()
    print(jax.jit(kernel)(*tuple(_d.values())))

</pallas_src>

<mosaic_0001>
#map = affine_map<(d0, d1) -> (0)>
module attributes {stable_mosaic.version = 14 : i64} {
  func.func @_render_loss_sc(%arg0: i32, %arg1: i32, %arg2: memref<384xf32, #tpu.memory_space<hbm>>, %arg3: memref<16xi32, #tpu.memory_space<hbm>>, %arg4: memref<16xf32, #tpu.memory_space<hbm>>, %arg5: memref<624xf32, #tpu.memory_space<hbm>>, %arg6: memref<384xf32, #tpu.memory_space<vmem>>, %arg7: memref<16xi32, #tpu.memory_space<vmem>>, %arg8: memref<16xf32, #tpu.memory_space<vmem>>, %arg9: memref<624xf32, #tpu.memory_space<vmem>>, %arg10: memref<!tpu.dma_semaphore, #tpu.memory_space<semaphore_mem>>) attributes {dimension_semantics = [#tpu.dimension_semantics<core_parallel>, #tpu.dimension_semantics<subcore_parallel>], iteration_bounds = array<i64: 1, 1>, scalar_prefetch = 0 : i64, scratch_operands = 5 : i64, tpu.core_type = #tpu.core_type<sc_vector_subcore>, window_params = [{transform_indices = #map}, {transform_indices = #map}, {transform_indices = #map}, {transform_indices = #map}]} {
    %eq3A = arith.constant 0 : i32
    %eq3A_0 = arith.cmpi eq, %arg1, %eq3A : i32
    %convert_element_type3A = arith.extui %eq3A_0 : i1 to i32
    %cond3A = arith.constant 0 : i32
    %cond3A_1 = arith.cmpi ne, %convert_element_type3A, %cond3A : i32
    scf.if %cond3A_1 {
      tpu.enqueue_dma source(%arg2 : memref<384xf32, #tpu.memory_space<hbm>>) target(%arg6 : memref<384xf32, #tpu.memory_space<vmem>>) target_semaphore(%arg10 : memref<!tpu.dma_semaphore, #tpu.memory_space<semaphore_mem>>)
      tpu.enqueue_dma source(%arg3 : memref<16xi32, #tpu.memory_space<hbm>>) target(%arg7 : memref<16xi32, #tpu.memory_space<vmem>>) target_semaphore(%arg10 : memref<!tpu.dma_semaphore, #tpu.memory_space<semaphore_mem>>)
      tpu.enqueue_dma source(%arg4 : memref<16xf32, #tpu.memory_space<hbm>>) target(%arg8 : memref<16xf32, #tpu.memory_space<vmem>>) target_semaphore(%arg10 : memref<!tpu.dma_semaphore, #tpu.memory_space<semaphore_mem>>)
      tpu.wait_dma2 semaphore(%arg10 : memref<!tpu.dma_semaphore, #tpu.memory_space<semaphore_mem>>) src(%arg2 : memref<384xf32, #tpu.memory_space<hbm>>) dst(%arg6 : memref<384xf32, #tpu.memory_space<vmem>>)
      tpu.wait_dma2 semaphore(%arg10 : memref<!tpu.dma_semaphore, #tpu.memory_space<semaphore_mem>>) src(%arg3 : memref<16xi32, #tpu.memory_space<hbm>>) dst(%arg7 : memref<16xi32, #tpu.memory_space<vmem>>)
      tpu.wait_dma2 semaphore(%arg10 : memref<!tpu.dma_semaphore, #tpu.memory_space<semaphore_mem>>) src(%arg4 : memref<16xf32, #tpu.memory_space<hbm>>) dst(%arg8 : memref<16xf32, #tpu.memory_space<vmem>>)
      %get3A = arith.constant 0 : index
      %get3A_2 = tpu.vector_load %arg7[%get3A] {strides = array<i32>} : memref<16xi32, #tpu.memory_space<vmem>>, vector<16xi32>,
      %get3A_3 = arith.constant 0 : index
      %get3A_4 = tpu.vector_load %arg8[%get3A_3] {strides = array<i32>} : memref<16xf32, #tpu.memory_space<vmem>>, vector<16xf32>,
      %iota3A = tpu.iota {dimensions = array<i32: 0>} : vector<16xi32>
      %mul3A = arith.constant -1.600000e+00 : f32
      %mul3A_5 = vector.broadcast %mul3A : f32 to vector<16xf32>
      %mul3A_6 = arith.mulf %mul3A_5, %get3A_4 : vector<16xf32>
      %mul3A_7 = arith.constant 24 : i32
      %mul3A_8 = vector.broadcast %mul3A_7 : i32 to vector<16xi32>
      %mul3A_9 = arith.muli %iota3A, %mul3A_8 : vector<16xi32>
      %add3A = arith.constant 0 : i32
      %add3A_10 = vector.broadcast %add3A : i32 to vector<16xi32>
      %add3A_11 = arith.addi %mul3A_9, %add3A_10 : vector<16xi32>
      %gather3A = tpu.vector_load_idx %arg6[%add3A_11] : memref<384xf32, #tpu.memory_space<vmem>>[vector<16xi32>], vector<16xf32>,
      %add3A_12 = arith.constant 1 : i32
      %add3A_13 = vector.broadcast %add3A_12 : i32 to vector<16xi32>
      %add3A_14 = arith.addi %mul3A_9, %add3A_13 : vector<16xi32>
      %gather3A_15 = tpu.vector_load_idx %arg6[%add3A_14] : memref<384xf32, #tpu.memory_space<vmem>>[vector<16xi32>], vector<16xf32>,
      %mul3A_16 = arith.constant 5.000000e-01 : f32
      %mul3A_17 = vector.broadcast %mul3A_16 : f32 to vector<16xf32>
      %mul3A_18 = arith.mulf %gather3A, %mul3A_17 : vector<16xf32>
      %mul3A_19 = arith.mulf %mul3A_18, %mul3A_18 : vector<16xf32>
      %broadcast_in_dim3A = arith.constant 1.60590444E-10 : f32
      %broadcast_in_dim3A_20 = vector.broadcast %broadcast_in_dim3A : f32 to vector<16xf32>
      %mul3A_21 = arith.mulf %broadcast_in_dim3A_20, %mul3A_19 : vector<16xf32>
      %add3A_22 = arith.constant -2.50521079E-8 : f32
      %add3A_23 = vector.broadcast %add3A_22 : f32 to vector<16xf32>
      %add3A_24 = arith.addf %mul3A_21, %add3A_23 : vector<16xf32>
      %mul3A_25 = arith.mulf %add3A_24, %mul3A_19 : vector<16xf32>
      %add3A_26 = arith.constant 2.75573188E-6 : f32
      %add3A_27 = vector.broadcast %add3A_26 : f32 to vector<16xf32>
      %add3A_28 = arith.addf %mul3A_25, %add3A_27 : vector<16xf32>
      %mul3A_29 = arith.mulf %add3A_28, %mul3A_19 : vector<16xf32>
      %add3A_30 = arith.constant -1.98412701E-4 : f32
      %add3A_31 = vector.broadcast %add3A_30 : f32 to vector<16xf32>
      %add3A_32 = arith.addf %mul3A_29, %add3A_31 : vector<16xf32>
      %mul3A_33 = arith.mulf %add3A_32, %mul3A_19 : vector<16xf32>
      %add3A_34 = arith.constant 0.00833333377 : f32
      %add3A_35 = vector.broadcast %add3A_34 : f32 to vector<16xf32>
      %add3A_36 = arith.addf %mul3A_33, %add3A_35 : vector<16xf32>
      %mul3A_37 = arith.mulf %add3A_36, %mul3A_19 : vector<16xf32>
      %add3A_38 = arith.constant -0.166666672 : f32
      %add3A_39 = vector.broadcast %add3A_38 : f32 to vector<16xf32>
      %add3A_40 = arith.addf %mul3A_37, %add3A_39 : vector<16xf32>
      %mul3A_41 = arith.mulf %add3A_40, %mul3A_19 : vector<16xf32>
      %add3A_42 = arith.constant 1.000000e+00 : f32
      %add3A_43 = vector.broadcast %add3A_42 : f32 to vector<16xf32>
      %add3A_44 = arith.addf %mul3A_41, %add3A_43 : vector<16xf32>
      %mul3A_45 = arith.mulf %mul3A_18, %add3A_44 : vector<16xf32>
      %broadcast_in_dim3A_46 = arith.constant 2.08767559E-9 : f32
      %broadcast_in_dim3A_47 = vector.broadcast %broadcast_in_dim3A_46 : f32 to vector<16xf32>
      %mul3A_48 = arith.mulf %broadcast_in_dim3A_47, %mul3A_19 : vector<16xf32>
      %add3A_49 = arith.constant -2.755732E-7 : f32
      %add3A_50 = vector.broadcast %add3A_49 : f32 to vector<16xf32>
      %add3A_51 = arith.addf %mul3A_48, %add3A_50 : vector<16xf32>
      %mul3A_52 = arith.mulf %add3A_51, %mul3A_19 : vector<16xf32>
      %add3A_53 = arith.constant 2.48015876E-5 : f32
      %add3A_54 = vector.broadcast %add3A_53 : f32 to vector<16xf32>
      %add3A_55 = arith.addf %mul3A_52, %add3A_54 : vector<16xf32>
      %mul3A_56 = arith.mulf %add3A_55, %mul3A_19 : vector<16xf32>
      %add3A_57 = arith.constant -0.00138888892 : f32
      %add3A_58 = vector.broadcast %add3A_57 : f32 to vector<16xf32>
      %add3A_59 = arith.addf %mul3A_56, %add3A_58 : vector<16xf32>
      %mul3A_60 = arith.mulf %add3A_59, %mul3A_19 : vector<16xf32>
      %add3A_61 = arith.constant 0.0416666679 : f32
      %add3A_62 = vector.broadcast %add3A_61 : f32 to vector<16xf32>
      %add3A_63 = arith.addf %mul3A_60, %add3A_62 : vector<16xf32>
      %mul3A_64 = arith.mulf %add3A_63, %mul3A_19 : vector<16xf32>
      %add3A_65 = arith.constant -5.000000e-01 : f32
      %add3A_66 = vector.broadcast %add3A_65 : f32 to vector<16xf32>
      %add3A_67 = arith.addf %mul3A_64, %add3A_66 : vector<16xf32>
      %mul3A_68 = arith.mulf %add3A_67, %mul3A_19 : vector<16xf32>
      %add3A_69 = arith.constant 1.000000e+00 : f32
      %add3A_70 = vector.broadcast %add3A_69 : f32 to vector<16xf32>
      %add3A_71 = arith.addf %mul3A_68, %add3A_70 : vector<16xf32>
      %mul3A_72 = arith.constant 2.000000e+00 : f32
      %mul3A_73 = vector.broadcast %mul3A_72 : f32 to vector<16xf32>
      %mul3A_74 = arith.mulf %mul3A_73, %mul3A_45 : vector<16xf32>
      %mul3A_75 = arith.mulf %mul3A_74, %add3A_71 : vector<16xf32>
      %mul3A_76 = arith.constant 2.000000e+00 : f32
      %mul3A_77 = vector.broadcast %mul3A_76 : f32 to vector<16xf32>
      %mul3A_78 = arith.mulf %mul3A_77, %mul3A_45 : vector<16xf32>
      %mul3A_79 = arith.mulf %mul3A_78, %mul3A_45 : vector<16xf32>
      %sub3A = arith.constant 1.000000e+00 : f32
      %sub3A_80 = vector.broadcast %sub3A : f32 to vector<16xf32>
      %sub3A_81 = arith.subf %sub3A_80, %mul3A_79 : vector<16xf32>
      %mul3A_82 = arith.mulf %gather3A_15, %gather3A_15 : vector<16xf32>
      %broadcast_in_dim3A_83 = arith.constant 1.60590444E-10 : f32
      %broadcast_in_dim3A_84 = vector.broadcast %broadcast_in_dim3A_83 : f32 to vector<16xf32>
      %mul3A_85 = arith.mulf %broadcast_in_dim3A_84, %mul3A_82 : vector<16xf32>
      %add3A_86 = arith.constant -2.50521079E-8 : f32
      %add3A_87 = vector.broadcast %add3A_86 : f32 to vector<16xf32>
      %add3A_88 = arith.addf %mul3A_85, %add3A_87 : vector<16xf32>
      %mul3A_89 = arith.mulf %add3A_88, %mul3A_82 : vector<16xf32>
      %add3A_90 = arith.constant 2.75573188E-6 : f32
      %add3A_91 = vector.broadcast %add3A_90 : f32 to vector<16xf32>
      %add3A_92 = arith.addf %mul3A_89, %add3A_91 : vector<16xf32>
      %mul3A_93 = arith.mulf %add3A_92, %mul3A_82 : vector<16xf32>
      %add3A_94 = arith.constant -1.98412701E-4 : f32
      %add3A_95 = vector.broadcast %add3A_94 : f32 to vector<16xf32>
      %add3A_96 = arith.addf %mul3A_93, %add3A_95 : vector<16xf32>
      %mul3A_97 = arith.mulf %add3A_96, %mul3A_82 : vector<16xf32>
      %add3A_98 = arith.constant 0.00833333377 : f32
      %add3A_99 = vector.broadcast %add3A_98 : f32 to vector<16xf32>
      %add3A_100 = arith.addf %mul3A_97, %add3A_99 : vector<16xf32>
      %mul3A_101 = arith.mulf %add3A_100, %mul3A_82 : vector<16xf32>
      %add3A_102 = arith.constant -0.166666672 : f32
      %add3A_103 = vector.broadcast %add3A_102 : f32 to vector<16xf32>
      %add3A_104 = arith.addf %mul3A_101, %add3A_103 : vector<16xf32>
      %mul3A_105 = arith.mulf %add3A_104, %mul3A_82 : vector<16xf32>
      %add3A_106 = arith.constant 1.000000e+00 : f32
      %add3A_107 = vector.broadcast %add3A_106 : f32 to vector<16xf32>
      %add3A_108 = arith.addf %mul3A_105, %add3A_107 : vector<16xf32>
      %mul3A_109 = arith.mulf %gather3A_15, %add3A_108 : vector<16xf32>
      %broadcast_in_dim3A_110 = arith.constant 2.08767559E-9 : f32
      %broadcast_in_dim3A_111 = vector.broadcast %broadcast_in_dim3A_110 : f32 to vector<16xf32>
      %mul3A_112 = arith.mulf %broadcast_in_dim3A_111, %mul3A_82 : vector<16xf32>
      %add3A_113 = arith.constant -2.755732E-7 : f32
      %add3A_114 = vector.broadcast %add3A_113 : f32 to vector<16xf32>
      %add3A_115 = arith.addf %mul3A_112, %add3A_114 : vector<16xf32>
      %mul3A_116 = arith.mulf %add3A_115, %mul3A_82 : vector<16xf32>
      %add3A_117 = arith.constant 2.48015876E-5 : f32
      %add3A_118 = vector.broadcast %add3A_117 : f32 to vector<16xf32>
      %add3A_119 = arith.addf %mul3A_116, %add3A_118 : vector<16xf32>
      %mul3A_120 = arith.mulf %add3A_119, %mul3A_82 : vector<16xf32>
      %add3A_121 = arith.constant -0.00138888892 : f32
      %add3A_122 = vector.broadcast %add3A_121 : f32 to vector<16xf32>
      %add3A_123 = arith.addf %mul3A_120, %add3A_122 : vector<16xf32>
      %mul3A_124 = arith.mulf %add3A_123, %mul3A_82 : vector<16xf32>
      %add3A_125 = arith.constant 0.0416666679 : f32
      %add3A_126 = vector.broadcast %add3A_125 : f32 to vector<16xf32>
      %add3A_127 = arith.addf %mul3A_124, %add3A_126 : vector<16xf32>
      %mul3A_128 = arith.mulf %add3A_127, %mul3A_82 : vector<16xf32>
      %add3A_129 = arith.constant -5.000000e-01 : f32
      %add3A_130 = vector.broadcast %add3A_129 : f32 to vector<16xf32>
      %add3A_131 = arith.addf %mul3A_128, %add3A_130 : vector<16xf32>
      %mul3A_132 = arith.mulf %add3A_131, %mul3A_82 : vector<16xf32>
      %add3A_133 = arith.constant 1.000000e+00 : f32
      %add3A_134 = vector.broadcast %add3A_133 : f32 to vector<16xf32>
      %add3A_135 = arith.addf %mul3A_132, %add3A_134 : vector<16xf32>
      %div3A = arith.divf %mul3A_6, %mul3A_109 : vector<16xf32>
      %mul3A_136 = arith.mulf %add3A_135, %mul3A_75 : vector<16xf32>
      %mul3A_137 = arith.mulf %mul3A_136, %div3A : vector<16xf32>
      %mul3A_138 = arith.mulf %add3A_135, %sub3A_81 : vector<16xf32>
      %mul3A_139 = arith.mulf %mul3A_138, %div3A : vector<16xf32>
      %add3A_140 = arith.constant 2 : i32
      %add3A_141 = vector.broadcast %add3A_140 : i32 to vector<16xi32>
      %add3A_142 = arith.addi %mul3A_9, %add3A_141 : vector<16xi32>
      %gather3A_143 = tpu.vector_load_idx %arg6[%add3A_142] : memref<384xf32, #tpu.memory_space<vmem>>[vector<16xi32>], vector<16xf32>,
      %add3A_144 = arith.constant 3 : i32
      %add3A_145 = vector.broadcast %add3A_144 : i32 to vector<16xi32>
      %add3A_146 = arith.addi %mul3A_9, %add3A_145 : vector<16xi32>
      %gather3A_147 = tpu.vector_load_idx %arg6[%add3A_146] : memref<384xf32, #tpu.memory_space<vmem>>[vector<16xi32>], vector<16xf32>,
      %mul3A_148 = arith.constant 5.000000e-01 : f32
      %mul3A_149 = vector.broadcast %mul3A_148 : f32 to vector<16xf32>
      %mul3A_150 = arith.mulf %gather3A_143, %mul3A_149 : vector<16xf32>
      %mul3A_151 = arith.mulf %mul3A_150, %mul3A_150 : vector<16xf32>
      %broadcast_in_dim3A_152 = arith.constant 1.60590444E-10 : f32
      %broadcast_in_dim3A_153 = vector.broadcast %broadcast_in_dim3A_152 : f32 to vector<16xf32>
      %mul3A_154 = arith.mulf %broadcast_in_dim3A_153, %mul3A_151 : vector<16xf32>
      %add3A_155 = arith.constant -2.50521079E-8 : f32
      %add3A_156 = vector.broadcast %add3A_155 : f32 to vector<16xf32>
      %add3A_157 = arith.addf %mul3A_154, %add3A_156 : vector<16xf32>
      %mul3A_158 = arith.mulf %add3A_157, %mul3A_151 : vector<16xf32>
      %add3A_159 = arith.constant 2.75573188E-6 : f32
      %add3A_160 = vector.broadcast %add3A_159 : f32 to vector<16xf32>
      %add3A_161 = arith.addf %mul3A_158, %add3A_160 : vector<16xf32>
      %mul3A_162 = arith.mulf %add3A_161, %mul3A_151 : vector<16xf32>
      %add3A_163 = arith.constant -1.98412701E-4 : f32
      %add3A_164 = vector.broadcast %add3A_163 : f32 to vector<16xf32>
      %add3A_165 = arith.addf %mul3A_162, %add3A_164 : vector<16xf32>
      %mul3A_166 = arith.mulf %add3A_165, %mul3A_151 : vector<16xf32>
      %add3A_167 = arith.constant 0.00833333377 : f32
      %add3A_168 = vector.broadcast %add3A_167 : f32 to vector<16xf32>
      %add3A_169 = arith.addf %mul3A_166, %add3A_168 : vector<16xf32>
      %mul3A_170 = arith.mulf %add3A_169, %mul3A_151 : vector<16xf32>
      %add3A_171 = arith.constant -0.166666672 : f32
      %add3A_172 = vector.broadcast %add3A_171 : f32 to vector<16xf32>
      %add3A_173 = arith.addf %mul3A_170, %add3A_172 : vector<16xf32>
      %mul3A_174 = arith.mulf %add3A_173, %mul3A_151 : vector<16xf32>
      %add3A_175 = arith.constant 1.000000e+00 : f32
      %add3A_176 = vector.broadcast %add3A_175 : f32 to vector<16xf32>
      %add3A_177 = arith.addf %mul3A_174, %add3A_176 : vector<16xf32>
      %mul3A_178 = arith.mulf %mul3A_150, %add3A_177 : vector<16xf32>
      %broadcast_in_dim3A_179 = arith.constant 2.08767559E-9 : f32
      %broadcast_in_dim3A_180 = vector.broadcast %broadcast_in_dim3A_179 : f32 to vector<16xf32>
      %mul3A_181 = arith.mulf %broadcast_in_dim3A_180, %mul3A_151 : vector<16xf32>
      %add3A_182 = arith.constant -2.755732E-7 : f32
      %add3A_183 = vector.broadcast %add3A_182 : f32 to vector<16xf32>
      %add3A_184 = arith.addf %mul3A_181, %add3A_183 : vector<16xf32>
      %mul3A_185 = arith.mulf %add3A_184, %mul3A_151 : vector<16xf32>
      %add3A_186 = arith.constant 2.48015876E-5 : f32
      %add3A_187 = vector.broadcast %add3A_186 : f32 to vector<16xf32>
      %add3A_188 = arith.addf %mul3A_185, %add3A_187 : vector<16xf32>
      %mul3A_189 = arith.mulf %add3A_188, %mul3A_151 : vector<16xf32>
      %add3A_190 = arith.constant -0.00138888892 : f32
      %add3A_191 = vector.broadcast %add3A_190 : f32 to vector<16xf32>
      %add3A_192 = arith.addf %mul3A_189, %add3A_191 : vector<16xf32>
      %mul3A_193 = arith.mulf %add3A_192, %mul3A_151 : vector<16xf32>
      %add3A_194 = arith.constant 0.0416666679 : f32
      %add3A_195 = vector.broadcast %add3A_194 : f32 to vector<16xf32>
      %add3A_196 = arith.addf %mul3A_193, %add3A_195 : vector<16xf32>
      %mul3A_197 = arith.mulf %add3A_196, %mul3A_151 : vector<16xf32>
      %add3A_198 = arith.constant -5.000000e-01 : f32
      %add3A_199 = vector.broadcast %add3A_198 : f32 to vector<16xf32>
      %add3A_200 = arith.addf %mul3A_197, %add3A_199 : vector<16xf32>
      %mul3A_201 = arith.mulf %add3A_200, %mul3A_151 : vector<16xf32>
      %add3A_202 = arith.constant 1.000000e+00 : f32
      %add3A_203 = vector.broadcast %add3A_202 : f32 to vector<16xf32>
      %add3A_204 = arith.addf %mul3A_201, %add3A_203 : vector<16xf32>
      %mul3A_205 = arith.constant 2.000000e+00 : f32
      %mul3A_206 = vector.broadcast %mul3A_205 : f32 to vector<16xf32>
      %mul3A_207 = arith.mulf %mul3A_206, %mul3A_178 : vector<16xf32>
      %mul3A_208 = arith.mulf %mul3A_207, %add3A_204 : vector<16xf32>
      %mul3A_209 = arith.constant 2.000000e+00 : f32
      %mul3A_210 = vector.broadcast %mul3A_209 : f32 to vector<16xf32>
      %mul3A_211 = arith.mulf %mul3A_210, %mul3A_178 : vector<16xf32>
      %mul3A_212 = arith.mulf %mul3A_211, %mul3A_178 : vector<16xf32>
      %sub3A_213 = arith.constant 1.000000e+00 : f32
      %sub3A_214 = vector.broadcast %sub3A_213 : f32 to vector<16xf32>
      %sub3A_215 = arith.subf %sub3A_214, %mul3A_212 : vector<16xf32>
      %mul3A_216 = arith.mulf %gather3A_147, %gather3A_147 : vector<16xf32>
      %broadcast_in_dim3A_217 = arith.constant 1.60590444E-10 : f32
      %broadcast_in_dim3A_218 = vector.broadcast %broadcast_in_dim3A_217 : f32 to vector<16xf32>
      %mul3A_219 = arith.mulf %broadcast_in_dim3A_218, %mul3A_216 : vector<16xf32>
      %add3A_220 = arith.constant -2.50521079E-8 : f32
      %add3A_221 = vector.broadcast %add3A_220 : f32 to vector<16xf32>
      %add3A_222 = arith.addf %mul3A_219, %add3A_221 : vector<16xf32>
      %mul3A_223 = arith.mulf %add3A_222, %mul3A_216 : vector<16xf32>
      %add3A_224 = arith.constant 2.75573188E-6 : f32
      %add3A_225 = vector.broadcast %add3A_224 : f32 to vector<16xf32>
      %add3A_226 = arith.addf %mul3A_223, %add3A_225 : vector<16xf32>
      %mul3A_227 = arith.mulf %add3A_226, %mul3A_216 : vector<16xf32>
      %add3A_228 = arith.constant -1.98412701E-4 : f32
      %add3A_229 = vector.broadcast %add3A_228 : f32 to vector<16xf32>
      %add3A_230 = arith.addf %mul3A_227, %add3A_229 : vector<16xf32>
      %mul3A_231 = arith.mulf %add3A_230, %mul3A_216 : vector<16xf32>
      %add3A_232 = arith.constant 0.00833333377 : f32
      %add3A_233 = vector.broadcast %add3A_232 : f32 to vector<16xf32>
      %add3A_234 = arith.addf %mul3A_231, %add3A_233 : vector<16xf32>
      %mul3A_235 = arith.mulf %add3A_234, %mul3A_216 : vector<16xf32>
      %add3A_236 = arith.constant -0.166666672 : f32
      %add3A_237 = vector.broadcast %add3A_236 : f32 to vector<16xf32>
      %add3A_238 = arith.addf %mul3A_235, %add3A_237 : vector<16xf32>
      %mul3A_239 = arith.mulf %add3A_238, %mul3A_216 : vector<16xf32>
      %add3A_240 = arith.constant 1.000000e+00 : f32
      %add3A_241 = vector.broadcast %add3A_240 : f32 to vector<16xf32>
      %add3A_242 = arith.addf %mul3A_239, %add3A_241 : vector<16xf32>
      %mul3A_243 = arith.mulf %gather3A_147, %add3A_242 : vector<16xf32>
      %broadcast_in_dim3A_244 = arith.constant 2.08767559E-9 : f32
      %broadcast_in_dim3A_245 = vector.broadcast %broadcast_in_dim3A_244 : f32 to vector<16xf32>
      %mul3A_246 = arith.mulf %broadcast_in_dim3A_245, %mul3A_216 : vector<16xf32>
      %add3A_247 = arith.constant -2.755732E-7 : f32
      %add3A_248 = vector.broadcast %add3A_247 : f32 to vector<16xf32>
      %add3A_249 = arith.addf %mul3A_246, %add3A_248 : vector<16xf32>
      %mul3A_250 = arith.mulf %add3A_249, %mul3A_216 : vector<16xf32>
      %add3A_251 = arith.constant 2.48015876E-5 : f32
      %add3A_252 = vector.broadcast %add3A_251 : f32 to vector<16xf32>
      %add3A_253 = arith.addf %mul3A_250, %add3A_252 : vector<16xf32>
      %mul3A_254 = arith.mulf %add3A_253, %mul3A_216 : vector<16xf32>
      %add3A_255 = arith.constant -0.00138888892 : f32
      %add3A_256 = vector.broadcast %add3A_255 : f32 to vector<16xf32>
      %add3A_257 = arith.addf %mul3A_254, %add3A_256 : vector<16xf32>
      %mul3A_258 = arith.mulf %add3A_257, %mul3A_216 : vector<16xf32>
      %add3A_259 = arith.constant 0.0416666679 : f32
      %add3A_260 = vector.broadcast %add3A_259 : f32 to vector<16xf32>
      %add3A_261 = arith.addf %mul3A_258, %add3A_260 : vector<16xf32>
      %mul3A_262 = arith.mulf %add3A_261, %mul3A_216 : vector<16xf32>
      %add3A_263 = arith.constant -5.000000e-01 : f32
      %add3A_264 = vector.broadcast %add3A_263 : f32 to vector<16xf32>
      %add3A_265 = arith.addf %mul3A_262, %add3A_264 : vector<16xf32>
      %mul3A_266 = arith.mulf %add3A_265, %mul3A_216 : vector<16xf32>
      %add3A_267 = arith.constant 1.000000e+00 : f32
      %add3A_268 = vector.broadcast %add3A_267 : f32 to vector<16xf32>
      %add3A_269 = arith.addf %mul3A_266, %add3A_268 : vector<16xf32>
      %div3A_270 = arith.divf %mul3A_6, %mul3A_243 : vector<16xf32>
      %mul3A_271 = arith.mulf %add3A_269, %mul3A_208 : vector<16xf32>
      %mul3A_272 = arith.mulf %mul3A_271, %div3A_270 : vector<16xf32>
      %mul3A_273 = arith.mulf %add3A_269, %sub3A_215 : vector<16xf32>
      %mul3A_274 = arith.mulf %mul3A_273, %div3A_270 : vector<16xf32>
      %add3A_275 = arith.constant 4 : i32
      %add3A_276 = vector.broadcast %add3A_275 : i32 to vector<16xi32>
      %add3A_277 = arith.addi %mul3A_9, %add3A_276 : vector<16xi32>
      %gather3A_278 = tpu.vector_load_idx %arg6[%add3A_277] : memref<384xf32, #tpu.memory_space<vmem>>[vector<16xi32>], vector<16xf32>,
      %add3A_279 = arith.constant 5 : i32
      %add3A_280 = vector.broadcast %add3A_279 : i32 to vector<16xi32>
      %add3A_281 = arith.addi %mul3A_9, %add3A_280 : vector<16xi32>
      %gather3A_282 = tpu.vector_load_idx %arg6[%add3A_281] : memref<384xf32, #tpu.memory_space<vmem>>[vector<16xi32>], vector<16xf32>,
      %mul3A_283 = arith.constant 5.000000e-01 : f32
      %mul3A_284 = vector.broadcast %mul3A_283 : f32 to vector<16xf32>
      %mul3A_285 = arith.mulf %gather3A_278, %mul3A_284 : vector<16xf32>
      %mul3A_286 = arith.mulf %mul3A_285, %mul3A_285 : vector<16xf32>
      %broadcast_in_dim3A_287 = arith.constant 1.60590444E-10 : f32
      %broadcast_in_dim3A_288 = vector.broadcast %broadcast_in_dim3A_287 : f32 to vector<16xf32>
      %mul3A_289 = arith.mulf %broadcast_in_dim3A_288, %mul3A_286 : vector<16xf32>
      %add3A_290 = arith.constant -2.50521079E-8 : f32
      %add3A_291 = vector.broadcast %add3A_290 : f32 to vector<16xf32>
      %add3A_292 = arith.addf %mul3A_289, %add3A_291 : vector<16xf32>
      %mul3A_293 = arith.mulf %add3A_292, %mul3A_286 : vector<16xf32>
      %add3A_294 = arith.constant 2.75573188E-6 : f32
      %add3A_295 = vector.broadcast %add3A_294 : f32 to vector<16xf32>
      %add3A_296 = arith.addf %mul3A_293, %add3A_295 : vector<16xf32>
      %mul3A_297 = arith.mulf %add3A_296, %mul3A_286 : vector<16xf32>
      %add3A_298 = arith.constant -1.98412701E-4 : f32
      %add3A_299 = vector.broadcast %add3A_298 : f32 to vector<16xf32>
      %add3A_300 = arith.addf %mul3A_297, %add3A_299 : vector<16xf32>
      %mul3A_301 = arith.mulf %add3A_300, %mul3A_286 : vector<16xf32>
      %add3A_302 = arith.constant 0.00833333377 : f32
      %add3A_303 = vector.broadcast %add3A_302 : f32 to vector<16xf32>
      %add3A_304 = arith.addf %mul3A_301, %add3A_303 : vector<16xf32>
      %mul3A_305 = arith.mulf %add3A_304, %mul3A_286 : vector<16xf32>
      %add3A_306 = arith.constant -0.166666672 : f32
      %add3A_307 = vector.broadcast %add3A_306 : f32 to vector<16xf32>
      %add3A_308 = arith.addf %mul3A_305, %add3A_307 : vector<16xf32>
      %mul3A_309 = arith.mulf %add3A_308, %mul3A_286 : vector<16xf32>
      %add3A_310 = arith.constant 1.000000e+00 : f32
      %add3A_311 = vector.broadcast %add3A_310 : f32 to vector<16xf32>
      %add3A_312 = arith.addf %mul3A_309, %add3A_311 : vector<16xf32>
      %mul3A_313 = arith.mulf %mul3A_285, %add3A_312 : vector<16xf32>
      %broadcast_in_dim3A_314 = arith.constant 2.08767559E-9 : f32
      %broadcast_in_dim3A_315 = vector.broadcast %broadcast_in_dim3A_314 : f32 to vector<16xf32>
      %mul3A_316 = arith.mulf %broadcast_in_dim3A_315, %mul3A_286 : vector<16xf32>
      %add3A_317 = arith.constant -2.755732E-7 : f32
      %add3A_318 = vector.broadcast %add3A_317 : f32 to vector<16xf32>
      %add3A_319 = arith.addf %mul3A_316, %add3A_318 : vector<16xf32>
      %mul3A_320 = arith.mulf %add3A_319, %mul3A_286 : vector<16xf32>
      %add3A_321 = arith.constant 2.48015876E-5 : f32
      %add3A_322 = vector.broadcast %add3A_321 : f32 to vector<16xf32>
      %add3A_323 = arith.addf %mul3A_320, %add3A_322 : vector<16xf32>
      %mul3A_324 = arith.mulf %add3A_323, %mul3A_286 : vector<16xf32>
      %add3A_325 = arith.constant -0.00138888892 : f32
      %add3A_326 = vector.broadcast %add3A_325 : f32 to vector<16xf32>
      %add3A_327 = arith.addf %mul3A_324, %add3A_326 : vector<16xf32>
      %mul3A_328 = arith.mulf %add3A_327, %mul3A_286 : vector<16xf32>
      %add3A_329 = arith.constant 0.0416666679 : f32
      %add3A_330 = vector.broadcast %add3A_329 : f32 to vector<16xf32>
      %add3A_331 = arith.addf %mul3A_328, %add3A_330 : vector<16xf32>
      %mul3A_332 = arith.mulf %add3A_331, %mul3A_286 : vector<16xf32>
      %add3A_333 = arith.constant -5.000000e-01 : f32
      %add3A_334 = vector.broadcast %add3A_333 : f32 to vector<16xf32>
      %add3A_335 = arith.addf %mul3A_332, %add3A_334 : vector<16xf32>
      %mul3A_336 = arith.mulf %add3A_335, %mul3A_286 : vector<16xf32>
      %add3A_337 = arith.constant 1.000000e+00 : f32
      %add3A_338 = vector.broadcast %add3A_337 : f32 to vector<16xf32>
      %add3A_339 = arith.addf %mul3A_336, %add3A_338 : vector<16xf32>
      %mul3A_340 = arith.constant 2.000000e+00 : f32
      %mul3A_341 = vector.broadcast %mul3A_340 : f32 to vector<16xf32>
      %mul3A_342 = arith.mulf %mul3A_341, %mul3A_313 : vector<16xf32>
      %mul3A_343 = arith.mulf %mul3A_342, %add3A_339 : vector<16xf32>
      %mul3A_344 = arith.constant 2.000000e+00 : f32
      %mul3A_345 = vector.broadcast %mul3A_344 : f32 to vector<16xf32>
      %mul3A_346 = arith.mulf %mul3A_345, %mul3A_313 : vector<16xf32>
      %mul3A_347 = arith.mulf %mul3A_346, %mul3A_313 : vector<16xf32>
      %sub3A_348 = arith.constant 1.000000e+00 : f32
      %sub3A_349 = vector.broadcast %sub3A_348 : f32 to vector<16xf32>
      %sub3A_350 = arith.subf %sub3A_349, %mul3A_347 : vector<16xf32>
      %mul3A_351 = arith.mulf %gather3A_282, %gather3A_282 : vector<16xf32>
      %broadcast_in_dim3A_352 = arith.constant 1.60590444E-10 : f32
      %broadcast_in_dim3A_353 = vector.broadcast %broadcast_in_dim3A_352 : f32 to vector<16xf32>
      %mul3A_354 = arith.mulf %broadcast_in_dim3A_353, %mul3A_351 : vector<16xf32>
      %add3A_355 = arith.constant -2.50521079E-8 : f32
      %add3A_356 = vector.broadcast %add3A_355 : f32 to vector<16xf32>
      %add3A_357 = arith.addf %mul3A_354, %add3A_356 : vector<16xf32>
      %mul3A_358 = arith.mulf %add3A_357, %mul3A_351 : vector<16xf32>
      %add3A_359 = arith.constant 2.75573188E-6 : f32
      %add3A_360 = vector.broadcast %add3A_359 : f32 to vector<16xf32>
      %add3A_361 = arith.addf %mul3A_358, %add3A_360 : vector<16xf32>
      %mul3A_362 = arith.mulf %add3A_361, %mul3A_351 : vector<16xf32>
      %add3A_363 = arith.constant -1.98412701E-4 : f32
      %add3A_364 = vector.broadcast %add3A_363 : f32 to vector<16xf32>
      %add3A_365 = arith.addf %mul3A_362, %add3A_364 : vector<16xf32>
      %mul3A_366 = arith.mulf %add3A_365, %mul3A_351 : vector<16xf32>
      %add3A_367 = arith.constant 0.00833333377 : f32
      %add3A_368 = vector.broadcast %add3A_367 : f32 to vector<16xf32>
      %add3A_369 = arith.addf %mul3A_366, %add3A_368 : vector<16xf32>
      %mul3A_370 = arith.mulf %add3A_369, %mul3A_351 : vector<16xf32>
      %add3A_371 = arith.constant -0.166666672 : f32
      %add3A_372 = vector.broadcast %add3A_371 : f32 to vector<16xf32>
      %add3A_373 = arith.addf %mul3A_370, %add3A_372 : vector<16xf32>
      %mul3A_374 = arith.mulf %add3A_373, %mul3A_351 : vector<16xf32>
      %add3A_375 = arith.constant 1.000000e+00 : f32
      %add3A_376 = vector.broadcast %add3A_375 : f32 to vector<16xf32>
      %add3A_377 = arith.addf %mul3A_374, %add3A_376 : vector<16xf32>
      %mul3A_378 = arith.mulf %gather3A_282, %add3A_377 : vector<16xf32>
      %broadcast_in_dim3A_379 = arith.constant 2.08767559E-9 : f32
      %broadcast_in_dim3A_380 = vector.broadcast %broadcast_in_dim3A_379 : f32 to vector<16xf32>
      %mul3A_381 = arith.mulf %broadcast_in_dim3A_380, %mul3A_351 : vector<16xf32>
      %add3A_382 = arith.constant -2.755732E-7 : f32
      %add3A_383 = vector.broadcast %add3A_382 : f32 to vector<16xf32>
      %add3A_384 = arith.addf %mul3A_381, %add3A_383 : vector<16xf32>
      %mul3A_385 = arith.mulf %add3A_384, %mul3A_351 : vector<16xf32>
      %add3A_386 = arith.constant 2.48015876E-5 : f32
      %add3A_387 = vector.broadcast %add3A_386 : f32 to vector<16xf32>
      %add3A_388 = arith.addf %mul3A_385, %add3A_387 : vector<16xf32>
      %mul3A_389 = arith.mulf %add3A_388, %mul3A_351 : vector<16xf32>
      %add3A_390 = arith.constant -0.00138888892 : f32
      %add3A_391 = vector.broadcast %add3A_390 : f32 to vector<16xf32>
      %add3A_392 = arith.addf %mul3A_389, %add3A_391 : vector<16xf32>
      %mul3A_393 = arith.mulf %add3A_392, %mul3A_351 : vector<16xf32>
      %add3A_394 = arith.constant 0.0416666679 : f32
      %add3A_395 = vector.broadcast %add3A_394 : f32 to vector<16xf32>
      %add3A_396 = arith.addf %mul3A_393, %add3A_395 : vector<16xf32>
      %mul3A_397 = arith.mulf %add3A_396, %mul3A_351 : vector<16xf32>
      %add3A_398 = arith.constant -5.000000e-01 : f32
      %add3A_399 = vector.broadcast %add3A_398 : f32 to vector<16xf32>
      %add3A_400 = arith.addf %mul3A_397, %add3A_399 : vector<16xf32>
      %mul3A_401 = arith.mulf %add3A_400, %mul3A_351 : vector<16xf32>
      %add3A_402 = arith.constant 1.000000e+00 : f32
      %add3A_403 = vector.broadcast %add3A_402 : f32 to vector<16xf32>
      %add3A_404 = arith.addf %mul3A_401, %add3A_403 : vector<16xf32>
      %div3A_405 = arith.divf %mul3A_6, %mul3A_378 : vector<16xf32>
      %mul3A_406 = arith.mulf %add3A_404, %mul3A_343 : vector<16xf32>
      %mul3A_407 = arith.mulf %mul3A_406, %div3A_405 : vector<16xf32>
      %mul3A_408 = arith.mulf %add3A_404, %sub3A_350 : vector<16xf32>
      %mul3A_409 = arith.mulf %mul3A_408, %div3A_405 : vector<16xf32>
      %add3A_410 = arith.constant 6 : i32
      %add3A_411 = vector.broadcast %add3A_410 : i32 to vector<16xi32>
      %add3A_412 = arith.addi %mul3A_9, %add3A_411 : vector<16xi32>
      %gather3A_413 = tpu.vector_load_idx %arg6[%add3A_412] : memref<384xf32, #tpu.memory_space<vmem>>[vector<16xi32>], vector<16xf32>,
      %add3A_414 = arith.constant 7 : i32
      %add3A_415 = vector.broadcast %add3A_414 : i32 to vector<16xi32>
      %add3A_416 = arith.addi %mul3A_9, %add3A_415 : vector<16xi32>
      %gather3A_417 = tpu.vector_load_idx %arg6[%add3A_416] : memref<384xf32, #tpu.memory_space<vmem>>[vector<16xi32>], vector<16xf32>,
      %mul3A_418 = arith.constant 5.000000e-01 : f32
      %mul3A_419 = vector.broadcast %mul3A_418 : f32 to vector<16xf32>
      %mul3A_420 = arith.mulf %gather3A_413, %mul3A_419 : vector<16xf32>
      %mul3A_421 = arith.mulf %mul3A_420, %mul3A_420 : vector<16xf32>
      %broadcast_in_dim3A_422 = arith.constant 1.60590444E-10 : f32
      %broadcast_in_dim3A_423 = vector.broadcast %broadcast_in_dim3A_422 : f32 to vector<16xf32>
      %mul3A_424 = arith.mulf %broadcast_in_dim3A_423, %mul3A_421 : vector<16xf32>
      %add3A_425 = arith.constant -2.50521079E-8 : f32
      %add3A_426 = vector.broadcast %add3A_425 : f32 to vector<16xf32>
      %add3A_427 = arith.addf %mul3A_424, %add3A_426 : vector<16xf32>
      %mul3A_428 = arith.mulf %add3A_427, %mul3A_421 : vector<16xf32>
      %add3A_429 = arith.constant 2.75573188E-6 : f32
      %add3A_430 = vector.broadcast %add3A_429 : f32 to vector<16xf32>
      %add3A_431 = arith.addf %mul3A_428, %add3A_430 : vector<16xf32>
      %mul3A_432 = arith.mulf %add3A_431, %mul3A_421 : vector<16xf32>
      %add3A_433 = arith.constant -1.98412701E-4 : f32
      %add3A_434 = vector.broadcast %add3A_433 : f32 to vector<16xf32>
      %add3A_435 = arith.addf %mul3A_432, %add3A_434 : vector<16xf32>
      %mul3A_436 = arith.mulf %add3A_435, %mul3A_421 : vector<16xf32>
      %add3A_437 = arith.constant 0.00833333377 : f32
      %add3A_438 = vector.broadcast %add3A_437 : f32 to vector<16xf32>
      %add3A_439 = arith.addf %mul3A_436, %add3A_438 : vector<16xf32>
      %mul3A_440 = arith.mulf %add3A_439, %mul3A_421 : vector<16xf32>
      %add3A_441 = arith.constant -0.166666672 : f32
      %add3A_442 = vector.broadcast %add3A_441 : f32 to vector<16xf32>
      %add3A_443 = arith.addf %mul3A_440, %add3A_442 : vector<16xf32>
      %mul3A_444 = arith.mulf %add3A_443, %mul3A_421 : vector<16xf32>
      %add3A_445 = arith.constant 1.000000e+00 : f32
      %add3A_446 = vector.broadcast %add3A_445 : f32 to vector<16xf32>
      %add3A_447 = arith.addf %mul3A_444, %add3A_446 : vector<16xf32>
      %mul3A_448 = arith.mulf %mul3A_420, %add3A_447 : vector<16xf32>
      %broadcast_in_dim3A_449 = arith.constant 2.08767559E-9 : f32
      %broadcast_in_dim3A_450 = vector.broadcast %broadcast_in_dim3A_449 : f32 to vector<16xf32>
      %mul3A_451 = arith.mulf %broadcast_in_dim3A_450, %mul3A_421 : vector<16xf32>
      %add3A_452 = arith.constant -2.755732E-7 : f32
      %add3A_453 = vector.broadcast %add3A_452 : f32 to vector<16xf32>
      %add3A_454 = arith.addf %mul3A_451, %add3A_453 : vector<16xf32>
      %mul3A_455 = arith.mulf %add3A_454, %mul3A_421 : vector<16xf32>
      %add3A_456 = arith.constant 2.48015876E-5 : f32
      %add3A_457 = vector.broadcast %add3A_456 : f32 to vector<16xf32>
      %add3A_458 = arith.addf %mul3A_455, %add3A_457 : vector<16xf32>
      %mul3A_459 = arith.mulf %add3A_458, %mul3A_421 : vector<16xf32>
      %add3A_460 = arith.constant -0.00138888892 : f32
      %add3A_461 = vector.broadcast %add3A_460 : f32 to vector<16xf32>
      %add3A_462 = arith.addf %mul3A_459, %add3A_461 : vector<16xf32>
      %mul3A_463 = arith.mulf %add3A_462, %mul3A_421 : vector<16xf32>
      %add3A_464 = arith.constant 0.0416666679 : f32
      %add3A_465 = vector.broadcast %add3A_464 : f32 to vector<16xf32>
      %add3A_466 = arith.addf %mul3A_463, %add3A_465 : vector<16xf32>
      %mul3A_467 = arith.mulf %add3A_466, %mul3A_421 : vector<16xf32>
      %add3A_468 = arith.constant -5.000000e-01 : f32
      %add3A_469 = vector.broadcast %add3A_468 : f32 to vector<16xf32>
      %add3A_470 = arith.addf %mul3A_467, %add3A_469 : vector<16xf32>
      %mul3A_471 = arith.mulf %add3A_470, %mul3A_421 : vector<16xf32>
      %add3A_472 = arith.constant 1.000000e+00 : f32
      %add3A_473 = vector.broadcast %add3A_472 : f32 to vector<16xf32>
      %add3A_474 = arith.addf %mul3A_471, %add3A_473 : vector<16xf32>
      %mul3A_475 = arith.constant 2.000000e+00 : f32
      %mul3A_476 = vector.broadcast %mul3A_475 : f32 to vector<16xf32>
      %mul3A_477 = arith.mulf %mul3A_476, %mul3A_448 : vector<16xf32>
      %mul3A_478 = arith.mulf %mul3A_477, %add3A_474 : vector<16xf32>
      %mul3A_479 = arith.constant 2.000000e+00 : f32
      %mul3A_480 = vector.broadcast %mul3A_479 : f32 to vector<16xf32>
      %mul3A_481 = arith.mulf %mul3A_480, %mul3A_448 : vector<16xf32>
      %mul3A_482 = arith.mulf %mul3A_481, %mul3A_448 : vector<16xf32>
      %sub3A_483 = arith.constant 1.000000e+00 : f32
      %sub3A_484 = vector.broadcast %sub3A_483 : f32 to vector<16xf32>
      %sub3A_485 = arith.subf %sub3A_484, %mul3A_482 : vector<16xf32>
      %mul3A_486 = arith.mulf %gather3A_417, %gather3A_417 : vector<16xf32>
      %broadcast_in_dim3A_487 = arith.constant 1.60590444E-10 : f32
      %broadcast_in_dim3A_488 = vector.broadcast %broadcast_in_dim3A_487 : f32 to vector<16xf32>
      %mul3A_489 = arith.mulf %broadcast_in_dim3A_488, %mul3A_486 : vector<16xf32>
      %add3A_490 = arith.constant -2.50521079E-8 : f32
      %add3A_491 = vector.broadcast %add3A_490 : f32 to vector<16xf32>
      %add3A_492 = arith.addf %mul3A_489, %add3A_491 : vector<16xf32>
      %mul3A_493 = arith.mulf %add3A_492, %mul3A_486 : vector<16xf32>
      %add3A_494 = arith.constant 2.75573188E-6 : f32
      %add3A_495 = vector.broadcast %add3A_494 : f32 to vector<16xf32>
      %add3A_496 = arith.addf %mul3A_493, %add3A_495 : vector<16xf32>
      %mul3A_497 = arith.mulf %add3A_496, %mul3A_486 : vector<16xf32>
      %add3A_498 = arith.constant -1.98412701E-4 : f32
      %add3A_499 = vector.broadcast %add3A_498 : f32 to vector<16xf32>
      %add3A_500 = arith.addf %mul3A_497, %add3A_499 : vector<16xf32>
      %mul3A_501 = arith.mulf %add3A_500, %mul3A_486 : vector<16xf32>
      %add3A_502 = arith.constant 0.00833333377 : f32
      %add3A_503 = vector.broadcast %add3A_502 : f32 to vector<16xf32>
      %add3A_504 = arith.addf %mul3A_501, %add3A_503 : vector<16xf32>
      %mul3A_505 = arith.mulf %add3A_504, %mul3A_486 : vector<16xf32>
      %add3A_506 = arith.constant -0.166666672 : f32
      %add3A_507 = vector.broadcast %add3A_506 : f32 to vector<16xf32>
      %add3A_508 = arith.addf %mul3A_505, %add3A_507 : vector<16xf32>
      %mul3A_509 = arith.mulf %add3A_508, %mul3A_486 : vector<16xf32>
      %add3A_510 = arith.constant 1.000000e+00 : f32
      %add3A_511 = vector.broadcast %add3A_510 : f32 to vector<16xf32>
      %add3A_512 = arith.addf %mul3A_509, %add3A_511 : vector<16xf32>
      %mul3A_513 = arith.mulf %gather3A_417, %add3A_512 : vector<16xf32>
      %broadcast_in_dim3A_514 = arith.constant 2.08767559E-9 : f32
      %broadcast_in_dim3A_515 = vector.broadcast %broadcast_in_dim3A_514 : f32 to vector<16xf32>
      %mul3A_516 = arith.mulf %broadcast_in_dim3A_515, %mul3A_486 : vector<16xf32>
      %add3A_517 = arith.constant -2.755732E-7 : f32
      %add3A_518 = vector.broadcast %add3A_517 : f32 to vector<16xf32>
      %add3A_519 = arith.addf %mul3A_516, %add3A_518 : vector<16xf32>
      %mul3A_520 = arith.mulf %add3A_519, %mul3A_486 : vector<16xf32>
      %add3A_521 = arith.constant 2.48015876E-5 : f32
      %add3A_522 = vector.broadcast %add3A_521 : f32 to vector<16xf32>
      %add3A_523 = arith.addf %mul3A_520, %add3A_522 : vector<16xf32>
      %mul3A_524 = arith.mulf %add3A_523, %mul3A_486 : vector<16xf32>
      %add3A_525 = arith.constant -0.00138888892 : f32
      %add3A_526 = vector.broadcast %add3A_525 : f32 to vector<16xf32>
      %add3A_527 = arith.addf %mul3A_524, %add3A_526 : vector<16xf32>
      %mul3A_528 = arith.mulf %add3A_527, %mul3A_486 : vector<16xf32>
      %add3A_529 = arith.constant 0.0416666679 : f32
      %add3A_530 = vector.broadcast %add3A_529 : f32 to vector<16xf32>
      %add3A_531 = arith.addf %mul3A_528, %add3A_530 : vector<16xf32>
      %mul3A_532 = arith.mulf %add3A_531, %mul3A_486 : vector<16xf32>
      %add3A_533 = arith.constant -5.000000e-01 : f32
      %add3A_534 = vector.broadcast %add3A_533 : f32 to vector<16xf32>
      %add3A_535 = arith.addf %mul3A_532, %add3A_534 : vector<16xf32>
      %mul3A_536 = arith.mulf %add3A_535, %mul3A_486 : vector<16xf32>
      %add3A_537 = arith.constant 1.000000e+00 : f32
      %add3A_538 = vector.broadcast %add3A_537 : f32 to vector<16xf32>
      %add3A_539 = arith.addf %mul3A_536, %add3A_538 : vector<16xf32>
      %div3A_540 = arith.divf %mul3A_6, %mul3A_513 : vector<16xf32>
      %mul3A_541 = arith.mulf %add3A_539, %mul3A_478 : vector<16xf32>
      %mul3A_542 = arith.mulf %mul3A_541, %div3A_540 : vector<16xf32>
      %mul3A_543 = arith.mulf %add3A_539, %sub3A_485 : vector<16xf32>
      %mul3A_544 = arith.mulf %mul3A_543, %div3A_540 : vector<16xf32>
      %add3A_545 = arith.constant 8 : i32
      %add3A_546 = vector.broadcast %add3A_545 : i32 to vector<16xi32>
      %add3A_547 = arith.addi %mul3A_9, %add3A_546 : vector<16xi32>
      %gather3A_548 = tpu.vector_load_idx %arg6[%add3A_547] : memref<384xf32, #tpu.memory_space<vmem>>[vector<16xi32>], vector<16xf32>,
      %add3A_549 = arith.constant 9 : i32
      %add3A_550 = vector.broadcast %add3A_549 : i32 to vector<16xi32>
      %add3A_551 = arith.addi %mul3A_9, %add3A_550 : vector<16xi32>
      %gather3A_552 = tpu.vector_load_idx %arg6[%add3A_551] : memref<384xf32, #tpu.memory_space<vmem>>[vector<16xi32>], vector<16xf32>,
      %mul3A_553 = arith.constant 5.000000e-01 : f32
      %mul3A_554 = vector.broadcast %mul3A_553 : f32 to vector<16xf32>
      %mul3A_555 = arith.mulf %gather3A_548, %mul3A_554 : vector<16xf32>
      %mul3A_556 = arith.mulf %mul3A_555, %mul3A_555 : vector<16xf32>
      %broadcast_in_dim3A_557 = arith.constant 1.60590444E-10 : f32
      %broadcast_in_dim3A_558 = vector.broadcast %broadcast_in_dim3A_557 : f32 to vector<16xf32>
      %mul3A_559 = arith.mulf %broadcast_in_dim3A_558, %mul3A_556 : vector<16xf32>
      %add3A_560 = arith.constant -2.50521079E-8 : f32
      %add3A_561 = vector.broadcast %add3A_560 : f32 to vector<16xf32>
      %add3A_562 = arith.addf %mul3A_559, %add3A_561 : vector<16xf32>
      %mul3A_563 = arith.mulf %add3A_562, %mul3A_556 : vector<16xf32>
      %add3A_564 = arith.constant 2.75573188E-6 : f32
      %add3A_565 = vector.broadcast %add3A_564 : f32 to vector<16xf32>
      %add3A_566 = arith.addf %mul3A_563, %add3A_565 : vector<16xf32>
      %mul3A_567 = arith.mulf %add3A_566, %mul3A_556 : vector<16xf32>
      %add3A_568 = arith.constant -1.98412701E-4 : f32
      %add3A_569 = vector.broadcast %add3A_568 : f32 to vector<16xf32>
      %add3A_570 = arith.addf %mul3A_567, %add3A_569 : vector<16xf32>
      %mul3A_571 = arith.mulf %add3A_570, %mul3A_556 : vector<16xf32>
      %add3A_572 = arith.constant 0.00833333377 : f32
      %add3A_573 = vector.broadcast %add3A_572 : f32 to vector<16xf32>
      %add3A_574 = arith.addf %mul3A_571, %add3A_573 : vector<16xf32>
      %mul3A_575 = arith.mulf %add3A_574, %mul3A_556 : vector<16xf32>
      %add3A_576 = arith.constant -0.166666672 : f32
      %add3A_577 = vector.broadcast %add3A_576 : f32 to vector<16xf32>
      %add3A_578 = arith.addf %mul3A_575, %add3A_577 : vector<16xf32>
      %mul3A_579 = arith.mulf %add3A_578, %mul3A_556 : vector<16xf32>
      %add3A_580 = arith.constant 1.000000e+00 : f32
      %add3A_581 = vector.broadcast %add3A_580 : f32 to vector<16xf32>
      %add3A_582 = arith.addf %mul3A_579, %add3A_581 : vector<16xf32>
      %mul3A_583 = arith.mulf %mul3A_555, %add3A_582 : vector<16xf32>
      %broadcast_in_dim3A_584 = arith.constant 2.08767559E-9 : f32
      %broadcast_in_dim3A_585 = vector.broadcast %broadcast_in_dim3A_584 : f32 to vector<16xf32>
      %mul3A_586 = arith.mulf %broadcast_in_dim3A_585, %mul3A_556 : vector<16xf32>
      %add3A_587 = arith.constant -2.755732E-7 : f32
      %add3A_588 = vector.broadcast %add3A_587 : f32 to vector<16xf32>
      %add3A_589 = arith.addf %mul3A_586, %add3A_588 : vector<16xf32>
      %mul3A_590 = arith.mulf %add3A_589, %mul3A_556 : vector<16xf32>
      %add3A_591 = arith.constant 2.48015876E-5 : f32
      %add3A_592 = vector.broadcast %add3A_591 : f32 to vector<16xf32>
      %add3A_593 = arith.addf %mul3A_590, %add3A_592 : vector<16xf32>
      %mul3A_594 = arith.mulf %add3A_593, %mul3A_556 : vector<16xf32>
      %add3A_595 = arith.constant -0.00138888892 : f32
      %add3A_596 = vector.broadcast %add3A_595 : f32 to vector<16xf32>
      %add3A_597 = arith.addf %mul3A_594, %add3A_596 : vector<16xf32>
      %mul3A_598 = arith.mulf %add3A_597, %mul3A_556 : vector<16xf32>
      %add3A_599 = arith.constant 0.0416666679 : f32
      %add3A_600 = vector.broadcast %add3A_599 : f32 to vector<16xf32>
      %add3A_601 = arith.addf %mul3A_598, %add3A_600 : vector<16xf32>
      %mul3A_602 = arith.mulf %add3A_601, %mul3A_556 : vector<16xf32>
      %add3A_603 = arith.constant -5.000000e-01 : f32
      %add3A_604 = vector.broadcast %add3A_603 : f32 to vector<16xf32>
      %add3A_605 = arith.addf %mul3A_602, %add3A_604 : vector<16xf32>
      %mul3A_606 = arith.mulf %add3A_605, %mul3A_556 : vector<16xf32>
      %add3A_607 = arith.constant 1.000000e+00 : f32
      %add3A_608 = vector.broadcast %add3A_607 : f32 to vector<16xf32>
      %add3A_609 = arith.addf %mul3A_606, %add3A_608 : vector<16xf32>
      %mul3A_610 = arith.constant 2.000000e+00 : f32
      %mul3A_611 = vector.broadcast %mul3A_610 : f32 to vector<16xf32>
      %mul3A_612 = arith.mulf %mul3A_611, %mul3A_583 : vector<16xf32>
      %mul3A_613 = arith.mulf %mul3A_612, %add3A_609 : vector<16xf32>
      %mul3A_614 = arith.constant 2.000000e+00 : f32
      %mul3A_615 = vector.broadcast %mul3A_614 : f32 to vector<16xf32>
      %mul3A_616 = arith.mulf %mul3A_615, %mul3A_583 : vector<16xf32>
      %mul3A_617 = arith.mulf %mul3A_616, %mul3A_583 : vector<16xf32>
      %sub3A_618 = arith.constant 1.000000e+00 : f32
      %sub3A_619 = vector.broadcast %sub3A_618 : f32 to vector<16xf32>
      %sub3A_620 = arith.subf %sub3A_619, %mul3A_617 : vector<16xf32>
      %mul3A_621 = arith.mulf %gather3A_552, %gather3A_552 : vector<16xf32>
      %broadcast_in_dim3A_622 = arith.constant 1.60590444E-10 : f32
      %broadcast_in_dim3A_623 = vector.broadcast %broadcast_in_dim3A_622 : f32 to vector<16xf32>
      %mul3A_624 = arith.mulf %broadcast_in_dim3A_623, %mul3A_621 : vector<16xf32>
      %add3A_625 = arith.constant -2.50521079E-8 : f32
      %add3A_626 = vector.broadcast %add3A_625 : f32 to vector<16xf32>
      %add3A_627 = arith.addf %mul3A_624, %add3A_626 : vector<16xf32>
      %mul3A_628 = arith.mulf %add3A_627, %mul3A_621 : vector<16xf32>
      %add3A_629 = arith.constant 2.75573188E-6 : f32
      %add3A_630 = vector.broadcast %add3A_629 : f32 to vector<16xf32>
      %add3A_631 = arith.addf %mul3A_628, %add3A_630 : vector<16xf32>
      %mul3A_632 = arith.mulf %add3A_631, %mul3A_621 : vector<16xf32>
      %add3A_633 = arith.constant -1.98412701E-4 : f32
      %add3A_634 = vector.broadcast %add3A_633 : f32 to vector<16xf32>
      %add3A_635 = arith.addf %mul3A_632, %add3A_634 : vector<16xf32>
      %mul3A_636 = arith.mulf %add3A_635, %mul3A_621 : vector<16xf32>
      %add3A_637 = arith.constant 0.00833333377 : f32
      %add3A_638 = vector.broadcast %add3A_637 : f32 to vector<16xf32>
      %add3A_639 = arith.addf %mul3A_636, %add3A_638 : vector<16xf32>
      %mul3A_640 = arith.mulf %add3A_639, %mul3A_621 : vector<16xf32>
      %add3A_641 = arith.constant -0.166666672 : f32
      %add3A_642 = vector.broadcast %add3A_641 : f32 to vector<16xf32>
      %add3A_643 = arith.addf %mul3A_640, %add3A_642 : vector<16xf32>
      %mul3A_644 = arith.mulf %add3A_643, %mul3A_621 : vector<16xf32>
      %add3A_645 = arith.constant 1.000000e+00 : f32
      %add3A_646 = vector.broadcast %add3A_645 : f32 to vector<16xf32>
      %add3A_647 = arith.addf %mul3A_644, %add3A_646 : vector<16xf32>
      %mul3A_648 = arith.mulf %gather3A_552, %add3A_647 : vector<16xf32>
      %broadcast_in_dim3A_649 = arith.constant 2.08767559E-9 : f32
      %broadcast_in_dim3A_650 = vector.broadcast %broadcast_in_dim3A_649 : f32 to vector<16xf32>
      %mul3A_651 = arith.mulf %broadcast_in_dim3A_650, %mul3A_621 : vector<16xf32>
      %add3A_652 = arith.constant -2.755732E-7 : f32
      %add3A_653 = vector.broadcast %add3A_652 : f32 to vector<16xf32>
      %add3A_654 = arith.addf %mul3A_651, %add3A_653 : vector<16xf32>
      %mul3A_655 = arith.mulf %add3A_654, %mul3A_621 : vector<16xf32>
      %add3A_656 = arith.constant 2.48015876E-5 : f32
      %add3A_657 = vector.broadcast %add3A_656 : f32 to vector<16xf32>
      %add3A_658 = arith.addf %mul3A_655, %add3A_657 : vector<16xf32>
      %mul3A_659 = arith.mulf %add3A_658, %mul3A_621 : vector<16xf32>
      %add3A_660 = arith.constant -0.00138888892 : f32
      %add3A_661 = vector.broadcast %add3A_660 : f32 to vector<16xf32>
      %add3A_662 = arith.addf %mul3A_659, %add3A_661 : vector<16xf32>
      %mul3A_663 = arith.mulf %add3A_662, %mul3A_621 : vector<16xf32>
      %add3A_664 = arith.constant 0.0416666679 : f32
      %add3A_665 = vector.broadcast %add3A_664 : f32 to vector<16xf32>
      %add3A_666 = arith.addf %mul3A_663, %add3A_665 : vector<16xf32>
      %mul3A_667 = arith.mulf %add3A_666, %mul3A_621 : vector<16xf32>
      %add3A_668 = arith.constant -5.000000e-01 : f32
      %add3A_669 = vector.broadcast %add3A_668 : f32 to vector<16xf32>
      %add3A_670 = arith.addf %mul3A_667, %add3A_669 : vector<16xf32>
      %mul3A_671 = arith.mulf %add3A_670, %mul3A_621 : vector<16xf32>
      %add3A_672 = arith.constant 1.000000e+00 : f32
      %add3A_673 = vector.broadcast %add3A_672 : f32 to vector<16xf32>
      %add3A_674 = arith.addf %mul3A_671, %add3A_673 : vector<16xf32>
      %div3A_675 = arith.divf %mul3A_6, %mul3A_648 : vector<16xf32>
      %mul3A_676 = arith.mulf %add3A_674, %mul3A_613 : vector<16xf32>
      %mul3A_677 = arith.mulf %mul3A_676, %div3A_675 : vector<16xf32>
      %mul3A_678 = arith.mulf %add3A_674, %sub3A_620 : vector<16xf32>
      %mul3A_679 = arith.mulf %mul3A_678, %div3A_675 : vector<16xf32>
      %add3A_680 = arith.constant 10 : i32
      %add3A_681 = vector.broadcast %add3A_680 : i32 to vector<16xi32>
      %add3A_682 = arith.addi %mul3A_9, %add3A_681 : vector<16xi32>
      %gather3A_683 = tpu.vector_load_idx %arg6[%add3A_682] : memref<384xf32, #tpu.memory_space<vmem>>[vector<16xi32>], vector<16xf32>,
      %add3A_684 = arith.constant 11 : i32
      %add3A_685 = vector.broadcast %add3A_684 : i32 to vector<16xi32>
      %add3A_686 = arith.addi %mul3A_9, %add3A_685 : vector<16xi32>
      %gather3A_687 = tpu.vector_load_idx %arg6[%add3A_686] : memref<384xf32, #tpu.memory_space<vmem>>[vector<16xi32>], vector<16xf32>,
      %mul3A_688 = arith.constant 5.000000e-01 : f32
      %mul3A_689 = vector.broadcast %mul3A_688 : f32 to vector<16xf32>
      %mul3A_690 = arith.mulf %gather3A_683, %mul3A_689 : vector<16xf32>
      %mul3A_691 = arith.mulf %mul3A_690, %mul3A_690 : vector<16xf32>
      %broadcast_in_dim3A_692 = arith.constant 1.60590444E-10 : f32
      %broadcast_in_dim3A_693 = vector.broadcast %broadcast_in_dim3A_692 : f32 to vector<16xf32>
      %mul3A_694 = arith.mulf %broadcast_in_dim3A_693, %mul3A_691 : vector<16xf32>
      %add3A_695 = arith.constant -2.50521079E-8 : f32
      %add3A_696 = vector.broadcast %add3A_695 : f32 to vector<16xf32>
      %add3A_697 = arith.addf %mul3A_694, %add3A_696 : vector<16xf32>
      %mul3A_698 = arith.mulf %add3A_697, %mul3A_691 : vector<16xf32>
      %add3A_699 = arith.constant 2.75573188E-6 : f32
      %add3A_700 = vector.broadcast %add3A_699 : f32 to vector<16xf32>
      %add3A_701 = arith.addf %mul3A_698, %add3A_700 : vector<16xf32>
      %mul3A_702 = arith.mulf %add3A_701, %mul3A_691 : vector<16xf32>
      %add3A_703 = arith.constant -1.98412701E-4 : f32
      %add3A_704 = vector.broadcast %add3A_703 : f32 to vector<16xf32>
      %add3A_705 = arith.addf %mul3A_702, %add3A_704 : vector<16xf32>
      %mul3A_706 = arith.mulf %add3A_705, %mul3A_691 : vector<16xf32>
      %add3A_707 = arith.constant 0.00833333377 : f32
      %add3A_708 = vector.broadcast %add3A_707 : f32 to vector<16xf32>
      %add3A_709 = arith.addf %mul3A_706, %add3A_708 : vector<16xf32>
      %mul3A_710 = arith.mulf %add3A_709, %mul3A_691 : vector<16xf32>
      %add3A_711 = arith.constant -0.166666672 : f32
      %add3A_712 = vector.broadcast %add3A_711 : f32 to vector<16xf32>
      %add3A_713 = arith.addf %mul3A_710, %add3A_712 : vector<16xf32>
      %mul3A_714 = arith.mulf %add3A_713, %mul3A_691 : vector<16xf32>
      %add3A_715 = arith.constant 1.000000e+00 : f32
      %add3A_716 = vector.broadcast %add3A_715 : f32 to vector<16xf32>
      %add3A_717 = arith.addf %mul3A_714, %add3A_716 : vector<16xf32>
      %mul3A_718 = arith.mulf %mul3A_690, %add3A_717 : vector<16xf32>
      %broadcast_in_dim3A_719 = arith.constant 2.08767559E-9 : f32
      %broadcast_in_dim3A_720 = vector.broadcast %broadcast_in_dim3A_719 : f32 to vector<16xf32>
      %mul3A_721 = arith.mulf %broadcast_in_dim3A_720, %mul3A_691 : vector<16xf32>
      %add3A_722 = arith.constant -2.755732E-7 : f32
      %add3A_723 = vector.broadcast %add3A_722 : f32 to vector<16xf32>
      %add3A_724 = arith.addf %mul3A_721, %add3A_723 : vector<16xf32>
      %mul3A_725 = arith.mulf %add3A_724, %mul3A_691 : vector<16xf32>
      %add3A_726 = arith.constant 2.48015876E-5 : f32
      %add3A_727 = vector.broadcast %add3A_726 : f32 to vector<16xf32>
      %add3A_728 = arith.addf %mul3A_725, %add3A_727 : vector<16xf32>
      %mul3A_729 = arith.mulf %add3A_728, %mul3A_691 : vector<16xf32>
      %add3A_730 = arith.constant -0.00138888892 : f32
      %add3A_731 = vector.broadcast %add3A_730 : f32 to vector<16xf32>
      %add3A_732 = arith.addf %mul3A_729, %add3A_731 : vector<16xf32>
      %mul3A_733 = arith.mulf %add3A_732, %mul3A_691 : vector<16xf32>
      %add3A_734 = arith.constant 0.0416666679 : f32
      %add3A_735 = vector.broadcast %add3A_734 : f32 to vector<16xf32>
      %add3A_736 = arith.addf %mul3A_733, %add3A_735 : vector<16xf32>
      %mul3A_737 = arith.mulf %add3A_736, %mul3A_691 : vector<16xf32>
      %add3A_738 = arith.constant -5.000000e-01 : f32
      %add3A_739 = vector.broadcast %add3A_738 : f32 to vector<16xf32>
      %add3A_740 = arith.addf %mul3A_737, %add3A_739 : vector<16xf32>
      %mul3A_741 = arith.mulf %add3A_740, %mul3A_691 : vector<16xf32>
      %add3A_742 = arith.constant 1.000000e+00 : f32
      %add3A_743 = vector.broadcast %add3A_742 : f32 to vector<16xf32>
      %add3A_744 = arith.addf %mul3A_741, %add3A_743 : vector<16xf32>
      %mul3A_745 = arith.constant 2.000000e+00 : f32
      %mul3A_746 = vector.broadcast %mul3A_745 : f32 to vector<16xf32>
      %mul3A_747 = arith.mulf %mul3A_746, %mul3A_718 : vector<16xf32>
      %mul3A_748 = arith.mulf %mul3A_747, %add3A_744 : vector<16xf32>
      %mul3A_749 = arith.constant 2.000000e+00 : f32
      %mul3A_750 = vector.broadcast %mul3A_749 : f32 to vector<16xf32>
      %mul3A_751 = arith.mulf %mul3A_750, %mul3A_718 : vector<16xf32>
      %mul3A_752 = arith.mulf %mul3A_751, %mul3A_718 : vector<16xf32>
      %sub3A_753 = arith.constant 1.000000e+00 : f32
      %sub3A_754 = vector.broadcast %sub3A_753 : f32 to vector<16xf32>
      %sub3A_755 = arith.subf %sub3A_754, %mul3A_752 : vector<16xf32>
      %mul3A_756 = arith.mulf %gather3A_687, %gather3A_687 : vector<16xf32>
      %broadcast_in_dim3A_757 = arith.constant 1.60590444E-10 : f32
      %broadcast_in_dim3A_758 = vector.broadcast %broadcast_in_dim3A_757 : f32 to vector<16xf32>
      %mul3A_759 = arith.mulf %broadcast_in_dim3A_758, %mul3A_756 : vector<16xf32>
      %add3A_760 = arith.constant -2.50521079E-8 : f32
      %add3A_761 = vector.broadcast %add3A_760 : f32 to vector<16xf32>
      %add3A_762 = arith.addf %mul3A_759, %add3A_761 : vector<16xf32>
      %mul3A_763 = arith.mulf %add3A_762, %mul3A_756 : vector<16xf32>
      %add3A_764 = arith.constant 2.75573188E-6 : f32
      %add3A_765 = vector.broadcast %add3A_764 : f32 to vector<16xf32>
      %add3A_766 = arith.addf %mul3A_763, %add3A_765 : vector<16xf32>
      %mul3A_767 = arith.mulf %add3A_766, %mul3A_756 : vector<16xf32>
      %add3A_768 = arith.constant -1.98412701E-4 : f32
      %add3A_769 = vector.broadcast %add3A_768 : f32 to vector<16xf32>
      %add3A_770 = arith.addf %mul3A_767, %add3A_769 : vector<16xf32>
      %mul3A_771 = arith.mulf %add3A_770, %mul3A_756 : vector<16xf32>
      %add3A_772 = arith.constant 0.00833333377 : f32
      %add3A_773 = vector.broadcast %add3A_772 : f32 to vector<16xf32>
      %add3A_774 = arith.addf %mul3A_771, %add3A_773 : vector<16xf32>
      %mul3A_775 = arith.mulf %add3A_774, %mul3A_756 : vector<16xf32>
      %add3A_776 = arith.constant -0.166666672 : f32
      %add3A_777 = vector.broadcast %add3A_776 : f32 to vector<16xf32>
      %add3A_778 = arith.addf %mul3A_775, %add3A_777 : vector<16xf32>
      %mul3A_779 = arith.mulf %add3A_778, %mul3A_756 : vector<16xf32>
      %add3A_780 = arith.constant 1.000000e+00 : f32
      %add3A_781 = vector.broadcast %add3A_780 : f32 to vector<16xf32>
      %add3A_782 = arith.addf %mul3A_779, %add3A_781 : vector<16xf32>
      %mul3A_783 = arith.mulf %gather3A_687, %add3A_782 : vector<16xf32>
      %broadcast_in_dim3A_784 = arith.constant 2.08767559E-9 : f32
      %broadcast_in_dim3A_785 = vector.broadcast %broadcast_in_dim3A_784 : f32 to vector<16xf32>
      %mul3A_786 = arith.mulf %broadcast_in_dim3A_785, %mul3A_756 : vector<16xf32>
      %add3A_787 = arith.constant -2.755732E-7 : f32
      %add3A_788 = vector.broadcast %add3A_787 : f32 to vector<16xf32>
      %add3A_789 = arith.addf %mul3A_786, %add3A_788 : vector<16xf32>
      %mul3A_790 = arith.mulf %add3A_789, %mul3A_756 : vector<16xf32>
      %add3A_791 = arith.constant 2.48015876E-5 : f32
      %add3A_792 = vector.broadcast %add3A_791 : f32 to vector<16xf32>
      %add3A_793 = arith.addf %mul3A_790, %add3A_792 : vector<16xf32>
      %mul3A_794 = arith.mulf %add3A_793, %mul3A_756 : vector<16xf32>
      %add3A_795 = arith.constant -0.00138888892 : f32
      %add3A_796 = vector.broadcast %add3A_795 : f32 to vector<16xf32>
      %add3A_797 = arith.addf %mul3A_794, %add3A_796 : vector<16xf32>
      %mul3A_798 = arith.mulf %add3A_797, %mul3A_756 : vector<16xf32>
      %add3A_799 = arith.constant 0.0416666679 : f32
      %add3A_800 = vector.broadcast %add3A_799 : f32 to vector<16xf32>
      %add3A_801 = arith.addf %mul3A_798, %add3A_800 : vector<16xf32>
      %mul3A_802 = arith.mulf %add3A_801, %mul3A_756 : vector<16xf32>
      %add3A_803 = arith.constant -5.000000e-01 : f32
      %add3A_804 = vector.broadcast %add3A_803 : f32 to vector<16xf32>
      %add3A_805 = arith.addf %mul3A_802, %add3A_804 : vector<16xf32>
      %mul3A_806 = arith.mulf %add3A_805, %mul3A_756 : vector<16xf32>
      %add3A_807 = arith.constant 1.000000e+00 : f32
      %add3A_808 = vector.broadcast %add3A_807 : f32 to vector<16xf32>
      %add3A_809 = arith.addf %mul3A_806, %add3A_808 : vector<16xf32>
      %div3A_810 = arith.divf %mul3A_6, %mul3A_783 : vector<16xf32>
      %mul3A_811 = arith.mulf %add3A_809, %mul3A_748 : vector<16xf32>
      %mul3A_812 = arith.mulf %mul3A_811, %div3A_810 : vector<16xf32>
      %mul3A_813 = arith.mulf %add3A_809, %sub3A_755 : vector<16xf32>
      %mul3A_814 = arith.mulf %mul3A_813, %div3A_810 : vector<16xf32>
      %add3A_815 = arith.constant 12 : i32
      %add3A_816 = vector.broadcast %add3A_815 : i32 to vector<16xi32>
      %add3A_817 = arith.addi %mul3A_9, %add3A_816 : vector<16xi32>
      %gather3A_818 = tpu.vector_load_idx %arg6[%add3A_817] : memref<384xf32, #tpu.memory_space<vmem>>[vector<16xi32>], vector<16xf32>,
      %add3A_819 = arith.constant 13 : i32
      %add3A_820 = vector.broadcast %add3A_819 : i32 to vector<16xi32>
      %add3A_821 = arith.addi %mul3A_9, %add3A_820 : vector<16xi32>
      %gather3A_822 = tpu.vector_load_idx %arg6[%add3A_821] : memref<384xf32, #tpu.memory_space<vmem>>[vector<16xi32>], vector<16xf32>,
      %mul3A_823 = arith.constant 5.000000e-01 : f32
      %mul3A_824 = vector.broadcast %mul3A_823 : f32 to vector<16xf32>
      %mul3A_825 = arith.mulf %gather3A_818, %mul3A_824 : vector<16xf32>
      %mul3A_826 = arith.mulf %mul3A_825, %mul3A_825 : vector<16xf32>
      %broadcast_in_dim3A_827 = arith.constant 1.60590444E-10 : f32
      %broadcast_in_dim3A_828 = vector.broadcast %broadcast_in_dim3A_827 : f32 to vector<16xf32>
      %mul3A_829 = arith.mulf %broadcast_in_dim3A_828, %mul3A_826 : vector<16xf32>
      %add3A_830 = arith.constant -2.50521079E-8 : f32
      %add3A_831 = vector.broadcast %add3A_830 : f32 to vector<16xf32>
      %add3A_832 = arith.addf %mul3A_829, %add3A_831 : vector<16xf32>
      %mul3A_833 = arith.mulf %add3A_832, %mul3A_826 : vector<16xf32>
      %add3A_834 = arith.constant 2.75573188E-6 : f32
      %add3A_835 = vector.broadcast %add3A_834 : f32 to vector<16xf32>
      %add3A_836 = arith.addf %mul3A_833, %add3A_835 : vector<16xf32>
      %mul3A_837 = arith.mulf %add3A_836, %mul3A_826 : vector<16xf32>
      %add3A_838 = arith.constant -1.98412701E-4 : f32
      %add3A_839 = vector.broadcast %add3A_838 : f32 to vector<16xf32>
      %add3A_840 = arith.addf %mul3A_837, %add3A_839 : vector<16xf32>
      %mul3A_841 = arith.mulf %add3A_840, %mul3A_826 : vector<16xf32>
      %add3A_842 = arith.constant 0.00833333377 : f32
      %add3A_843 = vector.broadcast %add3A_842 : f32 to vector<16xf32>
      %add3A_844 = arith.addf %mul3A_841, %add3A_843 : vector<16xf32>
      %mul3A_845 = arith.mulf %add3A_844, %mul3A_826 : vector<16xf32>
      %add3A_846 = arith.constant -0.166666672 : f32
      %add3A_847 = vector.broadcast %add3A_846 : f32 to vector<16xf32>
      %add3A_848 = arith.addf %mul3A_845, %add3A_847 : vector<16xf32>
      %mul3A_849 = arith.mulf %add3A_848, %mul3A_826 : vector<16xf32>
      %add3A_850 = arith.constant 1.000000e+00 : f32
      %add3A_851 = vector.broadcast %add3A_850 : f32 to vector<16xf32>
      %add3A_852 = arith.addf %mul3A_849, %add3A_851 : vector<16xf32>
      %mul3A_853 = arith.mulf %mul3A_825, %add3A_852 : vector<16xf32>
      %broadcast_in_dim3A_854 = arith.constant 2.08767559E-9 : f32
      %broadcast_in_dim3A_855 = vector.broadcast %broadcast_in_dim3A_854 : f32 to vector<16xf32>
      %mul3A_856 = arith.mulf %broadcast_in_dim3A_855, %mul3A_826 : vector<16xf32>
      %add3A_857 = arith.constant -2.755732E-7 : f32
      %add3A_858 = vector.broadcast %add3A_857 : f32 to vector<16xf32>
      %add3A_859 = arith.addf %mul3A_856, %add3A_858 : vector<16xf32>
      %mul3A_860 = arith.mulf %add3A_859, %mul3A_826 : vector<16xf32>
      %add3A_861 = arith.constant 2.48015876E-5 : f32
      %add3A_862 = vector.broadcast %add3A_861 : f32 to vector<16xf32>
      %add3A_863 = arith.addf %mul3A_860, %add3A_862 : vector<16xf32>
      %mul3A_864 = arith.mulf %add3A_863, %mul3A_826 : vector<16xf32>
      %add3A_865 = arith.constant -0.00138888892 : f32
      %add3A_866 = vector.broadcast %add3A_865 : f32 to vector<16xf32>
      %add3A_867 = arith.addf %mul3A_864, %add3A_866 : vector<16xf32>
      %mul3A_868 = arith.mulf %add3A_867, %mul3A_826 : vector<16xf32>
      %add3A_869 = arith.constant 0.0416666679 : f32
      %add3A_870 = vector.broadcast %add3A_869 : f32 to vector<16xf32>
      %add3A_871 = arith.addf %mul3A_868, %add3A_870 : vector<16xf32>
      %mul3A_872 = arith.mulf %add3A_871, %mul3A_826 : vector<16xf32>
      %add3A_873 = arith.constant -5.000000e-01 : f32
      %add3A_874 = vector.broadcast %add3A_873 : f32 to vector<16xf32>
      %add3A_875 = arith.addf %mul3A_872, %add3A_874 : vector<16xf32>
      %mul3A_876 = arith.mulf %add3A_875, %mul3A_826 : vector<16xf32>
      %add3A_877 = arith.constant 1.000000e+00 : f32
      %add3A_878 = vector.broadcast %add3A_877 : f32 to vector<16xf32>
      %add3A_879 = arith.addf %mul3A_876, %add3A_878 : vector<16xf32>
      %mul3A_880 = arith.constant 2.000000e+00 : f32
      %mul3A_881 = vector.broadcast %mul3A_880 : f32 to vector<16xf32>
      %mul3A_882 = arith.mulf %mul3A_881, %mul3A_853 : vector<16xf32>
      %mul3A_883 = arith.mulf %mul3A_882, %add3A_879 : vector<16xf32>
      %mul3A_884 = arith.constant 2.000000e+00 : f32
      %mul3A_885 = vector.broadcast %mul3A_884 : f32 to vector<16xf32>
      %mul3A_886 = arith.mulf %mul3A_885, %mul3A_853 : vector<16xf32>
      %mul3A_887 = arith.mulf %mul3A_886, %mul3A_853 : vector<16xf32>
      %sub3A_888 = arith.constant 1.000000e+00 : f32
      %sub3A_889 = vector.broadcast %sub3A_888 : f32 to vector<16xf32>
      %sub3A_890 = arith.subf %sub3A_889, %mul3A_887 : vector<16xf32>
      %mul3A_891 = arith.mulf %gather3A_822, %gather3A_822 : vector<16xf32>
      %broadcast_in_dim3A_892 = arith.constant 1.60590444E-10 : f32
      %broadcast_in_dim3A_893 = vector.broadcast %broadcast_in_dim3A_892 : f32 to vector<16xf32>
      %mul3A_894 = arith.mulf %broadcast_in_dim3A_893, %mul3A_891 : vector<16xf32>
      %add3A_895 = arith.constant -2.50521079E-8 : f32
      %add3A_896 = vector.broadcast %add3A_895 : f32 to vector<16xf32>
      %add3A_897 = arith.addf %mul3A_894, %add3A_896 : vector<16xf32>
      %mul3A_898 = arith.mulf %add3A_897, %mul3A_891 : vector<16xf32>
      %add3A_899 = arith.constant 2.75573188E-6 : f32
      %add3A_900 = vector.broadcast %add3A_899 : f32 to vector<16xf32>
      %add3A_901 = arith.addf %mul3A_898, %add3A_900 : vector<16xf32>
      %mul3A_902 = arith.mulf %add3A_901, %mul3A_891 : vector<16xf32>
      %add3A_903 = arith.constant -1.98412701E-4 : f32
      %add3A_904 = vector.broadcast %add3A_903 : f32 to vector<16xf32>
      %add3A_905 = arith.addf %mul3A_902, %add3A_904 : vector<16xf32>
      %mul3A_906 = arith.mulf %add3A_905, %mul3A_891 : vector<16xf32>
      %add3A_907 = arith.constant 0.00833333377 : f32
      %add3A_908 = vector.broadcast %add3A_907 : f32 to vector<16xf32>
      %add3A_909 = arith.addf %mul3A_906, %add3A_908 : vector<16xf32>
      %mul3A_910 = arith.mulf %add3A_909, %mul3A_891 : vector<16xf32>
      %add3A_911 = arith.constant -0.166666672 : f32
      %add3A_912 = vector.broadcast %add3A_911 : f32 to vector<16xf32>
      %add3A_913 = arith.addf %mul3A_910, %add3A_912 : vector<16xf32>
      %mul3A_914 = arith.mulf %add3A_913, %mul3A_891 : vector<16xf32>
      %add3A_915 = arith.constant 1.000000e+00 : f32
      %add3A_916 = vector.broadcast %add3A_915 : f32 to vector<16xf32>
      %add3A_917 = arith.addf %mul3A_914, %add3A_916 : vector<16xf32>
      %mul3A_918 = arith.mulf %gather3A_822, %add3A_917 : vector<16xf32>
      %broadcast_in_dim3A_919 = arith.constant 2.08767559E-9 : f32
      %broadcast_in_dim3A_920 = vector.broadcast %broadcast_in_dim3A_919 : f32 to vector<16xf32>
      %mul3A_921 = arith.mulf %broadcast_in_dim3A_920, %mul3A_891 : vector<16xf32>
      %add3A_922 = arith.constant -2.755732E-7 : f32
      %add3A_923 = vector.broadcast %add3A_922 : f32 to vector<16xf32>
      %add3A_924 = arith.addf %mul3A_921, %add3A_923 : vector<16xf32>
      %mul3A_925 = arith.mulf %add3A_924, %mul3A_891 : vector<16xf32>
      %add3A_926 = arith.constant 2.48015876E-5 : f32
      %add3A_927 = vector.broadcast %add3A_926 : f32 to vector<16xf32>
      %add3A_928 = arith.addf %mul3A_925, %add3A_927 : vector<16xf32>
      %mul3A_929 = arith.mulf %add3A_928, %mul3A_891 : vector<16xf32>
      %add3A_930 = arith.constant -0.00138888892 : f32
      %add3A_931 = vector.broadcast %add3A_930 : f32 to vector<16xf32>
      %add3A_932 = arith.addf %mul3A_929, %add3A_931 : vector<16xf32>
      %mul3A_933 = arith.mulf %add3A_932, %mul3A_891 : vector<16xf32>
      %add3A_934 = arith.constant 0.0416666679 : f32
      %add3A_935 = vector.broadcast %add3A_934 : f32 to vector<16xf32>
      %add3A_936 = arith.addf %mul3A_933, %add3A_935 : vector<16xf32>
      %mul3A_937 = arith.mulf %add3A_936, %mul3A_891 : vector<16xf32>
      %add3A_938 = arith.constant -5.000000e-01 : f32
      %add3A_939 = vector.broadcast %add3A_938 : f32 to vector<16xf32>
      %add3A_940 = arith.addf %mul3A_937, %add3A_939 : vector<16xf32>
      %mul3A_941 = arith.mulf %add3A_940, %mul3A_891 : vector<16xf32>
      %add3A_942 = arith.constant 1.000000e+00 : f32
      %add3A_943 = vector.broadcast %add3A_942 : f32 to vector<16xf32>
      %add3A_944 = arith.addf %mul3A_941, %add3A_943 : vector<16xf32>
      %div3A_945 = arith.divf %mul3A_6, %mul3A_918 : vector<16xf32>
      %mul3A_946 = arith.mulf %add3A_944, %mul3A_883 : vector<16xf32>
      %mul3A_947 = arith.mulf %mul3A_946, %div3A_945 : vector<16xf32>
      %mul3A_948 = arith.mulf %add3A_944, %sub3A_890 : vector<16xf32>
      %mul3A_949 = arith.mulf %mul3A_948, %div3A_945 : vector<16xf32>
      %add3A_950 = arith.constant 14 : i32
      %add3A_951 = vector.broadcast %add3A_950 : i32 to vector<16xi32>
      %add3A_952 = arith.addi %mul3A_9, %add3A_951 : vector<16xi32>
      %gather3A_953 = tpu.vector_load_idx %arg6[%add3A_952] : memref<384xf32, #tpu.memory_space<vmem>>[vector<16xi32>], vector<16xf32>,
      %add3A_954 = arith.constant 15 : i32
      %add3A_955 = vector.broadcast %add3A_954 : i32 to vector<16xi32>
      %add3A_956 = arith.addi %mul3A_9, %add3A_955 : vector<16xi32>
      %gather3A_957 = tpu.vector_load_idx %arg6[%add3A_956] : memref<384xf32, #tpu.memory_space<vmem>>[vector<16xi32>], vector<16xf32>,
      %mul3A_958 = arith.constant 5.000000e-01 : f32
      %mul3A_959 = vector.broadcast %mul3A_958 : f32 to vector<16xf32>
      %mul3A_960 = arith.mulf %gather3A_953, %mul3A_959 : vector<16xf32>
      %mul3A_961 = arith.mulf %mul3A_960, %mul3A_960 : vector<16xf32>
      %broadcast_in_dim3A_962 = arith.constant 1.60590444E-10 : f32
      %broadcast_in_dim3A_963 = vector.broadcast %broadcast_in_dim3A_962 : f32 to vector<16xf32>
      %mul3A_964 = arith.mulf %broadcast_in_dim3A_963, %mul3A_961 : vector<16xf32>
      %add3A_965 = arith.constant -2.50521079E-8 : f32
      %add3A_966 = vector.broadcast %add3A_965 : f32 to vector<16xf32>
      %add3A_967 = arith.addf %mul3A_964, %add3A_966 : vector<16xf32>
      %mul3A_968 = arith.mulf %add3A_967, %mul3A_961 : vector<16xf32>
      %add3A_969 = arith.constant 2.75573188E-6 : f32
      %add3A_970 = vector.broadcast %add3A_969 : f32 to vector<16xf32>
      %add3A_971 = arith.addf %mul3A_968, %add3A_970 : vector<16xf32>
      %mul3A_972 = arith.mulf %add3A_971, %mul3A_961 : vector<16xf32>
      %add3A_973 = arith.constant -1.98412701E-4 : f32
      %add3A_974 = vector.broadcast %add3A_973 : f32 to vector<16xf32>
      %add3A_975 = arith.addf %mul3A_972, %add3A_974 : vector<16xf32>
      %mul3A_976 = arith.mulf %add3A_975, %mul3A_961 : vector<16xf32>
      %add3A_977 = arith.constant 0.00833333377 : f32
      %add3A_978 = vector.broadcast %add3A_977 : f32 to vector<16xf32>
      %add3A_979 = arith.addf %mul3A_976, %add3A_978 : vector<16xf32>
      %mul3A_980 = arith.mulf %add3A_979, %mul3A_961 : vector<16xf32>
      %add3A_981 = arith.constant -0.166666672 : f32
      %add3A_982 = vector.broadcast %add3A_981 : f32 to vector<16xf32>
      %add3A_983 = arith.addf %mul3A_980, %add3A_982 : vector<16xf32>
      %mul3A_984 = arith.mulf %add3A_983, %mul3A_961 : vector<16xf32>
      %add3A_985 = arith.constant 1.000000e+00 : f32
      %add3A_986 = vector.broadcast %add3A_985 : f32 to vector<16xf32>
      %add3A_987 = arith.addf %mul3A_984, %add3A_986 : vector<16xf32>
      %mul3A_988 = arith.mulf %mul3A_960, %add3A_987 : vector<16xf32>
      %broadcast_in_dim3A_989 = arith.constant 2.08767559E-9 : f32
      %broadcast_in_dim3A_990 = vector.broadcast %broadcast_in_dim3A_989 : f32 to vector<16xf32>
      %mul3A_991 = arith.mulf %broadcast_in_dim3A_990, %mul3A_961 : vector<16xf32>
      %add3A_992 = arith.constant -2.755732E-7 : f32
      %add3A_993 = vector.broadcast %add3A_992 : f32 to vector<16xf32>
      %add3A_994 = arith.addf %mul3A_991, %add3A_993 : vector<16xf32>
      %mul3A_995 = arith.mulf %add3A_994, %mul3A_961 : vector<16xf32>
      %add3A_996 = arith.constant 2.48015876E-5 : f32
      %add3A_997 = vector.broadcast %add3A_996 : f32 to vector<16xf32>
      %add3A_998 = arith.addf %mul3A_995, %add3A_997 : vector<16xf32>
      %mul3A_999 = arith.mulf %add3A_998, %mul3A_961 : vector<16xf32>
      %add3A_1000 = arith.constant -0.00138888892 : f32
      %add3A_1001 = vector.broadcast %add3A_1000 : f32 to vector<16xf32>
      %add3A_1002 = arith.addf %mul3A_999, %add3A_1001 : vector<16xf32>
      %mul3A_1003 = arith.mulf %add3A_1002, %mul3A_961 : vector<16xf32>
      %add3A_1004 = arith.constant 0.0416666679 : f32
      %add3A_1005 = vector.broadcast %add3A_1004 : f32 to vector<16xf32>
      %add3A_1006 = arith.addf %mul3A_1003, %add3A_1005 : vector<16xf32>
      %mul3A_1007 = arith.mulf %add3A_1006, %mul3A_961 : vector<16xf32>
      %add3A_1008 = arith.constant -5.000000e-01 : f32
      %add3A_1009 = vector.broadcast %add3A_1008 : f32 to vector<16xf32>
      %add3A_1010 = arith.addf %mul3A_1007, %add3A_1009 : vector<16xf32>
      %mul3A_1011 = arith.mulf %add3A_1010, %mul3A_961 : vector<16xf32>
      %add3A_1012 = arith.constant 1.000000e+00 : f32
      %add3A_1013 = vector.broadcast %add3A_1012 : f32 to vector<16xf32>
      %add3A_1014 = arith.addf %mul3A_1011, %add3A_1013 : vector<16xf32>
      %mul3A_1015 = arith.constant 2.000000e+00 : f32
      %mul3A_1016 = vector.broadcast %mul3A_1015 : f32 to vector<16xf32>
      %mul3A_1017 = arith.mulf %mul3A_1016, %mul3A_988 : vector<16xf32>
      %mul3A_1018 = arith.mulf %mul3A_1017, %add3A_1014 : vector<16xf32>
      %mul3A_1019 = arith.constant 2.000000e+00 : f32
      %mul3A_1020 = vector.broadcast %mul3A_1019 : f32 to vector<16xf32>
      %mul3A_1021 = arith.mulf %mul3A_1020, %mul3A_988 : vector<16xf32>
      %mul3A_1022 = arith.mulf %mul3A_1021, %mul3A_988 : vector<16xf32>
      %sub3A_1023 = arith.constant 1.000000e+00 : f32
      %sub3A_1024 = vector.broadcast %sub3A_1023 : f32 to vector<16xf32>
      %sub3A_1025 = arith.subf %sub3A_1024, %mul3A_1022 : vector<16xf32>
      %mul3A_1026 = arith.mulf %gather3A_957, %gather3A_957 : vector<16xf32>
      %broadcast_in_dim3A_1027 = arith.constant 1.60590444E-10 : f32
      %broadcast_in_dim3A_1028 = vector.broadcast %broadcast_in_dim3A_1027 : f32 to vector<16xf32>
      %mul3A_1029 = arith.mulf %broadcast_in_dim3A_1028, %mul3A_1026 : vector<16xf32>
      %add3A_1030 = arith.constant -2.50521079E-8 : f32
      %add3A_1031 = vector.broadcast %add3A_1030 : f32 to vector<16xf32>
      %add3A_1032 = arith.addf %mul3A_1029, %add3A_1031 : vector<16xf32>
      %mul3A_1033 = arith.mulf %add3A_1032, %mul3A_1026 : vector<16xf32>
      %add3A_1034 = arith.constant 2.75573188E-6 : f32
      %add3A_1035 = vector.broadcast %add3A_1034 : f32 to vector<16xf32>
      %add3A_1036 = arith.addf %mul3A_1033, %add3A_1035 : vector<16xf32>
      %mul3A_1037 = arith.mulf %add3A_1036, %mul3A_1026 : vector<16xf32>
      %add3A_1038 = arith.constant -1.98412701E-4 : f32
      %add3A_1039 = vector.broadcast %add3A_1038 : f32 to vector<16xf32>
      %add3A_1040 = arith.addf %mul3A_1037, %add3A_1039 : vector<16xf32>
      %mul3A_1041 = arith.mulf %add3A_1040, %mul3A_1026 : vector<16xf32>
      %add3A_1042 = arith.constant 0.00833333377 : f32
      %add3A_1043 = vector.broadcast %add3A_1042 : f32 to vector<16xf32>
      %add3A_1044 = arith.addf %mul3A_1041, %add3A_1043 : vector<16xf32>
      %mul3A_1045 = arith.mulf %add3A_1044, %mul3A_1026 : vector<16xf32>
      %add3A_1046 = arith.constant -0.166666672 : f32
      %add3A_1047 = vector.broadcast %add3A_1046 : f32 to vector<16xf32>
      %add3A_1048 = arith.addf %mul3A_1045, %add3A_1047 : vector<16xf32>
      %mul3A_1049 = arith.mulf %add3A_1048, %mul3A_1026 : vector<16xf32>
      %add3A_1050 = arith.constant 1.000000e+00 : f32
      %add3A_1051 = vector.broadcast %add3A_1050 : f32 to vector<16xf32>
      %add3A_1052 = arith.addf %mul3A_1049, %add3A_1051 : vector<16xf32>
      %mul3A_1053 = arith.mulf %gather3A_957, %add3A_1052 : vector<16xf32>
      %broadcast_in_dim3A_1054 = arith.constant 2.08767559E-9 : f32
      %broadcast_in_dim3A_1055 = vector.broadcast %broadcast_in_dim3A_1054 : f32 to vector<16xf32>
      %mul3A_1056 = arith.mulf %broadcast_in_dim3A_1055, %mul3A_1026 : vector<16xf32>
      %add3A_1057 = arith.constant -2.755732E-7 : f32
      %add3A_1058 = vector.broadcast %add3A_1057 : f32 to vector<16xf32>
      %add3A_1059 = arith.addf %mul3A_1056, %add3A_1058 : vector<16xf32>
      %mul3A_1060 = arith.mulf %add3A_1059, %mul3A_1026 : vector<16xf32>
      %add3A_1061 = arith.constant 2.48015876E-5 : f32
      %add3A_1062 = vector.broadcast %add3A_1061 : f32 to vector<16xf32>
      %add3A_1063 = arith.addf %mul3A_1060, %add3A_1062 : vector<16xf32>
      %mul3A_1064 = arith.mulf %add3A_1063, %mul3A_1026 : vector<16xf32>
      %add3A_1065 = arith.constant -0.00138888892 : f32
      %add3A_1066 = vector.broadcast %add3A_1065 : f32 to vector<16xf32>
      %add3A_1067 = arith.addf %mul3A_1064, %add3A_1066 : vector<16xf32>
      %mul3A_1068 = arith.mulf %add3A_1067, %mul3A_1026 : vector<16xf32>
      %add3A_1069 = arith.constant 0.0416666679 : f32
      %add3A_1070 = vector.broadcast %add3A_1069 : f32 to vector<16xf32>
      %add3A_1071 = arith.addf %mul3A_1068, %add3A_1070 : vector<16xf32>
      %mul3A_1072 = arith.mulf %add3A_1071, %mul3A_1026 : vector<16xf32>
      %add3A_1073 = arith.constant -5.000000e-01 : f32
      %add3A_1074 = vector.broadcast %add3A_1073 : f32 to vector<16xf32>
      %add3A_1075 = arith.addf %mul3A_1072, %add3A_1074 : vector<16xf32>
      %mul3A_1076 = arith.mulf %add3A_1075, %mul3A_1026 : vector<16xf32>
      %add3A_1077 = arith.constant 1.000000e+00 : f32
      %add3A_1078 = vector.broadcast %add3A_1077 : f32 to vector<16xf32>
      %add3A_1079 = arith.addf %mul3A_1076, %add3A_1078 : vector<16xf32>
      %div3A_1080 = arith.divf %mul3A_6, %mul3A_1053 : vector<16xf32>
      %mul3A_1081 = arith.mulf %add3A_1079, %mul3A_1018 : vector<16xf32>
      %mul3A_1082 = arith.mulf %mul3A_1081, %div3A_1080 : vector<16xf32>
      %mul3A_1083 = arith.mulf %add3A_1079, %sub3A_1025 : vector<16xf32>
      %mul3A_1084 = arith.mulf %mul3A_1083, %div3A_1080 : vector<16xf32>
      %add3A_1085 = arith.constant 16 : i32
      %add3A_1086 = vector.broadcast %add3A_1085 : i32 to vector<16xi32>
      %add3A_1087 = arith.addi %mul3A_9, %add3A_1086 : vector<16xi32>
      %gather3A_1088 = tpu.vector_load_idx %arg6[%add3A_1087] : memref<384xf32, #tpu.memory_space<vmem>>[vector<16xi32>], vector<16xf32>,
      %add3A_1089 = arith.constant 17 : i32
      %add3A_1090 = vector.broadcast %add3A_1089 : i32 to vector<16xi32>
      %add3A_1091 = arith.addi %mul3A_9, %add3A_1090 : vector<16xi32>
      %gather3A_1092 = tpu.vector_load_idx %arg6[%add3A_1091] : memref<384xf32, #tpu.memory_space<vmem>>[vector<16xi32>], vector<16xf32>,
      %mul3A_1093 = arith.constant 5.000000e-01 : f32
      %mul3A_1094 = vector.broadcast %mul3A_1093 : f32 to vector<16xf32>
      %mul3A_1095 = arith.mulf %gather3A_1088, %mul3A_1094 : vector<16xf32>
      %mul3A_1096 = arith.mulf %mul3A_1095, %mul3A_1095 : vector<16xf32>
      %broadcast_in_dim3A_1097 = arith.constant 1.60590444E-10 : f32
      %broadcast_in_dim3A_1098 = vector.broadcast %broadcast_in_dim3A_1097 : f32 to vector<16xf32>
      %mul3A_1099 = arith.mulf %broadcast_in_dim3A_1098, %mul3A_1096 : vector<16xf32>
      %add3A_1100 = arith.constant -2.50521079E-8 : f32
      %add3A_1101 = vector.broadcast %add3A_1100 : f32 to vector<16xf32>
      %add3A_1102 = arith.addf %mul3A_1099, %add3A_1101 : vector<16xf32>
      %mul3A_1103 = arith.mulf %add3A_1102, %mul3A_1096 : vector<16xf32>
      %add3A_1104 = arith.constant 2.75573188E-6 : f32
      %add3A_1105 = vector.broadcast %add3A_1104 : f32 to vector<16xf32>
      %add3A_1106 = arith.addf %mul3A_1103, %add3A_1105 : vector<16xf32>
      %mul3A_1107 = arith.mulf %add3A_1106, %mul3A_1096 : vector<16xf32>
      %add3A_1108 = arith.constant -1.98412701E-4 : f32
      %add3A_1109 = vector.broadcast %add3A_1108 : f32 to vector<16xf32>
      %add3A_1110 = arith.addf %mul3A_1107, %add3A_1109 : vector<16xf32>
      %mul3A_1111 = arith.mulf %add3A_1110, %mul3A_1096 : vector<16xf32>
      %add3A_1112 = arith.constant 0.00833333377 : f32
      %add3A_1113 = vector.broadcast %add3A_1112 : f32 to vector<16xf32>
      %add3A_1114 = arith.addf %mul3A_1111, %add3A_1113 : vector<16xf32>
      %mul3A_1115 = arith.mulf %add3A_1114, %mul3A_1096 : vector<16xf32>
      %add3A_1116 = arith.constant -0.166666672 : f32
      %add3A_1117 = vector.broadcast %add3A_1116 : f32 to vector<16xf32>
      %add3A_1118 = arith.addf %mul3A_1115, %add3A_1117 : vector<16xf32>
      %mul3A_1119 = arith.mulf %add3A_1118, %mul3A_1096 : vector<16xf32>
      %add3A_1120 = arith.constant 1.000000e+00 : f32
      %add3A_1121 = vector.broadcast %add3A_1120 : f32 to vector<16xf32>
      %add3A_1122 = arith.addf %mul3A_1119, %add3A_1121 : vector<16xf32>
      %mul3A_1123 = arith.mulf %mul3A_1095, %add3A_1122 : vector<16xf32>
      %broadcast_in_dim3A_1124 = arith.constant 2.08767559E-9 : f32
      %broadcast_in_dim3A_1125 = vector.broadcast %broadcast_in_dim3A_1124 : f32 to vector<16xf32>
      %mul3A_1126 = arith.mulf %broadcast_in_dim3A_1125, %mul3A_1096 : vector<16xf32>
      %add3A_1127 = arith.constant -2.755732E-7 : f32
      %add3A_1128 = vector.broadcast %add3A_1127 : f32 to vector<16xf32>
      %add3A_1129 = arith.addf %mul3A_1126, %add3A_1128 : vector<16xf32>
      %mul3A_1130 = arith.mulf %add3A_1129, %mul3A_1096 : vector<16xf32>
      %add3A_1131 = arith.constant 2.48015876E-5 : f32
      %add3A_1132 = vector.broadcast %add3A_1131 : f32 to vector<16xf32>
      %add3A_1133 = arith.addf %mul3A_1130, %add3A_1132 : vector<16xf32>
      %mul3A_1134 = arith.mulf %add3A_1133, %mul3A_1096 : vector<16xf32>
      %add3A_1135 = arith.constant -0.00138888892 : f32
      %add3A_1136 = vector.broadcast %add3A_1135 : f32 to vector<16xf32>
      %add3A_1137 = arith.addf %mul3A_1134, %add3A_1136 : vector<16xf32>
      %mul3A_1138 = arith.mulf %add3A_1137, %mul3A_1096 : vector<16xf32>
      %add3A_1139 = arith.constant 0.0416666679 : f32
      %add3A_1140 = vector.broadcast %add3A_1139 : f32 to vector<16xf32>
      %add3A_1141 = arith.addf %mul3A_1138, %add3A_1140 : vector<16xf32>
      %mul3A_1142 = arith.mulf %add3A_1141, %mul3A_1096 : vector<16xf32>
      %add3A_1143 = arith.constant -5.000000e-01 : f32
      %add3A_1144 = vector.broadcast %add3A_1143 : f32 to vector<16xf32>
      %add3A_1145 = arith.addf %mul3A_1142, %add3A_1144 : vector<16xf32>
      %mul3A_1146 = arith.mulf %add3A_1145, %mul3A_1096 : vector<16xf32>
      %add3A_1147 = arith.constant 1.000000e+00 : f32
      %add3A_1148 = vector.broadcast %add3A_1147 : f32 to vector<16xf32>
      %add3A_1149 = arith.addf %mul3A_1146, %add3A_1148 : vector<16xf32>
      %mul3A_1150 = arith.constant 2.000000e+00 : f32
      %mul3A_1151 = vector.broadcast %mul3A_1150 : f32 to vector<16xf32>
      %mul3A_1152 = arith.mulf %mul3A_1151, %mul3A_1123 : vector<16xf32>
      %mul3A_1153 = arith.mulf %mul3A_1152, %add3A_1149 : vector<16xf32>
      %mul3A_1154 = arith.constant 2.000000e+00 : f32
      %mul3A_1155 = vector.broadcast %mul3A_1154 : f32 to vector<16xf32>
      %mul3A_1156 = arith.mulf %mul3A_1155, %mul3A_1123 : vector<16xf32>
      %mul3A_1157 = arith.mulf %mul3A_1156, %mul3A_1123 : vector<16xf32>
      %sub3A_1158 = arith.constant 1.000000e+00 : f32
      %sub3A_1159 = vector.broadcast %sub3A_1158 : f32 to vector<16xf32>
      %sub3A_1160 = arith.subf %sub3A_1159, %mul3A_1157 : vector<16xf32>
      %mul3A_1161 = arith.mulf %gather3A_1092, %gather3A_1092 : vector<16xf32>
      %broadcast_in_dim3A_1162 = arith.constant 1.60590444E-10 : f32
      %broadcast_in_dim3A_1163 = vector.broadcast %broadcast_in_dim3A_1162 : f32 to vector<16xf32>
      %mul3A_1164 = arith.mulf %broadcast_in_dim3A_1163, %mul3A_1161 : vector<16xf32>
      %add3A_1165 = arith.constant -2.50521079E-8 : f32
      %add3A_1166 = vector.broadcast %add3A_1165 : f32 to vector<16xf32>
      %add3A_1167 = arith.addf %mul3A_1164, %add3A_1166 : vector<16xf32>
      %mul3A_1168 = arith.mulf %add3A_1167, %mul3A_1161 : vector<16xf32>
      %add3A_1169 = arith.constant 2.75573188E-6 : f32
      %add3A_1170 = vector.broadcast %add3A_1169 : f32 to vector<16xf32>
      %add3A_1171 = arith.addf %mul3A_1168, %add3A_1170 : vector<16xf32>
      %mul3A_1172 = arith.mulf %add3A_1171, %mul3A_1161 : vector<16xf32>
      %add3A_1173 = arith.constant -1.98412701E-4 : f32
      %add3A_1174 = vector.broadcast %add3A_1173 : f32 to vector<16xf32>
      %add3A_1175 = arith.addf %mul3A_1172, %add3A_1174 : vector<16xf32>
      %mul3A_1176 = arith.mulf %add3A_1175, %mul3A_1161 : vector<16xf32>
      %add3A_1177 = arith.constant 0.00833333377 : f32
      %add3A_1178 = vector.broadcast %add3A_1177 : f32 to vector<16xf32>
      %add3A_1179 = arith.addf %mul3A_1176, %add3A_1178 : vector<16xf32>
      %mul3A_1180 = arith.mulf %add3A_1179, %mul3A_1161 : vector<16xf32>
      %add3A_1181 = arith.constant -0.166666672 : f32
      %add3A_1182 = vector.broadcast %add3A_1181 : f32 to vector<16xf32>
      %add3A_1183 = arith.addf %mul3A_1180, %add3A_1182 : vector<16xf32>
      %mul3A_1184 = arith.mulf %add3A_1183, %mul3A_1161 : vector<16xf32>
      %add3A_1185 = arith.constant 1.000000e+00 : f32
      %add3A_1186 = vector.broadcast %add3A_1185 : f32 to vector<16xf32>
      %add3A_1187 = arith.addf %mul3A_1184, %add3A_1186 : vector<16xf32>
      %mul3A_1188 = arith.mulf %gather3A_1092, %add3A_1187 : vector<16xf32>
      %broadcast_in_dim3A_1189 = arith.constant 2.08767559E-9 : f32
      %broadcast_in_dim3A_1190 = vector.broadcast %broadcast_in_dim3A_1189 : f32 to vector<16xf32>
      %mul3A_1191 = arith.mulf %broadcast_in_dim3A_1190, %mul3A_1161 : vector<16xf32>
      %add3A_1192 = arith.constant -2.755732E-7 : f32
      %add3A_1193 = vector.broadcast %add3A_1192 : f32 to vector<16xf32>
      %add3A_1194 = arith.addf %mul3A_1191, %add3A_1193 : vector<16xf32>
      %mul3A_1195 = arith.mulf %add3A_1194, %mul3A_1161 : vector<16xf32>
      %add3A_1196 = arith.constant 2.48015876E-5 : f32
      %add3A_1197 = vector.broadcast %add3A_1196 : f32 to vector<16xf32>
      %add3A_1198 = arith.addf %mul3A_1195, %add3A_1197 : vector<16xf32>
      %mul3A_1199 = arith.mulf %add3A_1198, %mul3A_1161 : vector<16xf32>
      %add3A_1200 = arith.constant -0.00138888892 : f32
      %add3A_1201 = vector.broadcast %add3A_1200 : f32 to vector<16xf32>
      %add3A_1202 = arith.addf %mul3A_1199, %add3A_1201 : vector<16xf32>
      %mul3A_1203 = arith.mulf %add3A_1202, %mul3A_1161 : vector<16xf32>
      %add3A_1204 = arith.constant 0.0416666679 : f32
      %add3A_1205 = vector.broadcast %add3A_1204 : f32 to vector<16xf32>
      %add3A_1206 = arith.addf %mul3A_1203, %add3A_1205 : vector<16xf32>
      %mul3A_1207 = arith.mulf %add3A_1206, %mul3A_1161 : vector<16xf32>
      %add3A_1208 = arith.constant -5.000000e-01 : f32
      %add3A_1209 = vector.broadcast %add3A_1208 : f32 to vector<16xf32>
      %add3A_1210 = arith.addf %mul3A_1207, %add3A_1209 : vector<16xf32>
      %mul3A_1211 = arith.mulf %add3A_1210, %mul3A_1161 : vector<16xf32>
      %add3A_1212 = arith.constant 1.000000e+00 : f32
      %add3A_1213 = vector.broadcast %add3A_1212 : f32 to vector<16xf32>
      %add3A_1214 = arith.addf %mul3A_1211, %add3A_1213 : vector<16xf32>
      %div3A_1215 = arith.divf %mul3A_6, %mul3A_1188 : vector<16xf32>
      %mul3A_1216 = arith.mulf %add3A_1214, %mul3A_1153 : vector<16xf32>
      %mul3A_1217 = arith.mulf %mul3A_1216, %div3A_1215 : vector<16xf32>
      %mul3A_1218 = arith.mulf %add3A_1214, %sub3A_1160 : vector<16xf32>
      %mul3A_1219 = arith.mulf %mul3A_1218, %div3A_1215 : vector<16xf32>
      %add3A_1220 = arith.constant 18 : i32
      %add3A_1221 = vector.broadcast %add3A_1220 : i32 to vector<16xi32>
      %add3A_1222 = arith.addi %mul3A_9, %add3A_1221 : vector<16xi32>
      %gather3A_1223 = tpu.vector_load_idx %arg6[%add3A_1222] : memref<384xf32, #tpu.memory_space<vmem>>[vector<16xi32>], vector<16xf32>,
      %add3A_1224 = arith.constant 19 : i32
      %add3A_1225 = vector.broadcast %add3A_1224 : i32 to vector<16xi32>
      %add3A_1226 = arith.addi %mul3A_9, %add3A_1225 : vector<16xi32>
      %gather3A_1227 = tpu.vector_load_idx %arg6[%add3A_1226] : memref<384xf32, #tpu.memory_space<vmem>>[vector<16xi32>], vector<16xf32>,
      %mul3A_1228 = arith.constant 5.000000e-01 : f32
      %mul3A_1229 = vector.broadcast %mul3A_1228 : f32 to vector<16xf32>
      %mul3A_1230 = arith.mulf %gather3A_1223, %mul3A_1229 : vector<16xf32>
      %mul3A_1231 = arith.mulf %mul3A_1230, %mul3A_1230 : vector<16xf32>
      %broadcast_in_dim3A_1232 = arith.constant 1.60590444E-10 : f32
      %broadcast_in_dim3A_1233 = vector.broadcast %broadcast_in_dim3A_1232 : f32 to vector<16xf32>
      %mul3A_1234 = arith.mulf %broadcast_in_dim3A_1233, %mul3A_1231 : vector<16xf32>
      %add3A_1235 = arith.constant -2.50521079E-8 : f32
      %add3A_1236 = vector.broadcast %add3A_1235 : f32 to vector<16xf32>
      %add3A_1237 = arith.addf %mul3A_1234, %add3A_1236 : vector<16xf32>
      %mul3A_1238 = arith.mulf %add3A_1237, %mul3A_1231 : vector<16xf32>
      %add3A_1239 = arith.constant 2.75573188E-6 : f32
      %add3A_1240 = vector.broadcast %add3A_1239 : f32 to vector<16xf32>
      %add3A_1241 = arith.addf %mul3A_1238, %add3A_1240 : vector<16xf32>
      %mul3A_1242 = arith.mulf %add3A_1241, %mul3A_1231 : vector<16xf32>
      %add3A_1243 = arith.constant -1.98412701E-4 : f32
      %add3A_1244 = vector.broadcast %add3A_1243 : f32 to vector<16xf32>
      %add3A_1245 = arith.addf %mul3A_1242, %add3A_1244 : vector<16xf32>
      %mul3A_1246 = arith.mulf %add3A_1245, %mul3A_1231 : vector<16xf32>
      %add3A_1247 = arith.constant 0.00833333377 : f32
      %add3A_1248 = vector.broadcast %add3A_1247 : f32 to vector<16xf32>
      %add3A_1249 = arith.addf %mul3A_1246, %add3A_1248 : vector<16xf32>
      %mul3A_1250 = arith.mulf %add3A_1249, %mul3A_1231 : vector<16xf32>
      %add3A_1251 = arith.constant -0.166666672 : f32
      %add3A_1252 = vector.broadcast %add3A_1251 : f32 to vector<16xf32>
      %add3A_1253 = arith.addf %mul3A_1250, %add3A_1252 : vector<16xf32>
      %mul3A_1254 = arith.mulf %add3A_1253, %mul3A_1231 : vector<16xf32>
      %add3A_1255 = arith.constant 1.000000e+00 : f32
      %add3A_1256 = vector.broadcast %add3A_1255 : f32 to vector<16xf32>
      %add3A_1257 = arith.addf %mul3A_1254, %add3A_1256 : vector<16xf32>
      %mul3A_1258 = arith.mulf %mul3A_1230, %add3A_1257 : vector<16xf32>
      %broadcast_in_dim3A_1259 = arith.constant 2.08767559E-9 : f32
      %broadcast_in_dim3A_1260 = vector.broadcast %broadcast_in_dim3A_1259 : f32 to vector<16xf32>
      %mul3A_1261 = arith.mulf %broadcast_in_dim3A_1260, %mul3A_1231 : vector<16xf32>
      %add3A_1262 = arith.constant -2.755732E-7 : f32
      %add3A_1263 = vector.broadcast %add3A_1262 : f32 to vector<16xf32>
      %add3A_1264 = arith.addf %mul3A_1261, %add3A_1263 : vector<16xf32>
      %mul3A_1265 = arith.mulf %add3A_1264, %mul3A_1231 : vector<16xf32>
      %add3A_1266 = arith.constant 2.48015876E-5 : f32
      %add3A_1267 = vector.broadcast %add3A_1266 : f32 to vector<16xf32>
      %add3A_1268 = arith.addf %mul3A_1265, %add3A_1267 : vector<16xf32>
      %mul3A_1269 = arith.mulf %add3A_1268, %mul3A_1231 : vector<16xf32>
      %add3A_1270 = arith.constant -0.00138888892 : f32
      %add3A_1271 = vector.broadcast %add3A_1270 : f32 to vector<16xf32>
      %add3A_1272 = arith.addf %mul3A_1269, %add3A_1271 : vector<16xf32>
      %mul3A_1273 = arith.mulf %add3A_1272, %mul3A_1231 : vector<16xf32>
      %add3A_1274 = arith.constant 0.0416666679 : f32
      %add3A_1275 = vector.broadcast %add3A_1274 : f32 to vector<16xf32>
      %add3A_1276 = arith.addf %mul3A_1273, %add3A_1275 : vector<16xf32>
      %mul3A_1277 = arith.mulf %add3A_1276, %mul3A_1231 : vector<16xf32>
      %add3A_1278 = arith.constant -5.000000e-01 : f32
      %add3A_1279 = vector.broadcast %add3A_1278 : f32 to vector<16xf32>
      %add3A_1280 = arith.addf %mul3A_1277, %add3A_1279 : vector<16xf32>
      %mul3A_1281 = arith.mulf %add3A_1280, %mul3A_1231 : vector<16xf32>
      %add3A_1282 = arith.constant 1.000000e+00 : f32
      %add3A_1283 = vector.broadcast %add3A_1282 : f32 to vector<16xf32>
      %add3A_1284 = arith.addf %mul3A_1281, %add3A_1283 : vector<16xf32>
      %mul3A_1285 = arith.constant 2.000000e+00 : f32
      %mul3A_1286 = vector.broadcast %mul3A_1285 : f32 to vector<16xf32>
      %mul3A_1287 = arith.mulf %mul3A_1286, %mul3A_1258 : vector<16xf32>
      %mul3A_1288 = arith.mulf %mul3A_1287, %add3A_1284 : vector<16xf32>
      %mul3A_1289 = arith.constant 2.000000e+00 : f32
      %mul3A_1290 = vector.broadcast %mul3A_1289 : f32 to vector<16xf32>
      %mul3A_1291 = arith.mulf %mul3A_1290, %mul3A_1258 : vector<16xf32>
      %mul3A_1292 = arith.mulf %mul3A_1291, %mul3A_1258 : vector<16xf32>
      %sub3A_1293 = arith.constant 1.000000e+00 : f32
      %sub3A_1294 = vector.broadcast %sub3A_1293 : f32 to vector<16xf32>
      %sub3A_1295 = arith.subf %sub3A_1294, %mul3A_1292 : vector<16xf32>
      %mul3A_1296 = arith.mulf %gather3A_1227, %gather3A_1227 : vector<16xf32>
      %broadcast_in_dim3A_1297 = arith.constant 1.60590444E-10 : f32
      %broadcast_in_dim3A_1298 = vector.broadcast %broadcast_in_dim3A_1297 : f32 to vector<16xf32>
      %mul3A_1299 = arith.mulf %broadcast_in_dim3A_1298, %mul3A_1296 : vector<16xf32>
      %add3A_1300 = arith.constant -2.50521079E-8 : f32
      %add3A_1301 = vector.broadcast %add3A_1300 : f32 to vector<16xf32>
      %add3A_1302 = arith.addf %mul3A_1299, %add3A_1301 : vector<16xf32>
      %mul3A_1303 = arith.mulf %add3A_1302, %mul3A_1296 : vector<16xf32>
      %add3A_1304 = arith.constant 2.75573188E-6 : f32
      %add3A_1305 = vector.broadcast %add3A_1304 : f32 to vector<16xf32>
      %add3A_1306 = arith.addf %mul3A_1303, %add3A_1305 : vector<16xf32>
      %mul3A_1307 = arith.mulf %add3A_1306, %mul3A_1296 : vector<16xf32>
      %add3A_1308 = arith.constant -1.98412701E-4 : f32
      %add3A_1309 = vector.broadcast %add3A_1308 : f32 to vector<16xf32>
      %add3A_1310 = arith.addf %mul3A_1307, %add3A_1309 : vector<16xf32>
      %mul3A_1311 = arith.mulf %add3A_1310, %mul3A_1296 : vector<16xf32>
      %add3A_1312 = arith.constant 0.00833333377 : f32
      %add3A_1313 = vector.broadcast %add3A_1312 : f32 to vector<16xf32>
      %add3A_1314 = arith.addf %mul3A_1311, %add3A_1313 : vector<16xf32>
      %mul3A_1315 = arith.mulf %add3A_1314, %mul3A_1296 : vector<16xf32>
      %add3A_1316 = arith.constant -0.166666672 : f32
      %add3A_1317 = vector.broadcast %add3A_1316 : f32 to vector<16xf32>
      %add3A_1318 = arith.addf %mul3A_1315, %add3A_1317 : vector<16xf32>
      %mul3A_1319 = arith.mulf %add3A_1318, %mul3A_1296 : vector<16xf32>
      %add3A_1320 = arith.constant 1.000000e+00 : f32
      %add3A_1321 = vector.broadcast %add3A_1320 : f32 to vector<16xf32>
      %add3A_1322 = arith.addf %mul3A_1319, %add3A_1321 : vector<16xf32>
      %mul3A_1323 = arith.mulf %gather3A_1227, %add3A_1322 : vector<16xf32>
      %broadcast_in_dim3A_1324 = arith.constant 2.08767559E-9 : f32
      %broadcast_in_dim3A_1325 = vector.broadcast %broadcast_in_dim3A_1324 : f32 to vector<16xf32>
      %mul3A_1326 = arith.mulf %broadcast_in_dim3A_1325, %mul3A_1296 : vector<16xf32>
      %add3A_1327 = arith.constant -2.755732E-7 : f32
      %add3A_1328 = vector.broadcast %add3A_1327 : f32 to vector<16xf32>
      %add3A_1329 = arith.addf %mul3A_1326, %add3A_1328 : vector<16xf32>
      %mul3A_1330 = arith.mulf %add3A_1329, %mul3A_1296 : vector<16xf32>
      %add3A_1331 = arith.constant 2.48015876E-5 : f32
      %add3A_1332 = vector.broadcast %add3A_1331 : f32 to vector<16xf32>
      %add3A_1333 = arith.addf %mul3A_1330, %add3A_1332 : vector<16xf32>
      %mul3A_1334 = arith.mulf %add3A_1333, %mul3A_1296 : vector<16xf32>
      %add3A_1335 = arith.constant -0.00138888892 : f32
      %add3A_1336 = vector.broadcast %add3A_1335 : f32 to vector<16xf32>
      %add3A_1337 = arith.addf %mul3A_1334, %add3A_1336 : vector<16xf32>
      %mul3A_1338 = arith.mulf %add3A_1337, %mul3A_1296 : vector<16xf32>
      %add3A_1339 = arith.constant 0.0416666679 : f32
      %add3A_1340 = vector.broadcast %add3A_1339 : f32 to vector<16xf32>
      %add3A_1341 = arith.addf %mul3A_1338, %add3A_1340 : vector<16xf32>
      %mul3A_1342 = arith.mulf %add3A_1341, %mul3A_1296 : vector<16xf32>
      %add3A_1343 = arith.constant -5.000000e-01 : f32
      %add3A_1344 = vector.broadcast %add3A_1343 : f32 to vector<16xf32>
      %add3A_1345 = arith.addf %mul3A_1342, %add3A_1344 : vector<16xf32>
      %mul3A_1346 = arith.mulf %add3A_1345, %mul3A_1296 : vector<16xf32>
      %add3A_1347 = arith.constant 1.000000e+00 : f32
      %add3A_1348 = vector.broadcast %add3A_1347 : f32 to vector<16xf32>
      %add3A_1349 = arith.addf %mul3A_1346, %add3A_1348 : vector<16xf32>
      %div3A_1350 = arith.divf %mul3A_6, %mul3A_1323 : vector<16xf32>
      %mul3A_1351 = arith.mulf %add3A_1349, %mul3A_1288 : vector<16xf32>
      %mul3A_1352 = arith.mulf %mul3A_1351, %div3A_1350 : vector<16xf32>
      %mul3A_1353 = arith.mulf %add3A_1349, %sub3A_1295 : vector<16xf32>
      %mul3A_1354 = arith.mulf %mul3A_1353, %div3A_1350 : vector<16xf32>
      %add3A_1355 = arith.constant 20 : i32
      %add3A_1356 = vector.broadcast %add3A_1355 : i32 to vector<16xi32>
      %add3A_1357 = arith.addi %mul3A_9, %add3A_1356 : vector<16xi32>
      %gather3A_1358 = tpu.vector_load_idx %arg6[%add3A_1357] : memref<384xf32, #tpu.memory_space<vmem>>[vector<16xi32>], vector<16xf32>,
      %add3A_1359 = arith.constant 21 : i32
      %add3A_1360 = vector.broadcast %add3A_1359 : i32 to vector<16xi32>
      %add3A_1361 = arith.addi %mul3A_9, %add3A_1360 : vector<16xi32>
      %gather3A_1362 = tpu.vector_load_idx %arg6[%add3A_1361] : memref<384xf32, #tpu.memory_space<vmem>>[vector<16xi32>], vector<16xf32>,
      %mul3A_1363 = arith.constant 5.000000e-01 : f32
      %mul3A_1364 = vector.broadcast %mul3A_1363 : f32 to vector<16xf32>
      %mul3A_1365 = arith.mulf %gather3A_1358, %mul3A_1364 : vector<16xf32>
      %mul3A_1366 = arith.mulf %mul3A_1365, %mul3A_1365 : vector<16xf32>
      %broadcast_in_dim3A_1367 = arith.constant 1.60590444E-10 : f32
      %broadcast_in_dim3A_1368 = vector.broadcast %broadcast_in_dim3A_1367 : f32 to vector<16xf32>
      %mul3A_1369 = arith.mulf %broadcast_in_dim3A_1368, %mul3A_1366 : vector<16xf32>
      %add3A_1370 = arith.constant -2.50521079E-8 : f32
      %add3A_1371 = vector.broadcast %add3A_1370 : f32 to vector<16xf32>
      %add3A_1372 = arith.addf %mul3A_1369, %add3A_1371 : vector<16xf32>
      %mul3A_1373 = arith.mulf %add3A_1372, %mul3A_1366 : vector<16xf32>
      %add3A_1374 = arith.constant 2.75573188E-6 : f32
      %add3A_1375 = vector.broadcast %add3A_1374 : f32 to vector<16xf32>
      %add3A_1376 = arith.addf %mul3A_1373, %add3A_1375 : vector<16xf32>
      %mul3A_1377 = arith.mulf %add3A_1376, %mul3A_1366 : vector<16xf32>
      %add3A_1378 = arith.constant -1.98412701E-4 : f32
      %add3A_1379 = vector.broadcast %add3A_1378 : f32 to vector<16xf32>
      %add3A_1380 = arith.addf %mul3A_1377, %add3A_1379 : vector<16xf32>
      %mul3A_1381 = arith.mulf %add3A_1380, %mul3A_1366 : vector<16xf32>
      %add3A_1382 = arith.constant 0.00833333377 : f32
      %add3A_1383 = vector.broadcast %add3A_1382 : f32 to vector<16xf32>
      %add3A_1384 = arith.addf %mul3A_1381, %add3A_1383 : vector<16xf32>
      %mul3A_1385 = arith.mulf %add3A_1384, %mul3A_1366 : vector<16xf32>
      %add3A_1386 = arith.constant -0.166666672 : f32
      %add3A_1387 = vector.broadcast %add3A_1386 : f32 to vector<16xf32>
      %add3A_1388 = arith.addf %mul3A_1385, %add3A_1387 : vector<16xf32>
      %mul3A_1389 = arith.mulf %add3A_1388, %mul3A_1366 : vector<16xf32>
      %add3A_1390 = arith.constant 1.000000e+00 : f32
      %add3A_1391 = vector.broadcast %add3A_1390 : f32 to vector<16xf32>
      %add3A_1392 = arith.addf %mul3A_1389, %add3A_1391 : vector<16xf32>
      %mul3A_1393 = arith.mulf %mul3A_1365, %add3A_1392 : vector<16xf32>
      %broadcast_in_dim3A_1394 = arith.constant 2.08767559E-9 : f32
      %broadcast_in_dim3A_1395 = vector.broadcast %broadcast_in_dim3A_1394 : f32 to vector<16xf32>
      %mul3A_1396 = arith.mulf %broadcast_in_dim3A_1395, %mul3A_1366 : vector<16xf32>
      %add3A_1397 = arith.constant -2.755732E-7 : f32
      %add3A_1398 = vector.broadcast %add3A_1397 : f32 to vector<16xf32>
      %add3A_1399 = arith.addf %mul3A_1396, %add3A_1398 : vector<16xf32>
      %mul3A_1400 = arith.mulf %add3A_1399, %mul3A_1366 : vector<16xf32>
      %add3A_1401 = arith.constant 2.48015876E-5 : f32
      %add3A_1402 = vector.broadcast %add3A_1401 : f32 to vector<16xf32>
      %add3A_1403 = arith.addf %mul3A_1400, %add3A_1402 : vector<16xf32>
      %mul3A_1404 = arith.mulf %add3A_1403, %mul3A_1366 : vector<16xf32>
      %add3A_1405 = arith.constant -0.00138888892 : f32
      %add3A_1406 = vector.broadcast %add3A_1405 : f32 to vector<16xf32>
      %add3A_1407 = arith.addf %mul3A_1404, %add3A_1406 : vector<16xf32>
      %mul3A_1408 = arith.mulf %add3A_1407, %mul3A_1366 : vector<16xf32>
      %add3A_1409 = arith.constant 0.0416666679 : f32
      %add3A_1410 = vector.broadcast %add3A_1409 : f32 to vector<16xf32>
      %add3A_1411 = arith.addf %mul3A_1408, %add3A_1410 : vector<16xf32>
      %mul3A_1412 = arith.mulf %add3A_1411, %mul3A_1366 : vector<16xf32>
      %add3A_1413 = arith.constant -5.000000e-01 : f32
      %add3A_1414 = vector.broadcast %add3A_1413 : f32 to vector<16xf32>
      %add3A_1415 = arith.addf %mul3A_1412, %add3A_1414 : vector<16xf32>
      %mul3A_1416 = arith.mulf %add3A_1415, %mul3A_1366 : vector<16xf32>
      %add3A_1417 = arith.constant 1.000000e+00 : f32
      %add3A_1418 = vector.broadcast %add3A_1417 : f32 to vector<16xf32>
      %add3A_1419 = arith.addf %mul3A_1416, %add3A_1418 : vector<16xf32>
      %mul3A_1420 = arith.constant 2.000000e+00 : f32
      %mul3A_1421 = vector.broadcast %mul3A_1420 : f32 to vector<16xf32>
      %mul3A_1422 = arith.mulf %mul3A_1421, %mul3A_1393 : vector<16xf32>
      %mul3A_1423 = arith.mulf %mul3A_1422, %add3A_1419 : vector<16xf32>
      %mul3A_1424 = arith.constant 2.000000e+00 : f32
      %mul3A_1425 = vector.broadcast %mul3A_1424 : f32 to vector<16xf32>
      %mul3A_1426 = arith.mulf %mul3A_1425, %mul3A_1393 : vector<16xf32>
      %mul3A_1427 = arith.mulf %mul3A_1426, %mul3A_1393 : vector<16xf32>
      %sub3A_1428 = arith.constant 1.000000e+00 : f32
      %sub3A_1429 = vector.broadcast %sub3A_1428 : f32 to vector<16xf32>
      %sub3A_1430 = arith.subf %sub3A_1429, %mul3A_1427 : vector<16xf32>
      %mul3A_1431 = arith.mulf %gather3A_1362, %gather3A_1362 : vector<16xf32>
      %broadcast_in_dim3A_1432 = arith.constant 1.60590444E-10 : f32
      %broadcast_in_dim3A_1433 = vector.broadcast %broadcast_in_dim3A_1432 : f32 to vector<16xf32>
      %mul3A_1434 = arith.mulf %broadcast_in_dim3A_1433, %mul3A_1431 : vector<16xf32>
      %add3A_1435 = arith.constant -2.50521079E-8 : f32
      %add3A_1436 = vector.broadcast %add3A_1435 : f32 to vector<16xf32>
      %add3A_1437 = arith.addf %mul3A_1434, %add3A_1436 : vector<16xf32>
      %mul3A_1438 = arith.mulf %add3A_1437, %mul3A_1431 : vector<16xf32>
      %add3A_1439 = arith.constant 2.75573188E-6 : f32
      %add3A_1440 = vector.broadcast %add3A_1439 : f32 to vector<16xf32>
      %add3A_1441 = arith.addf %mul3A_1438, %add3A_1440 : vector<16xf32>
      %mul3A_1442 = arith.mulf %add3A_1441, %mul3A_1431 : vector<16xf32>
      %add3A_1443 = arith.constant -1.98412701E-4 : f32
      %add3A_1444 = vector.broadcast %add3A_1443 : f32 to vector<16xf32>
      %add3A_1445 = arith.addf %mul3A_1442, %add3A_1444 : vector<16xf32>
      %mul3A_1446 = arith.mulf %add3A_1445, %mul3A_1431 : vector<16xf32>
      %add3A_1447 = arith.constant 0.00833333377 : f32
      %add3A_1448 = vector.broadcast %add3A_1447 : f32 to vector<16xf32>
      %add3A_1449 = arith.addf %mul3A_1446, %add3A_1448 : vector<16xf32>
      %mul3A_1450 = arith.mulf %add3A_1449, %mul3A_1431 : vector<16xf32>
      %add3A_1451 = arith.constant -0.166666672 : f32
      %add3A_1452 = vector.broadcast %add3A_1451 : f32 to vector<16xf32>
      %add3A_1453 = arith.addf %mul3A_1450, %add3A_1452 : vector<16xf32>
      %mul3A_1454 = arith.mulf %add3A_1453, %mul3A_1431 : vector<16xf32>
      %add3A_1455 = arith.constant 1.000000e+00 : f32
      %add3A_1456 = vector.broadcast %add3A_1455 : f32 to vector<16xf32>
      %add3A_1457 = arith.addf %mul3A_1454, %add3A_1456 : vector<16xf32>
      %mul3A_1458 = arith.mulf %gather3A_1362, %add3A_1457 : vector<16xf32>
      %broadcast_in_dim3A_1459 = arith.constant 2.08767559E-9 : f32
      %broadcast_in_dim3A_1460 = vector.broadcast %broadcast_in_dim3A_1459 : f32 to vector<16xf32>
      %mul3A_1461 = arith.mulf %broadcast_in_dim3A_1460, %mul3A_1431 : vector<16xf32>
      %add3A_1462 = arith.constant -2.755732E-7 : f32
      %add3A_1463 = vector.broadcast %add3A_1462 : f32 to vector<16xf32>
      %add3A_1464 = arith.addf %mul3A_1461, %add3A_1463 : vector<16xf32>
      %mul3A_1465 = arith.mulf %add3A_1464, %mul3A_1431 : vector<16xf32>
      %add3A_1466 = arith.constant 2.48015876E-5 : f32
      %add3A_1467 = vector.broadcast %add3A_1466 : f32 to vector<16xf32>
      %add3A_1468 = arith.addf %mul3A_1465, %add3A_1467 : vector<16xf32>
      %mul3A_1469 = arith.mulf %add3A_1468, %mul3A_1431 : vector<16xf32>
      %add3A_1470 = arith.constant -0.00138888892 : f32
      %add3A_1471 = vector.broadcast %add3A_1470 : f32 to vector<16xf32>
      %add3A_1472 = arith.addf %mul3A_1469, %add3A_1471 : vector<16xf32>
      %mul3A_1473 = arith.mulf %add3A_1472, %mul3A_1431 : vector<16xf32>
      %add3A_1474 = arith.constant 0.0416666679 : f32
      %add3A_1475 = vector.broadcast %add3A_1474 : f32 to vector<16xf32>
      %add3A_1476 = arith.addf %mul3A_1473, %add3A_1475 : vector<16xf32>
      %mul3A_1477 = arith.mulf %add3A_1476, %mul3A_1431 : vector<16xf32>
      %add3A_1478 = arith.constant -5.000000e-01 : f32
      %add3A_1479 = vector.broadcast %add3A_1478 : f32 to vector<16xf32>
      %add3A_1480 = arith.addf %mul3A_1477, %add3A_1479 : vector<16xf32>
      %mul3A_1481 = arith.mulf %add3A_1480, %mul3A_1431 : vector<16xf32>
      %add3A_1482 = arith.constant 1.000000e+00 : f32
      %add3A_1483 = vector.broadcast %add3A_1482 : f32 to vector<16xf32>
      %add3A_1484 = arith.addf %mul3A_1481, %add3A_1483 : vector<16xf32>
      %div3A_1485 = arith.divf %mul3A_6, %mul3A_1458 : vector<16xf32>
      %mul3A_1486 = arith.mulf %add3A_1484, %mul3A_1423 : vector<16xf32>
      %mul3A_1487 = arith.mulf %mul3A_1486, %div3A_1485 : vector<16xf32>
      %mul3A_1488 = arith.mulf %add3A_1484, %sub3A_1430 : vector<16xf32>
      %mul3A_1489 = arith.mulf %mul3A_1488, %div3A_1485 : vector<16xf32>
      %add3A_1490 = arith.constant 22 : i32
      %add3A_1491 = vector.broadcast %add3A_1490 : i32 to vector<16xi32>
      %add3A_1492 = arith.addi %mul3A_9, %add3A_1491 : vector<16xi32>
      %gather3A_1493 = tpu.vector_load_idx %arg6[%add3A_1492] : memref<384xf32, #tpu.memory_space<vmem>>[vector<16xi32>], vector<16xf32>,
      %add3A_1494 = arith.constant 23 : i32
      %add3A_1495 = vector.broadcast %add3A_1494 : i32 to vector<16xi32>
      %add3A_1496 = arith.addi %mul3A_9, %add3A_1495 : vector<16xi32>
      %gather3A_1497 = tpu.vector_load_idx %arg6[%add3A_1496] : memref<384xf32, #tpu.memory_space<vmem>>[vector<16xi32>], vector<16xf32>,
      %mul3A_1498 = arith.constant 5.000000e-01 : f32
      %mul3A_1499 = vector.broadcast %mul3A_1498 : f32 to vector<16xf32>
      %mul3A_1500 = arith.mulf %gather3A_1493, %mul3A_1499 : vector<16xf32>
      %mul3A_1501 = arith.mulf %mul3A_1500, %mul3A_1500 : vector<16xf32>
      %broadcast_in_dim3A_1502 = arith.constant 1.60590444E-10 : f32
      %broadcast_in_dim3A_1503 = vector.broadcast %broadcast_in_dim3A_1502 : f32 to vector<16xf32>
      %mul3A_1504 = arith.mulf %broadcast_in_dim3A_1503, %mul3A_1501 : vector<16xf32>
      %add3A_1505 = arith.constant -2.50521079E-8 : f32
      %add3A_1506 = vector.broadcast %add3A_1505 : f32 to vector<16xf32>
      %add3A_1507 = arith.addf %mul3A_1504, %add3A_1506 : vector<16xf32>
      %mul3A_1508 = arith.mulf %add3A_1507, %mul3A_1501 : vector<16xf32>
      %add3A_1509 = arith.constant 2.75573188E-6 : f32
      %add3A_1510 = vector.broadcast %add3A_1509 : f32 to vector<16xf32>
      %add3A_1511 = arith.addf %mul3A_1508, %add3A_1510 : vector<16xf32>
      %mul3A_1512 = arith.mulf %add3A_1511, %mul3A_1501 : vector<16xf32>
      %add3A_1513 = arith.constant -1.98412701E-4 : f32
      %add3A_1514 = vector.broadcast %add3A_1513 : f32 to vector<16xf32>
      %add3A_1515 = arith.addf %mul3A_1512, %add3A_1514 : vector<16xf32>
      %mul3A_1516 = arith.mulf %add3A_1515, %mul3A_1501 : vector<16xf32>
      %add3A_1517 = arith.constant 0.00833333377 : f32
      %add3A_1518 = vector.broadcast %add3A_1517 : f32 to vector<16xf32>
      %add3A_1519 = arith.addf %mul3A_1516, %add3A_1518 : vector<16xf32>
      %mul3A_1520 = arith.mulf %add3A_1519, %mul3A_1501 : vector<16xf32>
      %add3A_1521 = arith.constant -0.166666672 : f32
      %add3A_1522 = vector.broadcast %add3A_1521 : f32 to vector<16xf32>
      %add3A_1523 = arith.addf %mul3A_1520, %add3A_1522 : vector<16xf32>
      %mul3A_1524 = arith.mulf %add3A_1523, %mul3A_1501 : vector<16xf32>
      %add3A_1525 = arith.constant 1.000000e+00 : f32
      %add3A_1526 = vector.broadcast %add3A_1525 : f32 to vector<16xf32>
      %add3A_1527 = arith.addf %mul3A_1524, %add3A_1526 : vector<16xf32>
      %mul3A_1528 = arith.mulf %mul3A_1500, %add3A_1527 : vector<16xf32>
      %broadcast_in_dim3A_1529 = arith.constant 2.08767559E-9 : f32
      %broadcast_in_dim3A_1530 = vector.broadcast %broadcast_in_dim3A_1529 : f32 to vector<16xf32>
      %mul3A_1531 = arith.mulf %broadcast_in_dim3A_1530, %mul3A_1501 : vector<16xf32>
      %add3A_1532 = arith.constant -2.755732E-7 : f32
      %add3A_1533 = vector.broadcast %add3A_1532 : f32 to vector<16xf32>
      %add3A_1534 = arith.addf %mul3A_1531, %add3A_1533 : vector<16xf32>
      %mul3A_1535 = arith.mulf %add3A_1534, %mul3A_1501 : vector<16xf32>
      %add3A_1536 = arith.constant 2.48015876E-5 : f32
      %add3A_1537 = vector.broadcast %add3A_1536 : f32 to vector<16xf32>
      %add3A_1538 = arith.addf %mul3A_1535, %add3A_1537 : vector<16xf32>
      %mul3A_1539 = arith.mulf %add3A_1538, %mul3A_1501 : vector<16xf32>
      %add3A_1540 = arith.constant -0.00138888892 : f32
      %add3A_1541 = vector.broadcast %add3A_1540 : f32 to vector<16xf32>
      %add3A_1542 = arith.addf %mul3A_1539, %add3A_1541 : vector<16xf32>
      %mul3A_1543 = arith.mulf %add3A_1542, %mul3A_1501 : vector<16xf32>
      %add3A_1544 = arith.constant 0.0416666679 : f32
      %add3A_1545 = vector.broadcast %add3A_1544 : f32 to vector<16xf32>
      %add3A_1546 = arith.addf %mul3A_1543, %add3A_1545 : vector<16xf32>
      %mul3A_1547 = arith.mulf %add3A_1546, %mul3A_1501 : vector<16xf32>
      %add3A_1548 = arith.constant -5.000000e-01 : f32
      %add3A_1549 = vector.broadcast %add3A_1548 : f32 to vector<16xf32>
      %add3A_1550 = arith.addf %mul3A_1547, %add3A_1549 : vector<16xf32>
      %mul3A_1551 = arith.mulf %add3A_1550, %mul3A_1501 : vector<16xf32>
      %add3A_1552 = arith.constant 1.000000e+00 : f32
      %add3A_1553 = vector.broadcast %add3A_1552 : f32 to vector<16xf32>
      %add3A_1554 = arith.addf %mul3A_1551, %add3A_1553 : vector<16xf32>
      %mul3A_1555 = arith.constant 2.000000e+00 : f32
      %mul3A_1556 = vector.broadcast %mul3A_1555 : f32 to vector<16xf32>
      %mul3A_1557 = arith.mulf %mul3A_1556, %mul3A_1528 : vector<16xf32>
      %mul3A_1558 = arith.mulf %mul3A_1557, %add3A_1554 : vector<16xf32>
      %mul3A_1559 = arith.constant 2.000000e+00 : f32
      %mul3A_1560 = vector.broadcast %mul3A_1559 : f32 to vector<16xf32>
      %mul3A_1561 = arith.mulf %mul3A_1560, %mul3A_1528 : vector<16xf32>
      %mul3A_1562 = arith.mulf %mul3A_1561, %mul3A_1528 : vector<16xf32>
      %sub3A_1563 = arith.constant 1.000000e+00 : f32
      %sub3A_1564 = vector.broadcast %sub3A_1563 : f32 to vector<16xf32>
      %sub3A_1565 = arith.subf %sub3A_1564, %mul3A_1562 : vector<16xf32>
      %mul3A_1566 = arith.mulf %gather3A_1497, %gather3A_1497 : vector<16xf32>
      %broadcast_in_dim3A_1567 = arith.constant 1.60590444E-10 : f32
      %broadcast_in_dim3A_1568 = vector.broadcast %broadcast_in_dim3A_1567 : f32 to vector<16xf32>
      %mul3A_1569 = arith.mulf %broadcast_in_dim3A_1568, %mul3A_1566 : vector<16xf32>
      %add3A_1570 = arith.constant -2.50521079E-8 : f32
      %add3A_1571 = vector.broadcast %add3A_1570 : f32 to vector<16xf32>
      %add3A_1572 = arith.addf %mul3A_1569, %add3A_1571 : vector<16xf32>
      %mul3A_1573 = arith.mulf %add3A_1572, %mul3A_1566 : vector<16xf32>
      %add3A_1574 = arith.constant 2.75573188E-6 : f32
      %add3A_1575 = vector.broadcast %add3A_1574 : f32 to vector<16xf32>
      %add3A_1576 = arith.addf %mul3A_1573, %add3A_1575 : vector<16xf32>
      %mul3A_1577 = arith.mulf %add3A_1576, %mul3A_1566 : vector<16xf32>
      %add3A_1578 = arith.constant -1.98412701E-4 : f32
      %add3A_1579 = vector.broadcast %add3A_1578 : f32 to vector<16xf32>
      %add3A_1580 = arith.addf %mul3A_1577, %add3A_1579 : vector<16xf32>
      %mul3A_1581 = arith.mulf %add3A_1580, %mul3A_1566 : vector<16xf32>
      %add3A_1582 = arith.constant 0.00833333377 : f32
      %add3A_1583 = vector.broadcast %add3A_1582 : f32 to vector<16xf32>
      %add3A_1584 = arith.addf %mul3A_1581, %add3A_1583 : vector<16xf32>
      %mul3A_1585 = arith.mulf %add3A_1584, %mul3A_1566 : vector<16xf32>
      %add3A_1586 = arith.constant -0.166666672 : f32
      %add3A_1587 = vector.broadcast %add3A_1586 : f32 to vector<16xf32>
      %add3A_1588 = arith.addf %mul3A_1585, %add3A_1587 : vector<16xf32>
      %mul3A_1589 = arith.mulf %add3A_1588, %mul3A_1566 : vector<16xf32>
      %add3A_1590 = arith.constant 1.000000e+00 : f32
      %add3A_1591 = vector.broadcast %add3A_1590 : f32 to vector<16xf32>
      %add3A_1592 = arith.addf %mul3A_1589, %add3A_1591 : vector<16xf32>
      %mul3A_1593 = arith.mulf %gather3A_1497, %add3A_1592 : vector<16xf32>
      %broadcast_in_dim3A_1594 = arith.constant 2.08767559E-9 : f32
      %broadcast_in_dim3A_1595 = vector.broadcast %broadcast_in_dim3A_1594 : f32 to vector<16xf32>
      %mul3A_1596 = arith.mulf %broadcast_in_dim3A_1595, %mul3A_1566 : vector<16xf32>
      %add3A_1597 = arith.constant -2.755732E-7 : f32
      %add3A_1598 = vector.broadcast %add3A_1597 : f32 to vector<16xf32>
      %add3A_1599 = arith.addf %mul3A_1596, %add3A_1598 : vector<16xf32>
      %mul3A_1600 = arith.mulf %add3A_1599, %mul3A_1566 : vector<16xf32>
      %add3A_1601 = arith.constant 2.48015876E-5 : f32
      %add3A_1602 = vector.broadcast %add3A_1601 : f32 to vector<16xf32>
      %add3A_1603 = arith.addf %mul3A_1600, %add3A_1602 : vector<16xf32>
      %mul3A_1604 = arith.mulf %add3A_1603, %mul3A_1566 : vector<16xf32>
      %add3A_1605 = arith.constant -0.00138888892 : f32
      %add3A_1606 = vector.broadcast %add3A_1605 : f32 to vector<16xf32>
      %add3A_1607 = arith.addf %mul3A_1604, %add3A_1606 : vector<16xf32>
      %mul3A_1608 = arith.mulf %add3A_1607, %mul3A_1566 : vector<16xf32>
      %add3A_1609 = arith.constant 0.0416666679 : f32
      %add3A_1610 = vector.broadcast %add3A_1609 : f32 to vector<16xf32>
      %add3A_1611 = arith.addf %mul3A_1608, %add3A_1610 : vector<16xf32>
      %mul3A_1612 = arith.mulf %add3A_1611, %mul3A_1566 : vector<16xf32>
      %add3A_1613 = arith.constant -5.000000e-01 : f32
      %add3A_1614 = vector.broadcast %add3A_1613 : f32 to vector<16xf32>
      %add3A_1615 = arith.addf %mul3A_1612, %add3A_1614 : vector<16xf32>
      %mul3A_1616 = arith.mulf %add3A_1615, %mul3A_1566 : vector<16xf32>
      %add3A_1617 = arith.constant 1.000000e+00 : f32
      %add3A_1618 = vector.broadcast %add3A_1617 : f32 to vector<16xf32>
      %add3A_1619 = arith.addf %mul3A_1616, %add3A_1618 : vector<16xf32>
      %div3A_1620 = arith.divf %mul3A_6, %mul3A_1593 : vector<16xf32>
      %mul3A_1621 = arith.mulf %add3A_1619, %mul3A_1558 : vector<16xf32>
      %mul3A_1622 = arith.mulf %mul3A_1621, %div3A_1620 : vector<16xf32>
      %mul3A_1623 = arith.mulf %add3A_1619, %sub3A_1565 : vector<16xf32>
      %mul3A_1624 = arith.mulf %mul3A_1623, %div3A_1620 : vector<16xf32>
      %gt3A = arith.constant 1 : i32
      %gt3A_1625 = vector.broadcast %gt3A : i32 to vector<16xi32>
      %gt3A_1626 = arith.cmpi sgt, %get3A_2, %gt3A_1625 : vector<16xi32>
      %select_n3A = arith.select %gt3A_1626, %mul3A_272, %mul3A_137 : vector<16xi1>, vector<16xf32>
      %select_n3A_1627 = arith.select %gt3A_1626, %mul3A_274, %mul3A_139 : vector<16xi1>, vector<16xf32>
      %sub3A_1628 = arith.subf %select_n3A, %mul3A_137 : vector<16xf32>
      %sub3A_1629 = arith.subf %select_n3A_1627, %mul3A_139 : vector<16xf32>
      %mul3A_1630 = arith.mulf %sub3A_1628, %sub3A_1628 : vector<16xf32>
      %mul3A_1631 = arith.mulf %sub3A_1629, %sub3A_1629 : vector<16xf32>
      %add3A_1632 = arith.addf %mul3A_1630, %mul3A_1631 : vector<16xf32>
      %bitcast3A = vector.bitcast %add3A_1632 : vector<16xf32> to vector<16xi32>
      %shift_right_logical3A = arith.constant 1 : i32
      %shift_right_logical3A_1633 = vector.broadcast %shift_right_logical3A : i32 to vector<16xi32>
      %shift_right_logical3A_1634 = arith.shrui %bitcast3A, %shift_right_logical3A_1633 : vector<16xi32>
      %sub3A_1635 = arith.constant 1597463007 : i32
      %sub3A_1636 = vector.broadcast %sub3A_1635 : i32 to vector<16xi32>
      %sub3A_1637 = arith.subi %sub3A_1636, %shift_right_logical3A_1634 : vector<16xi32>
      %bitcast3A_1638 = vector.bitcast %sub3A_1637 : vector<16xi32> to vector<16xf32>
      %mul3A_1639 = arith.constant 5.000000e-01 : f32
      %mul3A_1640 = vector.broadcast %mul3A_1639 : f32 to vector<16xf32>
      %mul3A_1641 = arith.mulf %mul3A_1640, %add3A_1632 : vector<16xf32>
      %mul3A_1642 = arith.mulf %mul3A_1641, %bitcast3A_1638 : vector<16xf32>
      %mul3A_1643 = arith.mulf %mul3A_1642, %bitcast3A_1638 : vector<16xf32>
      %sub3A_1644 = arith.constant 1.500000e+00 : f32
      %sub3A_1645 = vector.broadcast %sub3A_1644 : f32 to vector<16xf32>
      %sub3A_1646 = arith.subf %sub3A_1645, %mul3A_1643 : vector<16xf32>
      %mul3A_1647 = arith.mulf %bitcast3A_1638, %sub3A_1646 : vector<16xf32>
      %mul3A_1648 = arith.constant 5.000000e-01 : f32
      %mul3A_1649 = vector.broadcast %mul3A_1648 : f32 to vector<16xf32>
      %mul3A_1650 = arith.mulf %mul3A_1649, %add3A_1632 : vector<16xf32>
      %mul3A_1651 = arith.mulf %mul3A_1650, %mul3A_1647 : vector<16xf32>
      %mul3A_1652 = arith.mulf %mul3A_1651, %mul3A_1647 : vector<16xf32>
      %sub3A_1653 = arith.constant 1.500000e+00 : f32
      %sub3A_1654 = vector.broadcast %sub3A_1653 : f32 to vector<16xf32>
      %sub3A_1655 = arith.subf %sub3A_1654, %mul3A_1652 : vector<16xf32>
      %mul3A_1656 = arith.mulf %mul3A_1647, %sub3A_1655 : vector<16xf32>
      %neg3A = arith.constant 0.000000e+00 : f32
      %neg3A_1657 = vector.broadcast %neg3A : f32 to vector<16xf32>
      %neg3A_1658 = arith.subf %neg3A_1657, %sub3A_1629 : vector<16xf32>
      %mul3A_1659 = arith.mulf %neg3A_1658, %mul3A_1656 : vector<16xf32>
      %mul3A_1660 = arith.mulf %sub3A_1628, %mul3A_1656 : vector<16xf32>
      %gt3A_1661 = arith.constant 2 : i32
      %gt3A_1662 = vector.broadcast %gt3A_1661 : i32 to vector<16xi32>
      %gt3A_1663 = arith.cmpi sgt, %get3A_2, %gt3A_1662 : vector<16xi32>
      %select_n3A_1664 = arith.select %gt3A_1663, %mul3A_407, %mul3A_137 : vector<16xi1>, vector<16xf32>
      %select_n3A_1665 = arith.select %gt3A_1663, %mul3A_409, %mul3A_139 : vector<16xi1>, vector<16xf32>
      %sub3A_1666 = arith.subf %select_n3A_1664, %mul3A_272 : vector<16xf32>
      %sub3A_1667 = arith.subf %select_n3A_1665, %mul3A_274 : vector<16xf32>
      %mul3A_1668 = arith.mulf %sub3A_1666, %sub3A_1666 : vector<16xf32>
      %mul3A_1669 = arith.mulf %sub3A_1667, %sub3A_1667 : vector<16xf32>
      %add3A_1670 = arith.addf %mul3A_1668, %mul3A_1669 : vector<16xf32>
      %bitcast3A_1671 = vector.bitcast %add3A_1670 : vector<16xf32> to vector<16xi32>
      %shift_right_logical3A_1672 = arith.constant 1 : i32
      %shift_right_logical3A_1673 = vector.broadcast %shift_right_logical3A_1672 : i32 to vector<16xi32>
      %shift_right_logical3A_1674 = arith.shrui %bitcast3A_1671, %shift_right_logical3A_1673 : vector<16xi32>
      %sub3A_1675 = arith.constant 1597463007 : i32
      %sub3A_1676 = vector.broadcast %sub3A_1675 : i32 to vector<16xi32>
      %sub3A_1677 = arith.subi %sub3A_1676, %shift_right_logical3A_1674 : vector<16xi32>
      %bitcast3A_1678 = vector.bitcast %sub3A_1677 : vector<16xi32> to vector<16xf32>
      %mul3A_1679 = arith.constant 5.000000e-01 : f32
      %mul3A_1680 = vector.broadcast %mul3A_1679 : f32 to vector<16xf32>
      %mul3A_1681 = arith.mulf %mul3A_1680, %add3A_1670 : vector<16xf32>
      %mul3A_1682 = arith.mulf %mul3A_1681, %bitcast3A_1678 : vector<16xf32>
      %mul3A_1683 = arith.mulf %mul3A_1682, %bitcast3A_1678 : vector<16xf32>
      %sub3A_1684 = arith.constant 1.500000e+00 : f32
      %sub3A_1685 = vector.broadcast %sub3A_1684 : f32 to vector<16xf32>
      %sub3A_1686 = arith.subf %sub3A_1685, %mul3A_1683 : vector<16xf32>
      %mul3A_1687 = arith.mulf %bitcast3A_1678, %sub3A_1686 : vector<16xf32>
      %mul3A_1688 = arith.constant 5.000000e-01 : f32
      %mul3A_1689 = vector.broadcast %mul3A_1688 : f32 to vector<16xf32>
      %mul3A_1690 = arith.mulf %mul3A_1689, %add3A_1670 : vector<16xf32>
      %mul3A_1691 = arith.mulf %mul3A_1690, %mul3A_1687 : vector<16xf32>
      %mul3A_1692 = arith.mulf %mul3A_1691, %mul3A_1687 : vector<16xf32>
      %sub3A_1693 = arith.constant 1.500000e+00 : f32
      %sub3A_1694 = vector.broadcast %sub3A_1693 : f32 to vector<16xf32>
      %sub3A_1695 = arith.subf %sub3A_1694, %mul3A_1692 : vector<16xf32>
      %mul3A_1696 = arith.mulf %mul3A_1687, %sub3A_1695 : vector<16xf32>
      %neg3A_1697 = arith.constant 0.000000e+00 : f32
      %neg3A_1698 = vector.broadcast %neg3A_1697 : f32 to vector<16xf32>
      %neg3A_1699 = arith.subf %neg3A_1698, %sub3A_1667 : vector<16xf32>
      %mul3A_1700 = arith.mulf %neg3A_1699, %mul3A_1696 : vector<16xf32>
      %mul3A_1701 = arith.mulf %sub3A_1666, %mul3A_1696 : vector<16xf32>
      %gt3A_1702 = arith.constant 3 : i32
      %gt3A_1703 = vector.broadcast %gt3A_1702 : i32 to vector<16xi32>
      %gt3A_1704 = arith.cmpi sgt, %get3A_2, %gt3A_1703 : vector<16xi32>
      %select_n3A_1705 = arith.select %gt3A_1704, %mul3A_542, %mul3A_137 : vector<16xi1>, vector<16xf32>
      %select_n3A_1706 = arith.select %gt3A_1704, %mul3A_544, %mul3A_139 : vector<16xi1>, vector<16xf32>
      %sub3A_1707 = arith.subf %select_n3A_1705, %mul3A_407 : vector<16xf32>
      %sub3A_1708 = arith.subf %select_n3A_1706, %mul3A_409 : vector<16xf32>
      %mul3A_1709 = arith.mulf %sub3A_1707, %sub3A_1707 : vector<16xf32>
      %mul3A_1710 = arith.mulf %sub3A_1708, %sub3A_1708 : vector<16xf32>
      %add3A_1711 = arith.addf %mul3A_1709, %mul3A_1710 : vector<16xf32>
      %bitcast3A_1712 = vector.bitcast %add3A_1711 : vector<16xf32> to vector<16xi32>
      %shift_right_logical3A_1713 = arith.constant 1 : i32
      %shift_right_logical3A_1714 = vector.broadcast %shift_right_logical3A_1713 : i32 to vector<16xi32>
      %shift_right_logical3A_1715 = arith.shrui %bitcast3A_1712, %shift_right_logical3A_1714 : vector<16xi32>
      %sub3A_1716 = arith.constant 1597463007 : i32
      %sub3A_1717 = vector.broadcast %sub3A_1716 : i32 to vector<16xi32>
      %sub3A_1718 = arith.subi %sub3A_1717, %shift_right_logical3A_1715 : vector<16xi32>
      %bitcast3A_1719 = vector.bitcast %sub3A_1718 : vector<16xi32> to vector<16xf32>
      %mul3A_1720 = arith.constant 5.000000e-01 : f32
      %mul3A_1721 = vector.broadcast %mul3A_1720 : f32 to vector<16xf32>
      %mul3A_1722 = arith.mulf %mul3A_1721, %add3A_1711 : vector<16xf32>
      %mul3A_1723 = arith.mulf %mul3A_1722, %bitcast3A_1719 : vector<16xf32>
      %mul3A_1724 = arith.mulf %mul3A_1723, %bitcast3A_1719 : vector<16xf32>
      %sub3A_1725 = arith.constant 1.500000e+00 : f32
      %sub3A_1726 = vector.broadcast %sub3A_1725 : f32 to vector<16xf32>
      %sub3A_1727 = arith.subf %sub3A_1726, %mul3A_1724 : vector<16xf32>
      %mul3A_1728 = arith.mulf %bitcast3A_1719, %sub3A_1727 : vector<16xf32>
      %mul3A_1729 = arith.constant 5.000000e-01 : f32
      %mul3A_1730 = vector.broadcast %mul3A_1729 : f32 to vector<16xf32>
      %mul3A_1731 = arith.mulf %mul3A_1730, %add3A_1711 : vector<16xf32>
      %mul3A_1732 = arith.mulf %mul3A_1731, %mul3A_1728 : vector<16xf32>
      %mul3A_1733 = arith.mulf %mul3A_1732, %mul3A_1728 : vector<16xf32>
      %sub3A_1734 = arith.constant 1.500000e+00 : f32
      %sub3A_1735 = vector.broadcast %sub3A_1734 : f32 to vector<16xf32>
      %sub3A_1736 = arith.subf %sub3A_1735, %mul3A_1733 : vector<16xf32>
      %mul3A_1737 = arith.mulf %mul3A_1728, %sub3A_1736 : vector<16xf32>
      %neg3A_1738 = arith.constant 0.000000e+00 : f32
      %neg3A_1739 = vector.broadcast %neg3A_1738 : f32 to vector<16xf32>
      %neg3A_1740 = arith.subf %neg3A_1739, %sub3A_1708 : vector<16xf32>
      %mul3A_1741 = arith.mulf %neg3A_1740, %mul3A_1737 : vector<16xf32>
      %mul3A_1742 = arith.mulf %sub3A_1707, %mul3A_1737 : vector<16xf32>
      %gt3A_1743 = arith.constant 4 : i32
      %gt3A_1744 = vector.broadcast %gt3A_1743 : i32 to vector<16xi32>
      %gt3A_1745 = arith.cmpi sgt, %get3A_2, %gt3A_1744 : vector<16xi32>
      %select_n3A_1746 = arith.select %gt3A_1745, %mul3A_677, %mul3A_137 : vector<16xi1>, vector<16xf32>
      %select_n3A_1747 = arith.select %gt3A_1745, %mul3A_679, %mul3A_139 : vector<16xi1>, vector<16xf32>
      %sub3A_1748 = arith.subf %select_n3A_1746, %mul3A_542 : vector<16xf32>
      %sub3A_1749 = arith.subf %select_n3A_1747, %mul3A_544 : vector<16xf32>
      %mul3A_1750 = arith.mulf %sub3A_1748, %sub3A_1748 : vector<16xf32>
      %mul3A_1751 = arith.mulf %sub3A_1749, %sub3A_1749 : vector<16xf32>
      %add3A_1752 = arith.addf %mul3A_1750, %mul3A_1751 : vector<16xf32>
      %bitcast3A_1753 = vector.bitcast %add3A_1752 : vector<16xf32> to vector<16xi32>
      %shift_right_logical3A_1754 = arith.constant 1 : i32
      %shift_right_logical3A_1755 = vector.broadcast %shift_right_logical3A_1754 : i32 to vector<16xi32>
      %shift_right_logical3A_1756 = arith.shrui %bitcast3A_1753, %shift_right_logical3A_1755 : vector<16xi32>
      %sub3A_1757 = arith.constant 1597463007 : i32
      %sub3A_1758 = vector.broadcast %sub3A_1757 : i32 to vector<16xi32>
      %sub3A_1759 = arith.subi %sub3A_1758, %shift_right_logical3A_1756 : vector<16xi32>
      %bitcast3A_1760 = vector.bitcast %sub3A_1759 : vector<16xi32> to vector<16xf32>
      %mul3A_1761 = arith.constant 5.000000e-01 : f32
      %mul3A_1762 = vector.broadcast %mul3A_1761 : f32 to vector<16xf32>
      %mul3A_1763 = arith.mulf %mul3A_1762, %add3A_1752 : vector<16xf32>
      %mul3A_1764 = arith.mulf %mul3A_1763, %bitcast3A_1760 : vector<16xf32>
      %mul3A_1765 = arith.mulf %mul3A_1764, %bitcast3A_1760 : vector<16xf32>
      %sub3A_1766 = arith.constant 1.500000e+00 : f32
      %sub3A_1767 = vector.broadcast %sub3A_1766 : f32 to vector<16xf32>
      %sub3A_1768 = arith.subf %sub3A_1767, %mul3A_1765 : vector<16xf32>
      %mul3A_1769 = arith.mulf %bitcast3A_1760, %sub3A_1768 : vector<16xf32>
      %mul3A_1770 = arith.constant 5.000000e-01 : f32
      %mul3A_1771 = vector.broadcast %mul3A_1770 : f32 to vector<16xf32>
      %mul3A_1772 = arith.mulf %mul3A_1771, %add3A_1752 : vector<16xf32>
      %mul3A_1773 = arith.mulf %mul3A_1772, %mul3A_1769 : vector<16xf32>
      %mul3A_1774 = arith.mulf %mul3A_1773, %mul3A_1769 : vector<16xf32>
      %sub3A_1775 = arith.constant 1.500000e+00 : f32
      %sub3A_1776 = vector.broadcast %sub3A_1775 : f32 to vector<16xf32>
      %sub3A_1777 = arith.subf %sub3A_1776, %mul3A_1774 : vector<16xf32>
      %mul3A_1778 = arith.mulf %mul3A_1769, %sub3A_1777 : vector<16xf32>
      %neg3A_1779 = arith.constant 0.000000e+00 : f32
      %neg3A_1780 = vector.broadcast %neg3A_1779 : f32 to vector<16xf32>
      %neg3A_1781 = arith.subf %neg3A_1780, %sub3A_1749 : vector<16xf32>
      %mul3A_1782 = arith.mulf %neg3A_1781, %mul3A_1778 : vector<16xf32>
      %mul3A_1783 = arith.mulf %sub3A_1748, %mul3A_1778 : vector<16xf32>
      %gt3A_1784 = arith.constant 5 : i32
      %gt3A_1785 = vector.broadcast %gt3A_1784 : i32 to vector<16xi32>
      %gt3A_1786 = arith.cmpi sgt, %get3A_2, %gt3A_1785 : vector<16xi32>
      %select_n3A_1787 = arith.select %gt3A_1786, %mul3A_812, %mul3A_137 : vector<16xi1>, vector<16xf32>
      %select_n3A_1788 = arith.select %gt3A_1786, %mul3A_814, %mul3A_139 : vector<16xi1>, vector<16xf32>
      %sub3A_1789 = arith.subf %select_n3A_1787, %mul3A_677 : vector<16xf32>
      %sub3A_1790 = arith.subf %select_n3A_1788, %mul3A_679 : vector<16xf32>
      %mul3A_1791 = arith.mulf %sub3A_1789, %sub3A_1789 : vector<16xf32>
      %mul3A_1792 = arith.mulf %sub3A_1790, %sub3A_1790 : vector<16xf32>
      %add3A_1793 = arith.addf %mul3A_1791, %mul3A_1792 : vector<16xf32>
      %bitcast3A_1794 = vector.bitcast %add3A_1793 : vector<16xf32> to vector<16xi32>
      %shift_right_logical3A_1795 = arith.constant 1 : i32
      %shift_right_logical3A_1796 = vector.broadcast %shift_right_logical3A_1795 : i32 to vector<16xi32>
      %shift_right_logical3A_1797 = arith.shrui %bitcast3A_1794, %shift_right_logical3A_1796 : vector<16xi32>
      %sub3A_1798 = arith.constant 1597463007 : i32
      %sub3A_1799 = vector.broadcast %sub3A_1798 : i32 to vector<16xi32>
      %sub3A_1800 = arith.subi %sub3A_1799, %shift_right_logical3A_1797 : vector<16xi32>
      %bitcast3A_1801 = vector.bitcast %sub3A_1800 : vector<16xi32> to vector<16xf32>
      %mul3A_1802 = arith.constant 5.000000e-01 : f32
      %mul3A_1803 = vector.broadcast %mul3A_1802 : f32 to vector<16xf32>
      %mul3A_1804 = arith.mulf %mul3A_1803, %add3A_1793 : vector<16xf32>
      %mul3A_1805 = arith.mulf %mul3A_1804, %bitcast3A_1801 : vector<16xf32>
      %mul3A_1806 = arith.mulf %mul3A_1805, %bitcast3A_1801 : vector<16xf32>
      %sub3A_1807 = arith.constant 1.500000e+00 : f32
      %sub3A_1808 = vector.broadcast %sub3A_1807 : f32 to vector<16xf32>
      %sub3A_1809 = arith.subf %sub3A_1808, %mul3A_1806 : vector<16xf32>
      %mul3A_1810 = arith.mulf %bitcast3A_1801, %sub3A_1809 : vector<16xf32>
      %mul3A_1811 = arith.constant 5.000000e-01 : f32
      %mul3A_1812 = vector.broadcast %mul3A_1811 : f32 to vector<16xf32>
      %mul3A_1813 = arith.mulf %mul3A_1812, %add3A_1793 : vector<16xf32>
      %mul3A_1814 = arith.mulf %mul3A_1813, %mul3A_1810 : vector<16xf32>
      %mul3A_1815 = arith.mulf %mul3A_1814, %mul3A_1810 : vector<16xf32>
      %sub3A_1816 = arith.constant 1.500000e+00 : f32
      %sub3A_1817 = vector.broadcast %sub3A_1816 : f32 to vector<16xf32>
      %sub3A_1818 = arith.subf %sub3A_1817, %mul3A_1815 : vector<16xf32>
      %mul3A_1819 = arith.mulf %mul3A_1810, %sub3A_1818 : vector<16xf32>
      %neg3A_1820 = arith.constant 0.000000e+00 : f32
      %neg3A_1821 = vector.broadcast %neg3A_1820 : f32 to vector<16xf32>
      %neg3A_1822 = arith.subf %neg3A_1821, %sub3A_1790 : vector<16xf32>
      %mul3A_1823 = arith.mulf %neg3A_1822, %mul3A_1819 : vector<16xf32>
      %mul3A_1824 = arith.mulf %sub3A_1789, %mul3A_1819 : vector<16xf32>
      %gt3A_1825 = arith.constant 6 : i32
      %gt3A_1826 = vector.broadcast %gt3A_1825 : i32 to vector<16xi32>
      %gt3A_1827 = arith.cmpi sgt, %get3A_2, %gt3A_1826 : vector<16xi32>
      %select_n3A_1828 = arith.select %gt3A_1827, %mul3A_947, %mul3A_137 : vector<16xi1>, vector<16xf32>
      %select_n3A_1829 = arith.select %gt3A_1827, %mul3A_949, %mul3A_139 : vector<16xi1>, vector<16xf32>
      %sub3A_1830 = arith.subf %select_n3A_1828, %mul3A_812 : vector<16xf32>
      %sub3A_1831 = arith.subf %select_n3A_1829, %mul3A_814 : vector<16xf32>
      %mul3A_1832 = arith.mulf %sub3A_1830, %sub3A_1830 : vector<16xf32>
      %mul3A_1833 = arith.mulf %sub3A_1831, %sub3A_1831 : vector<16xf32>
      %add3A_1834 = arith.addf %mul3A_1832, %mul3A_1833 : vector<16xf32>
      %bitcast3A_1835 = vector.bitcast %add3A_1834 : vector<16xf32> to vector<16xi32>
      %shift_right_logical3A_1836 = arith.constant 1 : i32
      %shift_right_logical3A_1837 = vector.broadcast %shift_right_logical3A_1836 : i32 to vector<16xi32>
      %shift_right_logical3A_1838 = arith.shrui %bitcast3A_1835, %shift_right_logical3A_1837 : vector<16xi32>
      %sub3A_1839 = arith.constant 1597463007 : i32
      %sub3A_1840 = vector.broadcast %sub3A_1839 : i32 to vector<16xi32>
      %sub3A_1841 = arith.subi %sub3A_1840, %shift_right_logical3A_1838 : vector<16xi32>
      %bitcast3A_1842 = vector.bitcast %sub3A_1841 : vector<16xi32> to vector<16xf32>
      %mul3A_1843 = arith.constant 5.000000e-01 : f32
      %mul3A_1844 = vector.broadcast %mul3A_1843 : f32 to vector<16xf32>
      %mul3A_1845 = arith.mulf %mul3A_1844, %add3A_1834 : vector<16xf32>
      %mul3A_1846 = arith.mulf %mul3A_1845, %bitcast3A_1842 : vector<16xf32>
      %mul3A_1847 = arith.mulf %mul3A_1846, %bitcast3A_1842 : vector<16xf32>
      %sub3A_1848 = arith.constant 1.500000e+00 : f32
      %sub3A_1849 = vector.broadcast %sub3A_1848 : f32 to vector<16xf32>
      %sub3A_1850 = arith.subf %sub3A_1849, %mul3A_1847 : vector<16xf32>
      %mul3A_1851 = arith.mulf %bitcast3A_1842, %sub3A_1850 : vector<16xf32>
      %mul3A_1852 = arith.constant 5.000000e-01 : f32
      %mul3A_1853 = vector.broadcast %mul3A_1852 : f32 to vector<16xf32>
      %mul3A_1854 = arith.mulf %mul3A_1853, %add3A_1834 : vector<16xf32>
      %mul3A_1855 = arith.mulf %mul3A_1854, %mul3A_1851 : vector<16xf32>
      %mul3A_1856 = arith.mulf %mul3A_1855, %mul3A_1851 : vector<16xf32>
      %sub3A_1857 = arith.constant 1.500000e+00 : f32
      %sub3A_1858 = vector.broadcast %sub3A_1857 : f32 to vector<16xf32>
      %sub3A_1859 = arith.subf %sub3A_1858, %mul3A_1856 : vector<16xf32>
      %mul3A_1860 = arith.mulf %mul3A_1851, %sub3A_1859 : vector<16xf32>
      %neg3A_1861 = arith.constant 0.000000e+00 : f32
      %neg3A_1862 = vector.broadcast %neg3A_1861 : f32 to vector<16xf32>
      %neg3A_1863 = arith.subf %neg3A_1862, %sub3A_1831 : vector<16xf32>
      %mul3A_1864 = arith.mulf %neg3A_1863, %mul3A_1860 : vector<16xf32>
      %mul3A_1865 = arith.mulf %sub3A_1830, %mul3A_1860 : vector<16xf32>
      %gt3A_1866 = arith.constant 7 : i32
      %gt3A_1867 = vector.broadcast %gt3A_1866 : i32 to vector<16xi32>
      %gt3A_1868 = arith.cmpi sgt, %get3A_2, %gt3A_1867 : vector<16xi32>
      %select_n3A_1869 = arith.select %gt3A_1868, %mul3A_1082, %mul3A_137 : vector<16xi1>, vector<16xf32>
      %select_n3A_1870 = arith.select %gt3A_1868, %mul3A_1084, %mul3A_139 : vector<16xi1>, vector<16xf32>
      %sub3A_1871 = arith.subf %select_n3A_1869, %mul3A_947 : vector<16xf32>
      %sub3A_1872 = arith.subf %select_n3A_1870, %mul3A_949 : vector<16xf32>
      %mul3A_1873 = arith.mulf %sub3A_1871, %sub3A_1871 : vector<16xf32>
      %mul3A_1874 = arith.mulf %sub3A_1872, %sub3A_1872 : vector<16xf32>
      %add3A_1875 = arith.addf %mul3A_1873, %mul3A_1874 : vector<16xf32>
      %bitcast3A_1876 = vector.bitcast %add3A_1875 : vector<16xf32> to vector<16xi32>
      %shift_right_logical3A_1877 = arith.constant 1 : i32
      %shift_right_logical3A_1878 = vector.broadcast %shift_right_logical3A_1877 : i32 to vector<16xi32>
      %shift_right_logical3A_1879 = arith.shrui %bitcast3A_1876, %shift_right_logical3A_1878 : vector<16xi32>
      %sub3A_1880 = arith.constant 1597463007 : i32
      %sub3A_1881 = vector.broadcast %sub3A_1880 : i32 to vector<16xi32>
      %sub3A_1882 = arith.subi %sub3A_1881, %shift_right_logical3A_1879 : vector<16xi32>
      %bitcast3A_1883 = vector.bitcast %sub3A_1882 : vector<16xi32> to vector<16xf32>
      %mul3A_1884 = arith.constant 5.000000e-01 : f32
      %mul3A_1885 = vector.broadcast %mul3A_1884 : f32 to vector<16xf32>
      %mul3A_1886 = arith.mulf %mul3A_1885, %add3A_1875 : vector<16xf32>
      %mul3A_1887 = arith.mulf %mul3A_1886, %bitcast3A_1883 : vector<16xf32>
      %mul3A_1888 = arith.mulf %mul3A_1887, %bitcast3A_1883 : vector<16xf32>
      %sub3A_1889 = arith.constant 1.500000e+00 : f32
      %sub3A_1890 = vector.broadcast %sub3A_1889 : f32 to vector<16xf32>
      %sub3A_1891 = arith.subf %sub3A_1890, %mul3A_1888 : vector<16xf32>
      %mul3A_1892 = arith.mulf %bitcast3A_1883, %sub3A_1891 : vector<16xf32>
      %mul3A_1893 = arith.constant 5.000000e-01 : f32
      %mul3A_1894 = vector.broadcast %mul3A_1893 : f32 to vector<16xf32>
      %mul3A_1895 = arith.mulf %mul3A_1894, %add3A_1875 : vector<16xf32>
      %mul3A_1896 = arith.mulf %mul3A_1895, %mul3A_1892 : vector<16xf32>
      %mul3A_1897 = arith.mulf %mul3A_1896, %mul3A_1892 : vector<16xf32>
      %sub3A_1898 = arith.constant 1.500000e+00 : f32
      %sub3A_1899 = vector.broadcast %sub3A_1898 : f32 to vector<16xf32>
      %sub3A_1900 = arith.subf %sub3A_1899, %mul3A_1897 : vector<16xf32>
      %mul3A_1901 = arith.mulf %mul3A_1892, %sub3A_1900 : vector<16xf32>
      %neg3A_1902 = arith.constant 0.000000e+00 : f32
      %neg3A_1903 = vector.broadcast %neg3A_1902 : f32 to vector<16xf32>
      %neg3A_1904 = arith.subf %neg3A_1903, %sub3A_1872 : vector<16xf32>
      %mul3A_1905 = arith.mulf %neg3A_1904, %mul3A_1901 : vector<16xf32>
      %mul3A_1906 = arith.mulf %sub3A_1871, %mul3A_1901 : vector<16xf32>
      %gt3A_1907 = arith.constant 8 : i32
      %gt3A_1908 = vector.broadcast %gt3A_1907 : i32 to vector<16xi32>
      %gt3A_1909 = arith.cmpi sgt, %get3A_2, %gt3A_1908 : vector<16xi32>
      %select_n3A_1910 = arith.select %gt3A_1909, %mul3A_1217, %mul3A_137 : vector<16xi1>, vector<16xf32>
      %select_n3A_1911 = arith.select %gt3A_1909, %mul3A_1219, %mul3A_139 : vector<16xi1>, vector<16xf32>
      %sub3A_1912 = arith.subf %select_n3A_1910, %mul3A_1082 : vector<16xf32>
      %sub3A_1913 = arith.subf %select_n3A_1911, %mul3A_1084 : vector<16xf32>
      %mul3A_1914 = arith.mulf %sub3A_1912, %sub3A_1912 : vector<16xf32>
      %mul3A_1915 = arith.mulf %sub3A_1913, %sub3A_1913 : vector<16xf32>
      %add3A_1916 = arith.addf %mul3A_1914, %mul3A_1915 : vector<16xf32>
      %bitcast3A_1917 = vector.bitcast %add3A_1916 : vector<16xf32> to vector<16xi32>
      %shift_right_logical3A_1918 = arith.constant 1 : i32
      %shift_right_logical3A_1919 = vector.broadcast %shift_right_logical3A_1918 : i32 to vector<16xi32>
      %shift_right_logical3A_1920 = arith.shrui %bitcast3A_1917, %shift_right_logical3A_1919 : vector<16xi32>
      %sub3A_1921 = arith.constant 1597463007 : i32
      %sub3A_1922 = vector.broadcast %sub3A_1921 : i32 to vector<16xi32>
      %sub3A_1923 = arith.subi %sub3A_1922, %shift_right_logical3A_1920 : vector<16xi32>
      %bitcast3A_1924 = vector.bitcast %sub3A_1923 : vector<16xi32> to vector<16xf32>
      %mul3A_1925 = arith.constant 5.000000e-01 : f32
      %mul3A_1926 = vector.broadcast %mul3A_1925 : f32 to vector<16xf32>
      %mul3A_1927 = arith.mulf %mul3A_1926, %add3A_1916 : vector<16xf32>
      %mul3A_1928 = arith.mulf %mul3A_1927, %bitcast3A_1924 : vector<16xf32>
      %mul3A_1929 = arith.mulf %mul3A_1928, %bitcast3A_1924 : vector<16xf32>
      %sub3A_1930 = arith.constant 1.500000e+00 : f32
      %sub3A_1931 = vector.broadcast %sub3A_1930 : f32 to vector<16xf32>
      %sub3A_1932 = arith.subf %sub3A_1931, %mul3A_1929 : vector<16xf32>
      %mul3A_1933 = arith.mulf %bitcast3A_1924, %sub3A_1932 : vector<16xf32>
      %mul3A_1934 = arith.constant 5.000000e-01 : f32
      %mul3A_1935 = vector.broadcast %mul3A_1934 : f32 to vector<16xf32>
      %mul3A_1936 = arith.mulf %mul3A_1935, %add3A_1916 : vector<16xf32>
      %mul3A_1937 = arith.mulf %mul3A_1936, %mul3A_1933 : vector<16xf32>
      %mul3A_1938 = arith.mulf %mul3A_1937, %mul3A_1933 : vector<16xf32>
      %sub3A_1939 = arith.constant 1.500000e+00 : f32
      %sub3A_1940 = vector.broadcast %sub3A_1939 : f32 to vector<16xf32>
      %sub3A_1941 = arith.subf %sub3A_1940, %mul3A_1938 : vector<16xf32>
      %mul3A_1942 = arith.mulf %mul3A_1933, %sub3A_1941 : vector<16xf32>
      %neg3A_1943 = arith.constant 0.000000e+00 : f32
      %neg3A_1944 = vector.broadcast %neg3A_1943 : f32 to vector<16xf32>
      %neg3A_1945 = arith.subf %neg3A_1944, %sub3A_1913 : vector<16xf32>
      %mul3A_1946 = arith.mulf %neg3A_1945, %mul3A_1942 : vector<16xf32>
      %mul3A_1947 = arith.mulf %sub3A_1912, %mul3A_1942 : vector<16xf32>
      %gt3A_1948 = arith.constant 9 : i32
      %gt3A_1949 = vector.broadcast %gt3A_1948 : i32 to vector<16xi32>
      %gt3A_1950 = arith.cmpi sgt, %get3A_2, %gt3A_1949 : vector<16xi32>
      %select_n3A_1951 = arith.select %gt3A_1950, %mul3A_1352, %mul3A_137 : vector<16xi1>, vector<16xf32>
      %select_n3A_1952 = arith.select %gt3A_1950, %mul3A_1354, %mul3A_139 : vector<16xi1>, vector<16xf32>
      %sub3A_1953 = arith.subf %select_n3A_1951, %mul3A_1217 : vector<16xf32>
      %sub3A_1954 = arith.subf %select_n3A_1952, %mul3A_1219 : vector<16xf32>
      %mul3A_1955 = arith.mulf %sub3A_1953, %sub3A_1953 : vector<16xf32>
      %mul3A_1956 = arith.mulf %sub3A_1954, %sub3A_1954 : vector<16xf32>
      %add3A_1957 = arith.addf %mul3A_1955, %mul3A_1956 : vector<16xf32>
      %bitcast3A_1958 = vector.bitcast %add3A_1957 : vector<16xf32> to vector<16xi32>
      %shift_right_logical3A_1959 = arith.constant 1 : i32
      %shift_right_logical3A_1960 = vector.broadcast %shift_right_logical3A_1959 : i32 to vector<16xi32>
      %shift_right_logical3A_1961 = arith.shrui %bitcast3A_1958, %shift_right_logical3A_1960 : vector<16xi32>
      %sub3A_1962 = arith.constant 1597463007 : i32
      %sub3A_1963 = vector.broadcast %sub3A_1962 : i32 to vector<16xi32>
      %sub3A_1964 = arith.subi %sub3A_1963, %shift_right_logical3A_1961 : vector<16xi32>
      %bitcast3A_1965 = vector.bitcast %sub3A_1964 : vector<16xi32> to vector<16xf32>
      %mul3A_1966 = arith.constant 5.000000e-01 : f32
      %mul3A_1967 = vector.broadcast %mul3A_1966 : f32 to vector<16xf32>
      %mul3A_1968 = arith.mulf %mul3A_1967, %add3A_1957 : vector<16xf32>
      %mul3A_1969 = arith.mulf %mul3A_1968, %bitcast3A_1965 : vector<16xf32>
      %mul3A_1970 = arith.mulf %mul3A_1969, %bitcast3A_1965 : vector<16xf32>
      %sub3A_1971 = arith.constant 1.500000e+00 : f32
      %sub3A_1972 = vector.broadcast %sub3A_1971 : f32 to vector<16xf32>
      %sub3A_1973 = arith.subf %sub3A_1972, %mul3A_1970 : vector<16xf32>
      %mul3A_1974 = arith.mulf %bitcast3A_1965, %sub3A_1973 : vector<16xf32>
      %mul3A_1975 = arith.constant 5.000000e-01 : f32
      %mul3A_1976 = vector.broadcast %mul3A_1975 : f32 to vector<16xf32>
      %mul3A_1977 = arith.mulf %mul3A_1976, %add3A_1957 : vector<16xf32>
      %mul3A_1978 = arith.mulf %mul3A_1977, %mul3A_1974 : vector<16xf32>
      %mul3A_1979 = arith.mulf %mul3A_1978, %mul3A_1974 : vector<16xf32>
      %sub3A_1980 = arith.constant 1.500000e+00 : f32
      %sub3A_1981 = vector.broadcast %sub3A_1980 : f32 to vector<16xf32>
      %sub3A_1982 = arith.subf %sub3A_1981, %mul3A_1979 : vector<16xf32>
      %mul3A_1983 = arith.mulf %mul3A_1974, %sub3A_1982 : vector<16xf32>
      %neg3A_1984 = arith.constant 0.000000e+00 : f32
      %neg3A_1985 = vector.broadcast %neg3A_1984 : f32 to vector<16xf32>
      %neg3A_1986 = arith.subf %neg3A_1985, %sub3A_1954 : vector<16xf32>
      %mul3A_1987 = arith.mulf %neg3A_1986, %mul3A_1983 : vector<16xf32>
      %mul3A_1988 = arith.mulf %sub3A_1953, %mul3A_1983 : vector<16xf32>
      %gt3A_1989 = arith.constant 10 : i32
      %gt3A_1990 = vector.broadcast %gt3A_1989 : i32 to vector<16xi32>
      %gt3A_1991 = arith.cmpi sgt, %get3A_2, %gt3A_1990 : vector<16xi32>
      %select_n3A_1992 = arith.select %gt3A_1991, %mul3A_1487, %mul3A_137 : vector<16xi1>, vector<16xf32>
      %select_n3A_1993 = arith.select %gt3A_1991, %mul3A_1489, %mul3A_139 : vector<16xi1>, vector<16xf32>
      %sub3A_1994 = arith.subf %select_n3A_1992, %mul3A_1352 : vector<16xf32>
      %sub3A_1995 = arith.subf %select_n3A_1993, %mul3A_1354 : vector<16xf32>
      %mul3A_1996 = arith.mulf %sub3A_1994, %sub3A_1994 : vector<16xf32>
      %mul3A_1997 = arith.mulf %sub3A_1995, %sub3A_1995 : vector<16xf32>
      %add3A_1998 = arith.addf %mul3A_1996, %mul3A_1997 : vector<16xf32>
      %bitcast3A_1999 = vector.bitcast %add3A_1998 : vector<16xf32> to vector<16xi32>
      %shift_right_logical3A_2000 = arith.constant 1 : i32
      %shift_right_logical3A_2001 = vector.broadcast %shift_right_logical3A_2000 : i32 to vector<16xi32>
      %shift_right_logical3A_2002 = arith.shrui %bitcast3A_1999, %shift_right_logical3A_2001 : vector<16xi32>
      %sub3A_2003 = arith.constant 1597463007 : i32
      %sub3A_2004 = vector.broadcast %sub3A_2003 : i32 to vector<16xi32>
      %sub3A_2005 = arith.subi %sub3A_2004, %shift_right_logical3A_2002 : vector<16xi32>
      %bitcast3A_2006 = vector.bitcast %sub3A_2005 : vector<16xi32> to vector<16xf32>
      %mul3A_2007 = arith.constant 5.000000e-01 : f32
      %mul3A_2008 = vector.broadcast %mul3A_2007 : f32 to vector<16xf32>
      %mul3A_2009 = arith.mulf %mul3A_2008, %add3A_1998 : vector<16xf32>
      %mul3A_2010 = arith.mulf %mul3A_2009, %bitcast3A_2006 : vector<16xf32>
      %mul3A_2011 = arith.mulf %mul3A_2010, %bitcast3A_2006 : vector<16xf32>
      %sub3A_2012 = arith.constant 1.500000e+00 : f32
      %sub3A_2013 = vector.broadcast %sub3A_2012 : f32 to vector<16xf32>
      %sub3A_2014 = arith.subf %sub3A_2013, %mul3A_2011 : vector<16xf32>
      %mul3A_2015 = arith.mulf %bitcast3A_2006, %sub3A_2014 : vector<16xf32>
      %mul3A_2016 = arith.constant 5.000000e-01 : f32
      %mul3A_2017 = vector.broadcast %mul3A_2016 : f32 to vector<16xf32>
      %mul3A_2018 = arith.mulf %mul3A_2017, %add3A_1998 : vector<16xf32>
      %mul3A_2019 = arith.mulf %mul3A_2018, %mul3A_2015 : vector<16xf32>
      %mul3A_2020 = arith.mulf %mul3A_2019, %mul3A_2015 : vector<16xf32>
      %sub3A_2021 = arith.constant 1.500000e+00 : f32
      %sub3A_2022 = vector.broadcast %sub3A_2021 : f32 to vector<16xf32>
      %sub3A_2023 = arith.subf %sub3A_2022, %mul3A_2020 : vector<16xf32>
      %mul3A_2024 = arith.mulf %mul3A_2015, %sub3A_2023 : vector<16xf32>
      %neg3A_2025 = arith.constant 0.000000e+00 : f32
      %neg3A_2026 = vector.broadcast %neg3A_2025 : f32 to vector<16xf32>
      %neg3A_2027 = arith.subf %neg3A_2026, %sub3A_1995 : vector<16xf32>
      %mul3A_2028 = arith.mulf %neg3A_2027, %mul3A_2024 : vector<16xf32>
      %mul3A_2029 = arith.mulf %sub3A_1994, %mul3A_2024 : vector<16xf32>
      %gt3A_2030 = arith.constant 11 : i32
      %gt3A_2031 = vector.broadcast %gt3A_2030 : i32 to vector<16xi32>
      %gt3A_2032 = arith.cmpi sgt, %get3A_2, %gt3A_2031 : vector<16xi32>
      %select_n3A_2033 = arith.select %gt3A_2032, %mul3A_1622, %mul3A_137 : vector<16xi1>, vector<16xf32>
      %select_n3A_2034 = arith.select %gt3A_2032, %mul3A_1624, %mul3A_139 : vector<16xi1>, vector<16xf32>
      %sub3A_2035 = arith.subf %select_n3A_2033, %mul3A_1487 : vector<16xf32>
      %sub3A_2036 = arith.subf %select_n3A_2034, %mul3A_1489 : vector<16xf32>
      %mul3A_2037 = arith.mulf %sub3A_2035, %sub3A_2035 : vector<16xf32>
      %mul3A_2038 = arith.mulf %sub3A_2036, %sub3A_2036 : vector<16xf32>
      %add3A_2039 = arith.addf %mul3A_2037, %mul3A_2038 : vector<16xf32>
      %bitcast3A_2040 = vector.bitcast %add3A_2039 : vector<16xf32> to vector<16xi32>
      %shift_right_logical3A_2041 = arith.constant 1 : i32
      %shift_right_logical3A_2042 = vector.broadcast %shift_right_logical3A_2041 : i32 to vector<16xi32>
      %shift_right_logical3A_2043 = arith.shrui %bitcast3A_2040, %shift_right_logical3A_2042 : vector<16xi32>
      %sub3A_2044 = arith.constant 1597463007 : i32
      %sub3A_2045 = vector.broadcast %sub3A_2044 : i32 to vector<16xi32>
      %sub3A_2046 = arith.subi %sub3A_2045, %shift_right_logical3A_2043 : vector<16xi32>
      %bitcast3A_2047 = vector.bitcast %sub3A_2046 : vector<16xi32> to vector<16xf32>
      %mul3A_2048 = arith.constant 5.000000e-01 : f32
      %mul3A_2049 = vector.broadcast %mul3A_2048 : f32 to vector<16xf32>
      %mul3A_2050 = arith.mulf %mul3A_2049, %add3A_2039 : vector<16xf32>
      %mul3A_2051 = arith.mulf %mul3A_2050, %bitcast3A_2047 : vector<16xf32>
      %mul3A_2052 = arith.mulf %mul3A_2051, %bitcast3A_2047 : vector<16xf32>
      %sub3A_2053 = arith.constant 1.500000e+00 : f32
      %sub3A_2054 = vector.broadcast %sub3A_2053 : f32 to vector<16xf32>
      %sub3A_2055 = arith.subf %sub3A_2054, %mul3A_2052 : vector<16xf32>
      %mul3A_2056 = arith.mulf %bitcast3A_2047, %sub3A_2055 : vector<16xf32>
      %mul3A_2057 = arith.constant 5.000000e-01 : f32
      %mul3A_2058 = vector.broadcast %mul3A_2057 : f32 to vector<16xf32>
      %mul3A_2059 = arith.mulf %mul3A_2058, %add3A_2039 : vector<16xf32>
      %mul3A_2060 = arith.mulf %mul3A_2059, %mul3A_2056 : vector<16xf32>
      %mul3A_2061 = arith.mulf %mul3A_2060, %mul3A_2056 : vector<16xf32>
      %sub3A_2062 = arith.constant 1.500000e+00 : f32
      %sub3A_2063 = vector.broadcast %sub3A_2062 : f32 to vector<16xf32>
      %sub3A_2064 = arith.subf %sub3A_2063, %mul3A_2061 : vector<16xf32>
      %mul3A_2065 = arith.mulf %mul3A_2056, %sub3A_2064 : vector<16xf32>
      %neg3A_2066 = arith.constant 0.000000e+00 : f32
      %neg3A_2067 = vector.broadcast %neg3A_2066 : f32 to vector<16xf32>
      %neg3A_2068 = arith.subf %neg3A_2067, %sub3A_2036 : vector<16xf32>
      %mul3A_2069 = arith.mulf %neg3A_2068, %mul3A_2065 : vector<16xf32>
      %mul3A_2070 = arith.mulf %sub3A_2035, %mul3A_2065 : vector<16xf32>
      %sub3A_2071 = arith.subf %mul3A_137, %mul3A_1622 : vector<16xf32>
      %sub3A_2072 = arith.subf %mul3A_139, %mul3A_1624 : vector<16xf32>
      %mul3A_2073 = arith.mulf %sub3A_2071, %sub3A_2071 : vector<16xf32>
      %mul3A_2074 = arith.mulf %sub3A_2072, %sub3A_2072 : vector<16xf32>
      %add3A_2075 = arith.addf %mul3A_2073, %mul3A_2074 : vector<16xf32>
      %bitcast3A_2076 = vector.bitcast %add3A_2075 : vector<16xf32> to vector<16xi32>
      %shift_right_logical3A_2077 = arith.constant 1 : i32
      %shift_right_logical3A_2078 = vector.broadcast %shift_right_logical3A_2077 : i32 to vector<16xi32>
      %shift_right_logical3A_2079 = arith.shrui %bitcast3A_2076, %shift_right_logical3A_2078 : vector<16xi32>
      %sub3A_2080 = arith.constant 1597463007 : i32
      %sub3A_2081 = vector.broadcast %sub3A_2080 : i32 to vector<16xi32>
      %sub3A_2082 = arith.subi %sub3A_2081, %shift_right_logical3A_2079 : vector<16xi32>
      %bitcast3A_2083 = vector.bitcast %sub3A_2082 : vector<16xi32> to vector<16xf32>
      %mul3A_2084 = arith.constant 5.000000e-01 : f32
      %mul3A_2085 = vector.broadcast %mul3A_2084 : f32 to vector<16xf32>
      %mul3A_2086 = arith.mulf %mul3A_2085, %add3A_2075 : vector<16xf32>
      %mul3A_2087 = arith.mulf %mul3A_2086, %bitcast3A_2083 : vector<16xf32>
      %mul3A_2088 = arith.mulf %mul3A_2087, %bitcast3A_2083 : vector<16xf32>
      %sub3A_2089 = arith.constant 1.500000e+00 : f32
      %sub3A_2090 = vector.broadcast %sub3A_2089 : f32 to vector<16xf32>
      %sub3A_2091 = arith.subf %sub3A_2090, %mul3A_2088 : vector<16xf32>
      %mul3A_2092 = arith.mulf %bitcast3A_2083, %sub3A_2091 : vector<16xf32>
      %mul3A_2093 = arith.constant 5.000000e-01 : f32
      %mul3A_2094 = vector.broadcast %mul3A_2093 : f32 to vector<16xf32>
      %mul3A_2095 = arith.mulf %mul3A_2094, %add3A_2075 : vector<16xf32>
      %mul3A_2096 = arith.mulf %mul3A_2095, %mul3A_2092 : vector<16xf32>
      %mul3A_2097 = arith.mulf %mul3A_2096, %mul3A_2092 : vector<16xf32>
      %sub3A_2098 = arith.constant 1.500000e+00 : f32
      %sub3A_2099 = vector.broadcast %sub3A_2098 : f32 to vector<16xf32>
      %sub3A_2100 = arith.subf %sub3A_2099, %mul3A_2097 : vector<16xf32>
      %mul3A_2101 = arith.mulf %mul3A_2092, %sub3A_2100 : vector<16xf32>
      %neg3A_2102 = arith.constant 0.000000e+00 : f32
      %neg3A_2103 = vector.broadcast %neg3A_2102 : f32 to vector<16xf32>
      %neg3A_2104 = arith.subf %neg3A_2103, %sub3A_2072 : vector<16xf32>
      %mul3A_2105 = arith.mulf %neg3A_2104, %mul3A_2101 : vector<16xf32>
      %mul3A_2106 = arith.mulf %sub3A_2071, %mul3A_2101 : vector<16xf32>
      %broadcast_in_dim3A_2107 = arith.constant 0.000000e+00 : f32
      %broadcast_in_dim3A_2108 = vector.broadcast %broadcast_in_dim3A_2107 : f32 to vector<16xf32>
      %mul3A_2109 = arith.constant 39 : i32
      %mul3A_2110 = vector.broadcast %mul3A_2109 : i32 to vector<16xi32>
      %mul3A_2111 = arith.muli %iota3A, %mul3A_2110 : vector<16xi32>
      %eq3A_2112 = arith.constant 0 : i32
      %eq3A_2113 = vector.broadcast %eq3A_2112 : i32 to vector<16xi32>
      %eq3A_2114 = arith.cmpi eq, %get3A_2, %eq3A_2113 : vector<16xi32>
      %gt3A_2115 = arith.constant 0 : i32
      %gt3A_2116 = vector.broadcast %gt3A_2115 : i32 to vector<16xi32>
      %gt3A_2117 = arith.cmpi sgt, %get3A_2, %gt3A_2116 : vector<16xi32>
      %select_n3A_2118 = arith.select %eq3A_2114, %mul3A_1659, %broadcast_in_dim3A_2108 : vector<16xi1>, vector<16xf32>
      %select_n3A_2119 = arith.select %gt3A_2117, %mul3A_1659, %select_n3A_2118 : vector<16xi1>, vector<16xf32>
      %select_n3A_2120 = arith.select %eq3A_2114, %mul3A_1660, %broadcast_in_dim3A_2108 : vector<16xi1>, vector<16xf32>
      %select_n3A_2121 = arith.select %gt3A_2117, %mul3A_1660, %select_n3A_2120 : vector<16xi1>, vector<16xf32>
      %add3A_2122 = arith.constant 0 : i32
      %add3A_2123 = vector.broadcast %add3A_2122 : i32 to vector<16xi32>
      %add3A_2124 = arith.addi %mul3A_2111, %add3A_2123 : vector<16xi32>
      tpu.vector_store_idx %arg9[%add3A_2124], %select_n3A_2119 : memref<624xf32, #tpu.memory_space<vmem>>[vector<16xi32>], vector<16xf32>,
      %add3A_2125 = arith.constant 0 : i32
      %add3A_2126 = vector.broadcast %add3A_2125 : i32 to vector<16xi32>
      %add3A_2127 = arith.addi %mul3A_2111, %add3A_2126 : vector<16xi32>
      %add3A_2128 = arith.constant 1 : i32
      %add3A_2129 = vector.broadcast %add3A_2128 : i32 to vector<16xi32>
      %add3A_2130 = arith.addi %add3A_2127, %add3A_2129 : vector<16xi32>
      tpu.vector_store_idx %arg9[%add3A_2130], %broadcast_in_dim3A_2108 : memref<624xf32, #tpu.memory_space<vmem>>[vector<16xi32>], vector<16xf32>,
      %add3A_2131 = arith.constant 0 : i32
      %add3A_2132 = vector.broadcast %add3A_2131 : i32 to vector<16xi32>
      %add3A_2133 = arith.addi %mul3A_2111, %add3A_2132 : vector<16xi32>
      %add3A_2134 = arith.constant 2 : i32
      %add3A_2135 = vector.broadcast %add3A_2134 : i32 to vector<16xi32>
      %add3A_2136 = arith.addi %add3A_2133, %add3A_2135 : vector<16xi32>
      tpu.vector_store_idx %arg9[%add3A_2136], %select_n3A_2121 : memref<624xf32, #tpu.memory_space<vmem>>[vector<16xi32>], vector<16xf32>,
      %eq3A_2137 = arith.constant 1 : i32
      %eq3A_2138 = vector.broadcast %eq3A_2137 : i32 to vector<16xi32>
      %eq3A_2139 = arith.cmpi eq, %get3A_2, %eq3A_2138 : vector<16xi32>
      %gt3A_2140 = arith.constant 1 : i32
      %gt3A_2141 = vector.broadcast %gt3A_2140 : i32 to vector<16xi32>
      %gt3A_2142 = arith.cmpi sgt, %get3A_2, %gt3A_2141 : vector<16xi32>
      %select_n3A_2143 = arith.select %eq3A_2139, %mul3A_1659, %broadcast_in_dim3A_2108 : vector<16xi1>, vector<16xf32>
      %select_n3A_2144 = arith.select %gt3A_2142, %mul3A_1700, %select_n3A_2143 : vector<16xi1>, vector<16xf32>
      %select_n3A_2145 = arith.select %eq3A_2139, %mul3A_1660, %broadcast_in_dim3A_2108 : vector<16xi1>, vector<16xf32>
      %select_n3A_2146 = arith.select %gt3A_2142, %mul3A_1701, %select_n3A_2145 : vector<16xi1>, vector<16xf32>
      %add3A_2147 = arith.constant 3 : i32
      %add3A_2148 = vector.broadcast %add3A_2147 : i32 to vector<16xi32>
      %add3A_2149 = arith.addi %mul3A_2111, %add3A_2148 : vector<16xi32>
      tpu.vector_store_idx %arg9[%add3A_2149], %select_n3A_2144 : memref<624xf32, #tpu.memory_space<vmem>>[vector<16xi32>], vector<16xf32>,
      %add3A_2150 = arith.constant 3 : i32
      %add3A_2151 = vector.broadcast %add3A_2150 : i32 to vector<16xi32>
      %add3A_2152 = arith.addi %mul3A_2111, %add3A_2151 : vector<16xi32>
      %add3A_2153 = arith.constant 1 : i32
      %add3A_2154 = vector.broadcast %add3A_2153 : i32 to vector<16xi32>
      %add3A_2155 = arith.addi %add3A_2152, %add3A_2154 : vector<16xi32>
      tpu.vector_store_idx %arg9[%add3A_2155], %broadcast_in_dim3A_2108 : memref<624xf32, #tpu.memory_space<vmem>>[vector<16xi32>], vector<16xf32>,
      %add3A_2156 = arith.constant 3 : i32
      %add3A_2157 = vector.broadcast %add3A_2156 : i32 to vector<16xi32>
      %add3A_2158 = arith.addi %mul3A_2111, %add3A_2157 : vector<16xi32>
      %add3A_2159 = arith.constant 2 : i32
      %add3A_2160 = vector.broadcast %add3A_2159 : i32 to vector<16xi32>
      %add3A_2161 = arith.addi %add3A_2158, %add3A_2160 : vector<16xi32>
      tpu.vector_store_idx %arg9[%add3A_2161], %select_n3A_2146 : memref<624xf32, #tpu.memory_space<vmem>>[vector<16xi32>], vector<16xf32>,
      %eq3A_2162 = arith.constant 2 : i32
      %eq3A_2163 = vector.broadcast %eq3A_2162 : i32 to vector<16xi32>
      %eq3A_2164 = arith.cmpi eq, %get3A_2, %eq3A_2163 : vector<16xi32>
      %gt3A_2165 = arith.constant 2 : i32
      %gt3A_2166 = vector.broadcast %gt3A_2165 : i32 to vector<16xi32>
      %gt3A_2167 = arith.cmpi sgt, %get3A_2, %gt3A_2166 : vector<16xi32>
      %select_n3A_2168 = arith.select %eq3A_2164, %mul3A_1659, %broadcast_in_dim3A_2108 : vector<16xi1>, vector<16xf32>
      %select_n3A_2169 = arith.select %gt3A_2167, %mul3A_1741, %select_n3A_2168 : vector<16xi1>, vector<16xf32>
      %select_n3A_2170 = arith.select %eq3A_2164, %mul3A_1660, %broadcast_in_dim3A_2108 : vector<16xi1>, vector<16xf32>
      %select_n3A_2171 = arith.select %gt3A_2167, %mul3A_1742, %select_n3A_2170 : vector<16xi1>, vector<16xf32>
      %add3A_2172 = arith.constant 6 : i32
      %add3A_2173 = vector.broadcast %add3A_2172 : i32 to vector<16xi32>
      %add3A_2174 = arith.addi %mul3A_2111, %add3A_2173 : vector<16xi32>
      tpu.vector_store_idx %arg9[%add3A_2174], %select_n3A_2169 : memref<624xf32, #tpu.memory_space<vmem>>[vector<16xi32>], vector<16xf32>,
      %add3A_2175 = arith.constant 6 : i32
      %add3A_2176 = vector.broadcast %add3A_2175 : i32 to vector<16xi32>
      %add3A_2177 = arith.addi %mul3A_2111, %add3A_2176 : vector<16xi32>
      %add3A_2178 = arith.constant 1 : i32
      %add3A_2179 = vector.broadcast %add3A_2178 : i32 to vector<16xi32>
      %add3A_2180 = arith.addi %add3A_2177, %add3A_2179 : vector<16xi32>
      tpu.vector_store_idx %arg9[%add3A_2180], %broadcast_in_dim3A_2108 : memref<624xf32, #tpu.memory_space<vmem>>[vector<16xi32>], vector<16xf32>,
      %add3A_2181 = arith.constant 6 : i32
      %add3A_2182 = vector.broadcast %add3A_2181 : i32 to vector<16xi32>
      %add3A_2183 = arith.addi %mul3A_2111, %add3A_2182 : vector<16xi32>
      %add3A_2184 = arith.constant 2 : i32
      %add3A_2185 = vector.broadcast %add3A_2184 : i32 to vector<16xi32>
      %add3A_2186 = arith.addi %add3A_2183, %add3A_2185 : vector<16xi32>
      tpu.vector_store_idx %arg9[%add3A_2186], %select_n3A_2171 : memref<624xf32, #tpu.memory_space<vmem>>[vector<16xi32>], vector<16xf32>,
      %eq3A_2187 = arith.constant 3 : i32
      %eq3A_2188 = vector.broadcast %eq3A_2187 : i32 to vector<16xi32>
      %eq3A_2189 = arith.cmpi eq, %get3A_2, %eq3A_2188 : vector<16xi32>
      %gt3A_2190 = arith.constant 3 : i32
      %gt3A_2191 = vector.broadcast %gt3A_2190 : i32 to vector<16xi32>
      %gt3A_2192 = arith.cmpi sgt, %get3A_2, %gt3A_2191 : vector<16xi32>
      %select_n3A_2193 = arith.select %eq3A_2189, %mul3A_1659, %broadcast_in_dim3A_2108 : vector<16xi1>, vector<16xf32>
      %select_n3A_2194 = arith.select %gt3A_2192, %mul3A_1782, %select_n3A_2193 : vector<16xi1>, vector<16xf32>
      %select_n3A_2195 = arith.select %eq3A_2189, %mul3A_1660, %broadcast_in_dim3A_2108 : vector<16xi1>, vector<16xf32>
      %select_n3A_2196 = arith.select %gt3A_2192, %mul3A_1783, %select_n3A_2195 : vector<16xi1>, vector<16xf32>
      %add3A_2197 = arith.constant 9 : i32
      %add3A_2198 = vector.broadcast %add3A_2197 : i32 to vector<16xi32>
      %add3A_2199 = arith.addi %mul3A_2111, %add3A_2198 : vector<16xi32>
      tpu.vector_store_idx %arg9[%add3A_2199], %select_n3A_2194 : memref<624xf32, #tpu.memory_space<vmem>>[vector<16xi32>], vector<16xf32>,
      %add3A_2200 = arith.constant 9 : i32
      %add3A_2201 = vector.broadcast %add3A_2200 : i32 to vector<16xi32>
      %add3A_2202 = arith.addi %mul3A_2111, %add3A_2201 : vector<16xi32>
      %add3A_2203 = arith.constant 1 : i32
      %add3A_2204 = vector.broadcast %add3A_2203 : i32 to vector<16xi32>
      %add3A_2205 = arith.addi %add3A_2202, %add3A_2204 : vector<16xi32>
      tpu.vector_store_idx %arg9[%add3A_2205], %broadcast_in_dim3A_2108 : memref<624xf32, #tpu.memory_space<vmem>>[vector<16xi32>], vector<16xf32>,
      %add3A_2206 = arith.constant 9 : i32
      %add3A_2207 = vector.broadcast %add3A_2206 : i32 to vector<16xi32>
      %add3A_2208 = arith.addi %mul3A_2111, %add3A_2207 : vector<16xi32>
      %add3A_2209 = arith.constant 2 : i32
      %add3A_2210 = vector.broadcast %add3A_2209 : i32 to vector<16xi32>
      %add3A_2211 = arith.addi %add3A_2208, %add3A_2210 : vector<16xi32>
      tpu.vector_store_idx %arg9[%add3A_2211], %select_n3A_2196 : memref<624xf32, #tpu.memory_space<vmem>>[vector<16xi32>], vector<16xf32>,
      %eq3A_2212 = arith.constant 4 : i32
      %eq3A_2213 = vector.broadcast %eq3A_2212 : i32 to vector<16xi32>
      %eq3A_2214 = arith.cmpi eq, %get3A_2, %eq3A_2213 : vector<16xi32>
      %gt3A_2215 = arith.constant 4 : i32
      %gt3A_2216 = vector.broadcast %gt3A_2215 : i32 to vector<16xi32>
      %gt3A_2217 = arith.cmpi sgt, %get3A_2, %gt3A_2216 : vector<16xi32>
      %select_n3A_2218 = arith.select %eq3A_2214, %mul3A_1659, %broadcast_in_dim3A_2108 : vector<16xi1>, vector<16xf32>
      %select_n3A_2219 = arith.select %gt3A_2217, %mul3A_1823, %select_n3A_2218 : vector<16xi1>, vector<16xf32>
      %select_n3A_2220 = arith.select %eq3A_2214, %mul3A_1660, %broadcast_in_dim3A_2108 : vector<16xi1>, vector<16xf32>
      %select_n3A_2221 = arith.select %gt3A_2217, %mul3A_1824, %select_n3A_2220 : vector<16xi1>, vector<16xf32>
      %add3A_2222 = arith.constant 12 : i32
      %add3A_2223 = vector.broadcast %add3A_2222 : i32 to vector<16xi32>
      %add3A_2224 = arith.addi %mul3A_2111, %add3A_2223 : vector<16xi32>
      tpu.vector_store_idx %arg9[%add3A_2224], %select_n3A_2219 : memref<624xf32, #tpu.memory_space<vmem>>[vector<16xi32>], vector<16xf32>,
      %add3A_2225 = arith.constant 12 : i32
      %add3A_2226 = vector.broadcast %add3A_2225 : i32 to vector<16xi32>
      %add3A_2227 = arith.addi %mul3A_2111, %add3A_2226 : vector<16xi32>
      %add3A_2228 = arith.constant 1 : i32
      %add3A_2229 = vector.broadcast %add3A_2228 : i32 to vector<16xi32>
      %add3A_2230 = arith.addi %add3A_2227, %add3A_2229 : vector<16xi32>
      tpu.vector_store_idx %arg9[%add3A_2230], %broadcast_in_dim3A_2108 : memref<624xf32, #tpu.memory_space<vmem>>[vector<16xi32>], vector<16xf32>,
      %add3A_2231 = arith.constant 12 : i32
      %add3A_2232 = vector.broadcast %add3A_2231 : i32 to vector<16xi32>
      %add3A_2233 = arith.addi %mul3A_2111, %add3A_2232 : vector<16xi32>
      %add3A_2234 = arith.constant 2 : i32
      %add3A_2235 = vector.broadcast %add3A_2234 : i32 to vector<16xi32>
      %add3A_2236 = arith.addi %add3A_2233, %add3A_2235 : vector<16xi32>
      tpu.vector_store_idx %arg9[%add3A_2236], %select_n3A_2221 : memref<624xf32, #tpu.memory_space<vmem>>[vector<16xi32>], vector<16xf32>,
      %eq3A_2237 = arith.constant 5 : i32
      %eq3A_2238 = vector.broadcast %eq3A_2237 : i32 to vector<16xi32>
      %eq3A_2239 = arith.cmpi eq, %get3A_2, %eq3A_2238 : vector<16xi32>
      %gt3A_2240 = arith.constant 5 : i32
      %gt3A_2241 = vector.broadcast %gt3A_2240 : i32 to vector<16xi32>
      %gt3A_2242 = arith.cmpi sgt, %get3A_2, %gt3A_2241 : vector<16xi32>
      %select_n3A_2243 = arith.select %eq3A_2239, %mul3A_1659, %broadcast_in_dim3A_2108 : vector<16xi1>, vector<16xf32>
      %select_n3A_2244 = arith.select %gt3A_2242, %mul3A_1864, %select_n3A_2243 : vector<16xi1>, vector<16xf32>
      %select_n3A_2245 = arith.select %eq3A_2239, %mul3A_1660, %broadcast_in_dim3A_2108 : vector<16xi1>, vector<16xf32>
      %select_n3A_2246 = arith.select %gt3A_2242, %mul3A_1865, %select_n3A_2245 : vector<16xi1>, vector<16xf32>
      %add3A_2247 = arith.constant 15 : i32
      %add3A_2248 = vector.broadcast %add3A_2247 : i32 to vector<16xi32>
      %add3A_2249 = arith.addi %mul3A_2111, %add3A_2248 : vector<16xi32>
      tpu.vector_store_idx %arg9[%add3A_2249], %select_n3A_2244 : memref<624xf32, #tpu.memory_space<vmem>>[vector<16xi32>], vector<16xf32>,
      %add3A_2250 = arith.constant 15 : i32
      %add3A_2251 = vector.broadcast %add3A_2250 : i32 to vector<16xi32>
      %add3A_2252 = arith.addi %mul3A_2111, %add3A_2251 : vector<16xi32>
      %add3A_2253 = arith.constant 1 : i32
      %add3A_2254 = vector.broadcast %add3A_2253 : i32 to vector<16xi32>
      %add3A_2255 = arith.addi %add3A_2252, %add3A_2254 : vector<16xi32>
      tpu.vector_store_idx %arg9[%add3A_2255], %broadcast_in_dim3A_2108 : memref<624xf32, #tpu.memory_space<vmem>>[vector<16xi32>], vector<16xf32>,
      %add3A_2256 = arith.constant 15 : i32
      %add3A_2257 = vector.broadcast %add3A_2256 : i32 to vector<16xi32>
      %add3A_2258 = arith.addi %mul3A_2111, %add3A_2257 : vector<16xi32>
      %add3A_2259 = arith.constant 2 : i32
      %add3A_2260 = vector.broadcast %add3A_2259 : i32 to vector<16xi32>
      %add3A_2261 = arith.addi %add3A_2258, %add3A_2260 : vector<16xi32>
      tpu.vector_store_idx %arg9[%add3A_2261], %select_n3A_2246 : memref<624xf32, #tpu.memory_space<vmem>>[vector<16xi32>], vector<16xf32>,
      %eq3A_2262 = arith.constant 6 : i32
      %eq3A_2263 = vector.broadcast %eq3A_2262 : i32 to vector<16xi32>
      %eq3A_2264 = arith.cmpi eq, %get3A_2, %eq3A_2263 : vector<16xi32>
      %gt3A_2265 = arith.constant 6 : i32
      %gt3A_2266 = vector.broadcast %gt3A_2265 : i32 to vector<16xi32>
      %gt3A_2267 = arith.cmpi sgt, %get3A_2, %gt3A_2266 : vector<16xi32>
      %select_n3A_2268 = arith.select %eq3A_2264, %mul3A_1659, %broadcast_in_dim3A_2108 : vector<16xi1>, vector<16xf32>
      %select_n3A_2269 = arith.select %gt3A_2267, %mul3A_1905, %select_n3A_2268 : vector<16xi1>, vector<16xf32>
      %select_n3A_2270 = arith.select %eq3A_2264, %mul3A_1660, %broadcast_in_dim3A_2108 : vector<16xi1>, vector<16xf32>
      %select_n3A_2271 = arith.select %gt3A_2267, %mul3A_1906, %select_n3A_2270 : vector<16xi1>, vector<16xf32>
      %add3A_2272 = arith.constant 18 : i32
      %add3A_2273 = vector.broadcast %add3A_2272 : i32 to vector<16xi32>
      %add3A_2274 = arith.addi %mul3A_2111, %add3A_2273 : vector<16xi32>
      tpu.vector_store_idx %arg9[%add3A_2274], %select_n3A_2269 : memref<624xf32, #tpu.memory_space<vmem>>[vector<16xi32>], vector<16xf32>,
      %add3A_2275 = arith.constant 18 : i32
      %add3A_2276 = vector.broadcast %add3A_2275 : i32 to vector<16xi32>
      %add3A_2277 = arith.addi %mul3A_2111, %add3A_2276 : vector<16xi32>
      %add3A_2278 = arith.constant 1 : i32
      %add3A_2279 = vector.broadcast %add3A_2278 : i32 to vector<16xi32>
      %add3A_2280 = arith.addi %add3A_2277, %add3A_2279 : vector<16xi32>
      tpu.vector_store_idx %arg9[%add3A_2280], %broadcast_in_dim3A_2108 : memref<624xf32, #tpu.memory_space<vmem>>[vector<16xi32>], vector<16xf32>,
      %add3A_2281 = arith.constant 18 : i32
      %add3A_2282 = vector.broadcast %add3A_2281 : i32 to vector<16xi32>
      %add3A_2283 = arith.addi %mul3A_2111, %add3A_2282 : vector<16xi32>
      %add3A_2284 = arith.constant 2 : i32
      %add3A_2285 = vector.broadcast %add3A_2284 : i32 to vector<16xi32>
      %add3A_2286 = arith.addi %add3A_2283, %add3A_2285 : vector<16xi32>
      tpu.vector_store_idx %arg9[%add3A_2286], %select_n3A_2271 : memref<624xf32, #tpu.memory_space<vmem>>[vector<16xi32>], vector<16xf32>,
      %eq3A_2287 = arith.constant 7 : i32
      %eq3A_2288 = vector.broadcast %eq3A_2287 : i32 to vector<16xi32>
      %eq3A_2289 = arith.cmpi eq, %get3A_2, %eq3A_2288 : vector<16xi32>
      %gt3A_2290 = arith.constant 7 : i32
      %gt3A_2291 = vector.broadcast %gt3A_2290 : i32 to vector<16xi32>
      %gt3A_2292 = arith.cmpi sgt, %get3A_2, %gt3A_2291 : vector<16xi32>
      %select_n3A_2293 = arith.select %eq3A_2289, %mul3A_1659, %broadcast_in_dim3A_2108 : vector<16xi1>, vector<16xf32>
      %select_n3A_2294 = arith.select %gt3A_2292, %mul3A_1946, %select_n3A_2293 : vector<16xi1>, vector<16xf32>
      %select_n3A_2295 = arith.select %eq3A_2289, %mul3A_1660, %broadcast_in_dim3A_2108 : vector<16xi1>, vector<16xf32>
      %select_n3A_2296 = arith.select %gt3A_2292, %mul3A_1947, %select_n3A_2295 : vector<16xi1>, vector<16xf32>
      %add3A_2297 = arith.constant 21 : i32
      %add3A_2298 = vector.broadcast %add3A_2297 : i32 to vector<16xi32>
      %add3A_2299 = arith.addi %mul3A_2111, %add3A_2298 : vector<16xi32>
      tpu.vector_store_idx %arg9[%add3A_2299], %select_n3A_2294 : memref<624xf32, #tpu.memory_space<vmem>>[vector<16xi32>], vector<16xf32>,
      %add3A_2300 = arith.constant 21 : i32
      %add3A_2301 = vector.broadcast %add3A_2300 : i32 to vector<16xi32>
      %add3A_2302 = arith.addi %mul3A_2111, %add3A_2301 : vector<16xi32>
      %add3A_2303 = arith.constant 1 : i32
      %add3A_2304 = vector.broadcast %add3A_2303 : i32 to vector<16xi32>
      %add3A_2305 = arith.addi %add3A_2302, %add3A_2304 : vector<16xi32>
      tpu.vector_store_idx %arg9[%add3A_2305], %broadcast_in_dim3A_2108 : memref<624xf32, #tpu.memory_space<vmem>>[vector<16xi32>], vector<16xf32>,
      %add3A_2306 = arith.constant 21 : i32
      %add3A_2307 = vector.broadcast %add3A_2306 : i32 to vector<16xi32>
      %add3A_2308 = arith.addi %mul3A_2111, %add3A_2307 : vector<16xi32>
      %add3A_2309 = arith.constant 2 : i32
      %add3A_2310 = vector.broadcast %add3A_2309 : i32 to vector<16xi32>
      %add3A_2311 = arith.addi %add3A_2308, %add3A_2310 : vector<16xi32>
      tpu.vector_store_idx %arg9[%add3A_2311], %select_n3A_2296 : memref<624xf32, #tpu.memory_space<vmem>>[vector<16xi32>], vector<16xf32>,
      %eq3A_2312 = arith.constant 8 : i32
      %eq3A_2313 = vector.broadcast %eq3A_2312 : i32 to vector<16xi32>
      %eq3A_2314 = arith.cmpi eq, %get3A_2, %eq3A_2313 : vector<16xi32>
      %gt3A_2315 = arith.constant 8 : i32
      %gt3A_2316 = vector.broadcast %gt3A_2315 : i32 to vector<16xi32>
      %gt3A_2317 = arith.cmpi sgt, %get3A_2, %gt3A_2316 : vector<16xi32>
      %select_n3A_2318 = arith.select %eq3A_2314, %mul3A_1659, %broadcast_in_dim3A_2108 : vector<16xi1>, vector<16xf32>
      %select_n3A_2319 = arith.select %gt3A_2317, %mul3A_1987, %select_n3A_2318 : vector<16xi1>, vector<16xf32>
      %select_n3A_2320 = arith.select %eq3A_2314, %mul3A_1660, %broadcast_in_dim3A_2108 : vector<16xi1>, vector<16xf32>
      %select_n3A_2321 = arith.select %gt3A_2317, %mul3A_1988, %select_n3A_2320 : vector<16xi1>, vector<16xf32>
      %add3A_2322 = arith.constant 24 : i32
      %add3A_2323 = vector.broadcast %add3A_2322 : i32 to vector<16xi32>
      %add3A_2324 = arith.addi %mul3A_2111, %add3A_2323 : vector<16xi32>
      tpu.vector_store_idx %arg9[%add3A_2324], %select_n3A_2319 : memref<624xf32, #tpu.memory_space<vmem>>[vector<16xi32>], vector<16xf32>,
      %add3A_2325 = arith.constant 24 : i32
      %add3A_2326 = vector.broadcast %add3A_2325 : i32 to vector<16xi32>
      %add3A_2327 = arith.addi %mul3A_2111, %add3A_2326 : vector<16xi32>
      %add3A_2328 = arith.constant 1 : i32
      %add3A_2329 = vector.broadcast %add3A_2328 : i32 to vector<16xi32>
      %add3A_2330 = arith.addi %add3A_2327, %add3A_2329 : vector<16xi32>
      tpu.vector_store_idx %arg9[%add3A_2330], %broadcast_in_dim3A_2108 : memref<624xf32, #tpu.memory_space<vmem>>[vector<16xi32>], vector<16xf32>,
      %add3A_2331 = arith.constant 24 : i32
      %add3A_2332 = vector.broadcast %add3A_2331 : i32 to vector<16xi32>
      %add3A_2333 = arith.addi %mul3A_2111, %add3A_2332 : vector<16xi32>
      %add3A_2334 = arith.constant 2 : i32
      %add3A_2335 = vector.broadcast %add3A_2334 : i32 to vector<16xi32>
      %add3A_2336 = arith.addi %add3A_2333, %add3A_2335 : vector<16xi32>
      tpu.vector_store_idx %arg9[%add3A_2336], %select_n3A_2321 : memref<624xf32, #tpu.memory_space<vmem>>[vector<16xi32>], vector<16xf32>,
      %eq3A_2337 = arith.constant 9 : i32
      %eq3A_2338 = vector.broadcast %eq3A_2337 : i32 to vector<16xi32>
      %eq3A_2339 = arith.cmpi eq, %get3A_2, %eq3A_2338 : vector<16xi32>
      %gt3A_2340 = arith.constant 9 : i32
      %gt3A_2341 = vector.broadcast %gt3A_2340 : i32 to vector<16xi32>
      %gt3A_2342 = arith.cmpi sgt, %get3A_2, %gt3A_2341 : vector<16xi32>
      %select_n3A_2343 = arith.select %eq3A_2339, %mul3A_1659, %broadcast_in_dim3A_2108 : vector<16xi1>, vector<16xf32>
      %select_n3A_2344 = arith.select %gt3A_2342, %mul3A_2028, %select_n3A_2343 : vector<16xi1>, vector<16xf32>
      %select_n3A_2345 = arith.select %eq3A_2339, %mul3A_1660, %broadcast_in_dim3A_2108 : vector<16xi1>, vector<16xf32>
      %select_n3A_2346 = arith.select %gt3A_2342, %mul3A_2029, %select_n3A_2345 : vector<16xi1>, vector<16xf32>
      %add3A_2347 = arith.constant 27 : i32
      %add3A_2348 = vector.broadcast %add3A_2347 : i32 to vector<16xi32>
      %add3A_2349 = arith.addi %mul3A_2111, %add3A_2348 : vector<16xi32>
      tpu.vector_store_idx %arg9[%add3A_2349], %select_n3A_2344 : memref<624xf32, #tpu.memory_space<vmem>>[vector<16xi32>], vector<16xf32>,
      %add3A_2350 = arith.constant 27 : i32
      %add3A_2351 = vector.broadcast %add3A_2350 : i32 to vector<16xi32>
      %add3A_2352 = arith.addi %mul3A_2111, %add3A_2351 : vector<16xi32>
      %add3A_2353 = arith.constant 1 : i32
      %add3A_2354 = vector.broadcast %add3A_2353 : i32 to vector<16xi32>
      %add3A_2355 = arith.addi %add3A_2352, %add3A_2354 : vector<16xi32>
      tpu.vector_store_idx %arg9[%add3A_2355], %broadcast_in_dim3A_2108 : memref<624xf32, #tpu.memory_space<vmem>>[vector<16xi32>], vector<16xf32>,
      %add3A_2356 = arith.constant 27 : i32
      %add3A_2357 = vector.broadcast %add3A_2356 : i32 to vector<16xi32>
      %add3A_2358 = arith.addi %mul3A_2111, %add3A_2357 : vector<16xi32>
      %add3A_2359 = arith.constant 2 : i32
      %add3A_2360 = vector.broadcast %add3A_2359 : i32 to vector<16xi32>
      %add3A_2361 = arith.addi %add3A_2358, %add3A_2360 : vector<16xi32>
      tpu.vector_store_idx %arg9[%add3A_2361], %select_n3A_2346 : memref<624xf32, #tpu.memory_space<vmem>>[vector<16xi32>], vector<16xf32>,
      %eq3A_2362 = arith.constant 10 : i32
      %eq3A_2363 = vector.broadcast %eq3A_2362 : i32 to vector<16xi32>
      %eq3A_2364 = arith.cmpi eq, %get3A_2, %eq3A_2363 : vector<16xi32>
      %gt3A_2365 = arith.constant 10 : i32
      %gt3A_2366 = vector.broadcast %gt3A_2365 : i32 to vector<16xi32>
      %gt3A_2367 = arith.cmpi sgt, %get3A_2, %gt3A_2366 : vector<16xi32>
      %select_n3A_2368 = arith.select %eq3A_2364, %mul3A_1659, %broadcast_in_dim3A_2108 : vector<16xi1>, vector<16xf32>
      %select_n3A_2369 = arith.select %gt3A_2367, %mul3A_2069, %select_n3A_2368 : vector<16xi1>, vector<16xf32>
      %select_n3A_2370 = arith.select %eq3A_2364, %mul3A_1660, %broadcast_in_dim3A_2108 : vector<16xi1>, vector<16xf32>
      %select_n3A_2371 = arith.select %gt3A_2367, %mul3A_2070, %select_n3A_2370 : vector<16xi1>, vector<16xf32>
      %add3A_2372 = arith.constant 30 : i32
      %add3A_2373 = vector.broadcast %add3A_2372 : i32 to vector<16xi32>
      %add3A_2374 = arith.addi %mul3A_2111, %add3A_2373 : vector<16xi32>
      tpu.vector_store_idx %arg9[%add3A_2374], %select_n3A_2369 : memref<624xf32, #tpu.memory_space<vmem>>[vector<16xi32>], vector<16xf32>,
      %add3A_2375 = arith.constant 30 : i32
      %add3A_2376 = vector.broadcast %add3A_2375 : i32 to vector<16xi32>
      %add3A_2377 = arith.addi %mul3A_2111, %add3A_2376 : vector<16xi32>
      %add3A_2378 = arith.constant 1 : i32
      %add3A_2379 = vector.broadcast %add3A_2378 : i32 to vector<16xi32>
      %add3A_2380 = arith.addi %add3A_2377, %add3A_2379 : vector<16xi32>
      tpu.vector_store_idx %arg9[%add3A_2380], %broadcast_in_dim3A_2108 : memref<624xf32, #tpu.memory_space<vmem>>[vector<16xi32>], vector<16xf32>,
      %add3A_2381 = arith.constant 30 : i32
      %add3A_2382 = vector.broadcast %add3A_2381 : i32 to vector<16xi32>
      %add3A_2383 = arith.addi %mul3A_2111, %add3A_2382 : vector<16xi32>
      %add3A_2384 = arith.constant 2 : i32
      %add3A_2385 = vector.broadcast %add3A_2384 : i32 to vector<16xi32>
      %add3A_2386 = arith.addi %add3A_2383, %add3A_2385 : vector<16xi32>
      tpu.vector_store_idx %arg9[%add3A_2386], %select_n3A_2371 : memref<624xf32, #tpu.memory_space<vmem>>[vector<16xi32>], vector<16xf32>,
      %eq3A_2387 = arith.constant 11 : i32
      %eq3A_2388 = vector.broadcast %eq3A_2387 : i32 to vector<16xi32>
      %eq3A_2389 = arith.cmpi eq, %get3A_2, %eq3A_2388 : vector<16xi32>
      %gt3A_2390 = arith.constant 11 : i32
      %gt3A_2391 = vector.broadcast %gt3A_2390 : i32 to vector<16xi32>
      %gt3A_2392 = arith.cmpi sgt, %get3A_2, %gt3A_2391 : vector<16xi32>
      %select_n3A_2393 = arith.select %eq3A_2389, %mul3A_1659, %broadcast_in_dim3A_2108 : vector<16xi1>, vector<16xf32>
      %select_n3A_2394 = arith.select %gt3A_2392, %mul3A_2105, %select_n3A_2393 : vector<16xi1>, vector<16xf32>
      %select_n3A_2395 = arith.select %eq3A_2389, %mul3A_1660, %broadcast_in_dim3A_2108 : vector<16xi1>, vector<16xf32>
      %select_n3A_2396 = arith.select %gt3A_2392, %mul3A_2106, %select_n3A_2395 : vector<16xi1>, vector<16xf32>
      %add3A_2397 = arith.constant 33 : i32
      %add3A_2398 = vector.broadcast %add3A_2397 : i32 to vector<16xi32>
      %add3A_2399 = arith.addi %mul3A_2111, %add3A_2398 : vector<16xi32>
      tpu.vector_store_idx %arg9[%add3A_2399], %select_n3A_2394 : memref<624xf32, #tpu.memory_space<vmem>>[vector<16xi32>], vector<16xf32>,
      %add3A_2400 = arith.constant 33 : i32
      %add3A_2401 = vector.broadcast %add3A_2400 : i32 to vector<16xi32>
      %add3A_2402 = arith.addi %mul3A_2111, %add3A_2401 : vector<16xi32>
      %add3A_2403 = arith.constant 1 : i32
      %add3A_2404 = vector.broadcast %add3A_2403 : i32 to vector<16xi32>
      %add3A_2405 = arith.addi %add3A_2402, %add3A_2404 : vector<16xi32>
      tpu.vector_store_idx %arg9[%add3A_2405], %broadcast_in_dim3A_2108 : memref<624xf32, #tpu.memory_space<vmem>>[vector<16xi32>], vector<16xf32>,
      %add3A_2406 = arith.constant 33 : i32
      %add3A_2407 = vector.broadcast %add3A_2406 : i32 to vector<16xi32>
      %add3A_2408 = arith.addi %mul3A_2111, %add3A_2407 : vector<16xi32>
      %add3A_2409 = arith.constant 2 : i32
      %add3A_2410 = vector.broadcast %add3A_2409 : i32 to vector<16xi32>
      %add3A_2411 = arith.addi %add3A_2408, %add3A_2410 : vector<16xi32>
      tpu.vector_store_idx %arg9[%add3A_2411], %select_n3A_2396 : memref<624xf32, #tpu.memory_space<vmem>>[vector<16xi32>], vector<16xf32>,
      %eq3A_2412 = arith.constant 12 : i32
      %eq3A_2413 = vector.broadcast %eq3A_2412 : i32 to vector<16xi32>
      %eq3A_2414 = arith.cmpi eq, %get3A_2, %eq3A_2413 : vector<16xi32>
      %select_n3A_2415 = arith.select %eq3A_2414, %mul3A_1659, %broadcast_in_dim3A_2108 : vector<16xi1>, vector<16xf32>
      %select_n3A_2416 = arith.select %eq3A_2414, %mul3A_1660, %broadcast_in_dim3A_2108 : vector<16xi1>, vector<16xf32>
      %add3A_2417 = arith.constant 36 : i32
      %add3A_2418 = vector.broadcast %add3A_2417 : i32 to vector<16xi32>
      %add3A_2419 = arith.addi %mul3A_2111, %add3A_2418 : vector<16xi32>
      tpu.vector_store_idx %arg9[%add3A_2419], %select_n3A_2415 : memref<624xf32, #tpu.memory_space<vmem>>[vector<16xi32>], vector<16xf32>,
      %add3A_2420 = arith.constant 36 : i32
      %add3A_2421 = vector.broadcast %add3A_2420 : i32 to vector<16xi32>
      %add3A_2422 = arith.addi %mul3A_2111, %add3A_2421 : vector<16xi32>
      %add3A_2423 = arith.constant 1 : i32
      %add3A_2424 = vector.broadcast %add3A_2423 : i32 to vector<16xi32>
      %add3A_2425 = arith.addi %add3A_2422, %add3A_2424 : vector<16xi32>
      tpu.vector_store_idx %arg9[%add3A_2425], %broadcast_in_dim3A_2108 : memref<624xf32, #tpu.memory_space<vmem>>[vector<16xi32>], vector<16xf32>,
      %add3A_2426 = arith.constant 36 : i32
      %add3A_2427 = vector.broadcast %add3A_2426 : i32 to vector<16xi32>
      %add3A_2428 = arith.addi %mul3A_2111, %add3A_2427 : vector<16xi32>
      %add3A_2429 = arith.constant 2 : i32
      %add3A_2430 = vector.broadcast %add3A_2429 : i32 to vector<16xi32>
      %add3A_2431 = arith.addi %add3A_2428, %add3A_2430 : vector<16xi32>
      tpu.vector_store_idx %arg9[%add3A_2431], %select_n3A_2416 : memref<624xf32, #tpu.memory_space<vmem>>[vector<16xi32>], vector<16xf32>,
      "tpu.region"() ({
        %run_scoped3A = tpu.sem_alloc : memref<!tpu.dma_semaphore, #tpu.memory_space<semaphore_mem>>
        tpu.enqueue_dma source(%arg9 : memref<624xf32, #tpu.memory_space<vmem>>) target(%arg5 : memref<624xf32, #tpu.memory_space<hbm>>) target_semaphore(%run_scoped3A : memref<!tpu.dma_semaphore, #tpu.memory_space<semaphore_mem>>)
        tpu.wait_dma2 semaphore(%run_scoped3A : memref<!tpu.dma_semaphore, #tpu.memory_space<semaphore_mem>>) src(%arg9 : memref<624xf32, #tpu.memory_space<vmem>>) dst(%arg5 : memref<624xf32, #tpu.memory_space<hbm>>)
        tpu.yield
      }) : () -> ()
    } else {
    }
    return
  }
}

</mosaic_0001>

<sc_bundles>
// kernel: kernel.3.cloned.1.call-start
scs
__scs_entry_jumppad:
0x0: {  	(pc) =	sbr.rel $0x88, $3  }
0x1: {  	(tag) =	ssettag $0x0;
	lr =	simm.s32 $0x1  }
0x2: {  	[smem:$0x3F9E] =	sst lr;
	_ =	strace $0xD0000000  }
0x3: {  	_ = 	snop  }
0x4: {  	_ = 	snop  }
0x5: {  	_ = 	snop  }
0x6: {  	_ = 	snop  }
0x7: {  	_ = 	snop  }
__scs_overlays_trampoline_lowered:
0x8: {  	[smem:$0x3FAD] =	sst s0  }
0x9: {  	[smem:$0x3FAE] =	sst s1  }
0xa: {  	[smem:$0x3FAF] =	sst s2  }
0xb: {  	[smem:$0x3FB0] =	sst s3  }
0xc: {  	[smem:$0x3FB1] =	sst s4  }
0xd: {  	[smem:$0x3FB2] =	sst s5  }
0xe: {  	[smem:$0x3FB3] =	sst s6  }
0xf: {  	[smem:$0x3FB4] =	sst s7  }
0x10: {  	[smem:$0x3FB5] =	sst s8  }
0x11: {  	[smem:$0x3FB6] =	sst s9;
	s0 =	simm.s32 @!p0 $0x0  }
0x12: {  	s1 =	sld [smem:$0x3F9C];
	s0 =	simm.s32 @p0 $0x1  }
0x13: {  	[smem:$0x3FB7] =	sst s0;
	s0 =	simm.s32 @!p1 $0x0  }
0x14: {  	s2 =	sld [smem:$0x3F9B];
	s0 =	simm.s32 @p1 $0x1  }
0x15: {  	[smem:$0x3FB8] =	sst s0;
	s0 =	simm.s32 @!p2 $0x0  }
0x16: {  	s3 =	sld [smem:$0x3FDB];
	s0 =	simm.s32 @p2 $0x1  }
0x17: {  	s4 =	simm.s32 $0x1BF5;
	[smem:$0x3FBA] =	sst s0  }
0x18: {  	s0 =	sld [smem:$0x3F9D];
	_ =	swait.ge [sflag:s4], $0x0  }
0x19: {  	s7 =	sld [smem:$0x3F9E]  }
0x1a: {  	s8 =	sadd.s32 $0xFFFFE003, lr  }
0x1b: {  	s9 =	sadd.s32 $0xFFFFFEF7, lr;
	s5 =	simm.s32 $0xFFFFFFFF;
	p2 =	slt.u32 s8, $0xFFFFF086  }
0x1c: {  	p1 =	slt.u32 s9, $0xF7A;
	s5 =	simm.s32 @!p2 $0x0  }
0x1d: {  	s5 =	simm.s32 @p1 $0x1;
	p0 =	seq.s32 s7, s2  }
0x1e: {  	s7 =	smul.u32 @!p0 $0xF7A, s2;
	p2 =	seq.s32 @!p0 s5, $0x0  }
0x1f: {  	s9 =	smul.u32 $0xF7A, s1;
	s8 =	simm.s32 @!p0 $0x1BF5;
	p2 =	por !p2, p0  }
0x20: {  	[sflag:s8] =	ssyncset.s32 @!p0 $0xFFFFF086;
	s6 =	sadd.s32 @!p0 s3, s7;
	s7 =	simm.s32 @!p0 $0x108  }
0x21: {  	s3 =	sadd.s32 s3, s9;
	s6 =	sadd.s32 @!p0 $0x88, s6;
	s7 =	simm.s32 @p2 $0x1082  }
0x22: {  	[simem:s7], [sflag:s8] =	dma.local @!p0 [hbm:s6], $0xF7A  }
0x23: {  	s9 =	sor.u32 $0xD0000000, s2;
	s6 =	simm.s32 $0x108;
	_ =	swait.ge @!p0 [sflag:s8], $0x0  }
0x24: {  	s3 =	sadd.s32 $0x88, s3;
	s6 =	simm.s32 @!p1 $0x1082;
	[sflag:s4] =	ssyncset.s32 $0xFFFFF086  }
0x25: {  	[simem:s6], [sflag:s4] =	dma.local [hbm:s3], $0xF7A  }
0x26: {  	[smem:$0x3F9E] =	sst s1;
	(tag) =	ssettag s2;
	_ =	strace s9  }
0x27: {  	s1 =	sld [smem:$0x3FAE]  }
0x28: {  	s2 =	sld [smem:$0x3FAF]  }
0x29: {  	s4 =	sld [smem:$0x3FB1]  }
0x2a: {  	p0 =	seq.s32 s5, $0x0;
	s5 =	sld [smem:$0x3FB2]  }
0x2b: {  	s6 =	sld [smem:$0x3FB3]  }
0x2c: {  	s7 =	sld [smem:$0x3FB4]  }
0x2d: {  	s3 =	simm.s32 $0x108;
	s8 =	sld [smem:$0x3FB5]  }
0x2e: {  	s3 =	simm.s32 @!p0 $0x1082;
	s9 =	sld [smem:$0x3FB6]  }
0x2f: {  	lr =	sadd.s32 s0, s3;
	s0 =	sld [smem:$0x3FAD]  }
0x30: {  	s3 =	sld [smem:$0x3FB0]  }
0x31: {  	[smem:$0x3FB9] =	sst s10  }
0x32: {  	s10 =	sld [smem:$0x3FB7];
	_ =	sdelay $0x3  }
0x33: {  	p0 =	seq.s32 s10, $0x1;
	s10 =	sld [smem:$0x3FB9];
	_ =	sdelay $0x3  }
0x34: {  	[smem:$0x3FB9] =	sst s10  }
0x35: {  	s10 =	sld [smem:$0x3FB8];
	_ =	sdelay $0x3  }
0x36: {  	p1 =	seq.s32 s10, $0x1;
	s10 =	sld [smem:$0x3FB9];
	_ =	sdelay $0x3  }
0x37: {  	[smem:$0x3FB9] =	sst s10  }
0x38: {  	s10 =	sld [smem:$0x3FBA]  }
0x39: {  	_ = 	snop;
	(pc) =	sbr.ind lr, $3  }
0x3a: {  	_ = 	snop  }
0x3b: {  	_ = 	snop  }
0x3c: {  	p2 =	seq.s32 s10, $0x1;
	s10 =	sld [smem:$0x3FB9]  }
0x3d: {  	_ =	shalt  }
0x3e: {  	_ =	shalt  }
0x3f: {  	_ =	shalt  }
0x40: {  	_ =	shalt  }
0x41: {  	_ =	shalt  }
0x42: {  	_ =	shalt  }
0x43: {  	_ =	shalt  }
0x44: {  	_ =	shalt  }
0x45: {  	_ =	shalt  }
0x46: {  	_ =	shalt  }
0x47: {  	_ =	shalt  }
0x48: {  	_ =	shalt  }
0x49: {  	_ =	shalt  }
0x4a: {  	_ =	shalt  }
0x4b: {  	_ =	shalt  }
0x4c: {  	_ =	shalt  }
0x4d: {  	_ =	shalt  }
0x4e: {  	_ =	shalt  }
0x4f: {  	_ =	shalt  }
0x50: {  	_ =	shalt  }
0x51: {  	_ =	shalt  }
0x52: {  	_ =	shalt  }
0x53: {  	_ =	shalt  }
0x54: {  	_ =	shalt  }
0x55: {  	_ =	shalt  }
0x56: {  	_ =	shalt  }
0x57: {  	_ =	shalt  }
0x58: {  	_ =	shalt  }
0x59: {  	_ =	shalt  }
0x5a: {  	_ =	shalt  }
0x5b: {  	_ =	shalt  }
0x5c: {  	_ =	shalt  }
0x5d: {  	_ =	shalt  }
0x5e: {  	_ =	shalt  }
0x5f: {  	_ =	shalt  }
0x60: {  	_ =	shalt  }
0x61: {  	_ =	shalt  }
0x62: {  	_ =	shalt  }
0x63: {  	_ =	shalt  }
0x64: {  	_ =	shalt  }
0x65: {  	_ =	shalt  }
0x66: {  	_ =	shalt  }
0x67: {  	_ =	shalt  }
0x68: {  	_ =	shalt  }
0x69: {  	_ =	shalt  }
0x6a: {  	_ =	shalt  }
0x6b: {  	_ =	shalt  }
0x6c: {  	_ =	shalt  }
0x6d: {  	_ =	shalt  }
0x6e: {  	_ =	shalt  }
0x6f: {  	_ =	shalt  }
0x70: {  	_ =	shalt  }
0x71: {  	_ =	shalt  }
0x72: {  	_ =	shalt  }
0x73: {  	_ =	shalt  }
0x74: {  	_ =	shalt  }
0x75: {  	_ =	shalt  }
0x76: {  	_ =	shalt  }
0x77: {  	_ =	shalt  }
0x78: {  	_ =	shalt  }
0x79: {  	_ =	shalt  }
0x7a: {  	_ =	shalt  }
0x7b: {  	_ =	shalt  }
0x7c: {  	_ =	shalt  }
0x7d: {  	_ =	shalt  }
0x7e: {  	_ =	shalt  }
0x7f: {  	_ =	shalt  }
0x80: {  	_ =	shalt  }
0x81: {  	_ =	shalt  }
0x82: {  	_ =	shalt  }
0x83: {  	_ =	shalt  }
0x84: {  	_ =	shalt  }
0x85: {  	_ =	shalt  }
0x86: {  	_ =	shalt  }
0x87: {  	_ =	shalt  }
.Lfunc_end0:
.L_simem_size_0:
called_computation_lowered:
.L_overlay_start_0:
0x88: {  	s0 =	sld [smem:$0x3FD9]  }
0x89: {  	s1 =	sld [smem:$0x3FFE];
	_ =	sdelay $0x3  }
0x8a: {  	s0 =	sadd.s32 s1, s0  }
0x8b: {  	[smem:$0x3FC5] =	sst s0  }
0x8c: {  	_ = 	snop  }
0x8d: {  	s0 =	sld [smem:$0x3FC8]  }
0x8e: {  	s16 =	sld [smem:$0x3FC7]  }
0x8f: {  	s2 =	sld [smem:$0x3FD0];
	(tm) =	ssettm $0x1  }
0x90: {  	s3 =	sld [smem:$0x3FFB];
	_ =	sdelay $0x3  }
0x91: {  	_ =	strace s3  }
0x92: {  	s3 =	sld [smem:$0x3FFC];
	_ =	sdelay $0x3  }
0x93: {  	_ =	strace s3  }
0x94: {  	s3 =	sld [smem:$0x3FFD];
	_ =	sdelay $0x3  }
0x95: {  	_ =	strace s3  }
0x96: {  	_ =	strace $0x8FFFFFFF  }
0x97: {  	s17 =	sld [smem:$0x3FDB];
	_ =	sdelay $0x1  }
0x98: {  	s4 =	simm.s32 $_scs_section_size  }
0x99: {  	s5 =	simm.s32 $_size__tile_overlayer_lowered;
	s6 =	simm.s32 $_tile_overlayer_lowered  }
0x9a: {  	s20 =	simm.s32 $0x1BFF;
	s19 =	sshll.u32 s6, $0x1;
	s3 =	sadd.s32 s4, s17  }
0x9b: {  	s7 =	simm.s32 $0x0;
	s18 =	sshll.u32 s5, $0x1;
	s5 =	sadd.s32 s19, s3  }
0x9c: {  	[timem:s7], [sflag:s20] =	dma.local [hbm:s5], s18  }
0x9d: {  	_ =	swait.ge [sflag:s20], s18  }
0x9e: {  	s4 =	ssub.s32 $0x0, s18;
	[sflag:s20] =	ssyncset.done $0x0  }
0x9f: {  	[sflag:s20] =	ssyncadd.s32 s4;
	_ =	sdelay $0x1  }
0xa0: {  	s21 =	simm.s32 $0x1B8B  }
0xa1: {  	_ =	swait.ge [sflag:s21], $0x1  }
0xa2: {  	[sflag:s21] =	ssyncset.done $0x0  }
0xa3: {  	s23 =	simm.s32 $0x1B8E;
	s22 =	sld [smem:$0x3FFE];
	[sflag:s21] =	ssyncadd.s32 $0xFFFFFFFF  }
0xa4: {  	s24 =	simm.s32 $execute0_lowered;
	[smem:$0x3FD2] =	sst s23  }
0xa5: {  	s5 =	sshll.u32 s24, $0x1;
	_ =	strace $0x80000046;
	[dreg:$0x1] =	wrdreg $0xFFFFFFFF  }
0xa6: {  	s25 =	simm.s32 $_size_execute0_lowered;
	s3 =	sadd.s32 s3, s5;
	[dreg:$0x0] =	wrdreg $0x0  }
0xa7: {  	s5 =	sshll.u32 s25, $0x1;
	[dreg:$0x2] =	wrdreg s3  }
0xa8: {  	[dreg:$0x3] =	wrdreg s5  }
0xa9: {  	[dreg:$0x4] =	wrdreg $0xC0  }
0xaa: {  	_ =	task [dreg:s7], $0x5FFFF  }
0xab: {  	[dreg:$0x1] =	wrdreg $0xFFFFFFFF  }
0xac: {  	[dreg:$0x0] =	wrdreg $0x60  }
0xad: {  	[dreg:$0x2] =	wrdreg s22  }
0xae: {  	[dreg:$0x3] =	wrdreg s0  }
0xaf: {  	[dreg:$0x4] =	wrdreg s16  }
0xb0: {  	[dreg:$0x5] =	wrdreg s2  }
0xb1: {  	[dreg:$0x6] =	wrdreg $0x9  }
0xb2: {  	_ =	task.clear_ibuf [dreg:s7], $0x7FFFF;
	_ =	strace $0x90000046  }
0xb3: {  	s26 =	simm.s32 $0x9;
	_ =	strace $0x80000048  }
0xb4: {  	_ =	swait.ge [sflag:s26], $0x1  }
0xb5: {  	[sflag:s26] =	ssyncadd.s32 $0xFFFFFFFF  }
0xb6: {  	_ =	strace $0x90000048  }
0xb7: {  	_ =	sfence  }
0xb8: {  	s28 =	sld [smem:$0x0];
	_ =	sdelay $0x1  }
0xb9: {  	s29 =	srdreg.scid  }
0xba: {  	s30 =	sshll.u32 s29, $0xD;
	s31 =	sshrl.u32 s29, $0x2  }
0xbb: {  	s1 =	sand.u32 $0x1, s29;
	s2 =	sand.u32 $0x4000, s30;
	s0 =	sadd.s32 s31, s28  }
0xbc: {  	s1 =	sor.u32 s2, s1;
	s0 =	sshll.u32 s0, $0x11  }
0xbd: {  	s0 =	sor.u32 s0, s1  }
0xbe: {  	s0 =	sadd.s32 $0x8F2B, s0  }
0xbf: {  	[sflag:s0] =	ssyncadd.remote.s32 $0x1  }
0xc0: {  	_ =	sfence.sel $0xFFFF  }
0xc1: {  	[dreg:$0x0] =	wrdreg $0xFFFFFFFF;
	(pc) =	sbr.abs _section_cstart, $3  }
0xc2: {  	[dreg:$0x1] =	wrdreg $0xFFFFFFFF  }
0xc3: {  	_ =	task.clear_ibuf [dreg:s7], $0x2FFFF;
	_ =	strace $0x9FFFFFFF  }
0xc4: {  	(tm) =	ssettm $0x7FFFFFFF  }
0xc5: {  	_ =	shalt  }
tec
execute0_lowered:
.L_overlay_start_1:
0x0: {  	(tag) =	ssettag $0x1  }
0x1: {  	s5 =	stileid.u32  }
0x2: {  	p0 =	sne.s32 s5, $0x0  }
.Ltmp0:
0x3: {  	s2 =	rddreg [dreg:$0x0];
	(pc) =	sbr.rel @p0 .LBB2_2-.Ltmp0, $4  }
0x4: {  	s4 =	rddreg [dreg:$0x1]  }
0x5: {  	s3 =	rddreg [dreg:$0x2]  }
0x6: {  	s1 =	rddreg [dreg:$0x3]  }
0x7: {  	s0 =	rddreg [dreg:$0x4];
	_ =	strace $0x80000047  }
0x8: {  	s5 =	sadd.s32 $0x400, s2;
	s25 =	simm.s32 $0x0  }
0x9: {  	[tilespmem:s25], [sflag:$0x1] =	stream.linear.gather [hbm4b:s5+s25], $0x180, $0x38;
	[tilespmem:$0x500] =	vst v63  }
0xa: {  	s26 =	simm.s32 $0x180  }
0xb: {  	[tilespmem:s26], [sflag:$0x1] =	stream.linear.gather [hbm4b:s4+s25], $0x80, $0x38;
	[tilespmem:$0x500] =	vst v63  }
0xc: {  	s28 =	simm.s32 $0x200;
	s29 =	simm.s32 $0x1  }
0xd: {  	[tilespmem:s28], [sflag:$0x1] =	stream.linear.gather [hbm4b:s3+s25], $0x80, $0x38;
	[tilespmem:$0x500] =	vst v63  }
0xe: {  	_ =	swait.ge [sflag:s29], $0x180  }
0xf: {  	[sflag:s29] =	ssyncset.done $0x0  }
0x10: {  	v0 =	vlaneseq.u32;
	[sflag:s29] =	ssyncadd.s32 $0xFFFFFE80  }
0x11: {  	v4 =	vmul.u32 $0x18, v0;
	_ =	swait.ge [sflag:s29], $0x80  }
0x12: {  	[sflag:s29] =	ssyncset.done $0x0  }
0x13: {  	v1 =	vor.u32 $0x1, v4;
	[sflag:s29] =	ssyncadd.s32 $0xFFFFFF80  }
0x14: {  	v9 =	vor.u32 $0x2, v4;
	_ =	swait.ge [sflag:s29], $0x80  }
0x15: {  	v10 =	vor.u32 $0x3, v4;
	[sflag:s29] =	ssyncset.done $0x0  }
0x16: {  	[sflag:s29] =	ssyncadd.s32 $0xFFFFFF80  }
0x17: {  	v2 =	vld.idx.msk [tilespmem:v4+s25+$0x0], $0xffff  }
0x18: {  	v1 =	vld.idx.msk [tilespmem:v1+s25+$0x0], $0xffff  }
0x19: {  	v9 =	vld.idx.msk [tilespmem:v9+s25+$0x0], $0xffff  }
0x1a: {  	v10 =	vld.idx.msk [tilespmem:v10+s25+$0x0], $0xffff;
	_ =	sdelay $0x1  }
0x1b: {  	v16 =	vor.u32 $0x4, v4  }
0x1c: {  	v5 =	vmul.f32 v1, v1  }
0x1d: {  	v2 =	vmul.f32 $5.000000000e-01, v2;
	v9 =	vmul.f32 $5.000000000e-01, v9  }
0x1e: {  	v14 =	vmul.f32 v10, v10;
	v6 =	vmul.f32 $1.605904440e-10, v5  }
0x1f: {  	v3 =	vmul.f32 v2, v2;
	v11 =	vmul.f32 $2.087675590e-09, v5  }
0x20: {  	v22 =	vld.idx.msk [tilespmem:v16+s25+$0x0], $0xffff;
	v12 =	vmul.f32 v9, v9;
	v15 =	vmul.f32 $1.605904440e-10, v14;
	v6 =	vadd.f32 $-2.505210790e-08, v6  }
0x21: {  	v20 =	vor.u32 $0x5, v4;
	v23 =	vmul.f32 $2.087675590e-09, v14;
	v7 =	vmul.f32 $1.605904440e-10, v3  }
0x22: {  	v8 =	vmul.f32 $2.087675590e-09, v3;
	v11 =	vadd.f32 $-2.755732000e-07, v11;
	v6 =	vmul.f32 v6, v5  }
0x23: {  	v13 =	vmul.f32 $1.605904440e-10, v12;
	v55 =	vadd.f32 $-2.505210790e-08, v15;
	v7 =	vadd.f32 $-2.505210790e-08, v7  }
0x24: {  	v57 =	vmul.f32 $2.087675590e-09, v12;
	v8 =	vadd.f32 $-2.755732000e-07, v8;
	v6 =	vadd.f32 $2.755731880e-06, v6  }
0x25: {  	v16 =	vadd.f32 $-2.755732000e-07, v23;
	v15 =	vmul.f32 $5.000000000e-01, v22;
	v7 =	vmul.f32 v7, v3  }
0x26: {  	v22 =	vadd.s32 $0xA, v4;
	v8 =	vmul.f32 v8, v3;
	v6 =	vmul.f32 v6, v5  }
0x27: {  	v11 =	vmul.f32 v11, v5;
	v59 =	vmul.f32 v55, v14;
	v7 =	vadd.f32 $2.755731880e-06, v7  }
0x28: {  	v16 =	vmul.f32 v16, v14;
	v8 =	vadd.f32 $2.480158760e-05, v8;
	v6 =	vadd.f32 $-1.984127010e-04, v6  }
0x29: {  	v13 =	vadd.f32 $-2.505210790e-08, v13;
	v29 =	vmul.f32 v15, v15;
	v7 =	vmul.f32 v7, v3  }
0x2a: {  	v40 =	vor.u32 $0x7, v4;
	v8 =	vmul.f32 v8, v3;
	v6 =	vmul.f32 v6, v5  }
0x2b: {  	v11 =	vadd.f32 $2.480158760e-05, v11;
	v54 =	vmul.f32 v13, v12;
	v13 =	vld.idx.msk [tilespmem:v20+s25+$0x0], $0xffff;
	v7 =	vadd.f32 $-1.984127010e-04, v7  }
0x2c: {  	v18 =	vmul.f32 $1.605904440e-10, v29;
	v8 =	vadd.f32 $-1.388888920e-03, v8;
	v6 =	vadd.f32 $8.333333770e-03, v6  }
0x2d: {  	v39 =	vor.u32 $0x6, v4;
	v11 =	vmul.f32 v11, v5;
	v7 =	vmul.f32 v7, v3  }
0x2e: {  	v22 =	vld.idx.msk [tilespmem:v22+s25+$0x0], $0xffff;
	v32 =	vadd.f32 $-2.505210790e-08, v18;
	v8 =	vmul.f32 v8, v3;
	v6 =	vmul.f32 v6, v5  }
0x2f: {  	v38 =	vmul.f32 $2.087675590e-09, v29;
	v11 =	vadd.f32 $-1.388888920e-03, v11;
	v7 =	vadd.f32 $8.333333770e-03, v7  }
0x30: {  	v18 =	vld.idx.msk [tilespmem:v40+s25+$0x0], $0xffff;
	v30 =	vmul.f32 v13, v13;
	v8 =	vadd.f32 $4.166666790e-02, v8;
	v6 =	vadd.f32 $-1.666666720e-01, v6  }
0x31: {  	v28 =	vadd.f32 $2.480158760e-05, v16;
	v53 =	vmul.f32 v11, v5;
	v7 =	vmul.f32 v7, v3  }
0x32: {  	v58 =	vadd.f32 $2.755731880e-06, v54;
	v8 =	vmul.f32 v8, v3;
	v6 =	vmul.f32 v6, v5  }
0x33: {  	v22 =	vmul.f32 $5.000000000e-01, v22;
	v19 =	vmul.f32 $1.605904440e-10, v30;
	v7 =	vadd.f32 $-1.666666720e-01, v7  }
0x34: {  	v43 =	vmul.f32 $2.087675590e-09, v30;
	v8 =	vadd.f32 $-5.000000000e-01, v8;
	v6 =	vadd.f32 $1.000000000e+00, v6  }
0x35: {  	v47 =	vmul.f32 v18, v18;
	v33 =	vadd.f32 $-2.505210790e-08, v19;
	v7 =	vmul.f32 v7, v3  }
0x36: {  	v56 =	vld [tilespmem:$0x200];
	v3 =	vmul.f32 v8, v3;
	v8 =	vadd.f32 $2.755731880e-06, v59;
	v1 =	vmul.f32 v6, v1  }
0x37: {  	v20 =	vmul.f32 $1.605904440e-10, v47;
	v34 =	vmul.f32 v33, v30;
	v7 =	vadd.f32 $1.000000000e+00, v7  }
0x38: {  	v6 =	vadd.f32 $4.166666790e-02, v53;
	v8 =	vmul.f32 v8, v14;
	(erf) = vrcp.f32 v1  }
0x39: {  	v49 =	vadd.f32 $-2.505210790e-08, v20;
	v2 =	vmul.f32 v7, v2;
	v7 =	vmul.f32 v58, v12  }
0x3a: {  	v61 =	vmul.f32 v6, v5;
	v1 =	vadd.f32 $-2.755732000e-07, v57;
	v57 =	vadd.s32 $0x8, v4  }
0x3b: {  	v60 =	vadd.f32 $1.000000000e+00, v3;
	v3 =	vmul.f32 $-1.600000020e+00, v56;
	v7 =	vadd.f32 $-1.984127010e-04, v7  }
0x3c: {  	v8 =	vadd.f32 $-1.984127010e-04, v8;
	v63 =	vadd.f32 $-5.000000000e-01, v61;
	v1 =	vmul.f32 v1, v12  }
0x3d: {  	v56 =	vadd.s32 $0x9, v4;
	v62 =	vadd.f32 v2, v2;
	v7 =	vmul.f32 v7, v12  }
0x3e: {  	v8 =	vmul.f32 v8, v14;
	v5 =	vmul.f32 v63, v5;
	v1 =	vadd.f32 $2.480158760e-05, v1  }
0x3f: {  	v11 =	vmul.f32 v62, v60;
	v2 =	vmul.f32 v62, v2;
	v16 =	vld.idx.msk [tilespmem:v57+s25+$0x0], $0xffff;
	v7 =	vadd.f32 $8.333333770e-03, v7  }
0x40: {  	v8 =	vadd.f32 $8.333333770e-03, v8;
	v1 =	vmul.f32 v1, v12;
	v5 =	vadd.f32 $1.000000000e+00, v5  }
0x41: {  	v58 =	vmul.f32 $2.087675590e-09, v47;
	v2 =	vsub.f32 $1.000000000e+00, v2;
	v7 =	vmul.f32 v7, v12  }
0x42: {  	v8 =	vmul.f32 v8, v14;
	v1 =	vadd.f32 $-1.388888920e-03, v1;
	v11 =	vmul.f32 v11, v5;
	v21 =	vpop (erf)  }
0x43: {  	v2 =	vmul.f32 v2, v5;
	v6 =	vmul.f32 v21, v3;
	v7 =	vadd.f32 $-1.666666720e-01, v7  }
0x44: {  	v26 =	vadd.f32 $-1.666666720e-01, v8;
	v17 =	vmul.f32 v1, v12;
	v16 =	vmul.f32 $5.000000000e-01, v16  }
0x45: {  	v57 =	vadd.s32 $0xC, v4;
	v1 =	vmul.f32 v11, v6;
	v25 =	vmul.f32 v7, v12  }
0x46: {  	v24 =	vadd.f32 $4.166666790e-02, v17;
	v7 =	vmul.f32 v26, v14;
	v11 =	vmul.f32 v28, v14  }
0x47: {  	v2 =	vmul.f32 v2, v6;
	v17 =	vadd.f32 $-2.755732000e-07, v58;
	v28 =	vmul.f32 v16, v16  }
0x48: {  	v27 =	vmul.f32 v24, v12;
	v5 =	vadd.f32 $1.000000000e+00, v25;
	v7 =	vadd.f32 $1.000000000e+00, v7  }
0x49: {  	v31 =	vadd.f32 $-1.388888920e-03, v11;
	v11 =	vmul.f32 v32, v29;
	v60 =	vmul.f32 v17, v47  }
0x4a: {  	v33 =	vmul.f32 $2.087675590e-09, v28;
	v24 =	vmul.f32 v22, v22;
	v8 =	vadd.f32 $-5.000000000e-01, v27  }
0x4b: {  	v5 =	vmul.f32 v5, v9;
	v9 =	vmul.f32 v31, v14;
	v36 =	vadd.f32 $2.755731880e-06, v11  }
0x4c: {  	v7 =	vmul.f32 v7, v10;
	v11 =	vadd.f32 $-2.755732000e-07, v38;
	v38 =	vadd.s32 $0xB, v4  }
0x4d: {  	v8 =	vmul.f32 v8, v12;
	v35 =	vadd.f32 $4.166666790e-02, v9;
	v9 =	vmul.f32 v36, v29  }
0x4e: {  	(erf) = vrcp.f32 v7;
	v7 =	vadd.f32 $2.755731880e-06, v34;
	v11 =	vmul.f32 v11, v29;
	v12 =	vld.idx.msk [tilespmem:v39+s25+$0x0], $0xffff  }
0x4f: {  	v37 =	vadd.f32 v5, v5;
	v6 =	vmul.f32 v35, v14;
	v9 =	vadd.f32 $-1.984127010e-04, v9  }
0x50: {  	v8 =	vadd.f32 $1.000000000e+00, v8;
	v7 =	vmul.f32 v7, v30;
	v41 =	vadd.f32 $2.480158760e-05, v11  }
0x51: {  	v5 =	vmul.f32 v37, v5;
	v6 =	vadd.f32 $-5.000000000e-01, v6;
	v9 =	vmul.f32 v9, v29  }
0x52: {  	v8 =	vmul.f32 v37, v8;
	v7 =	vadd.f32 $-1.984127010e-04, v7;
	v10 =	vmul.f32 v41, v29  }
0x53: {  	v12 =	vmul.f32 $5.000000000e-01, v12;
	v6 =	vmul.f32 v6, v14;
	v9 =	vadd.f32 $8.333333770e-03, v9  }
0x54: {  	v7 =	vmul.f32 v7, v30;
	v14 =	vadd.f32 $-2.755732000e-07, v43;
	v10 =	vadd.f32 $-1.388888920e-03, v10  }
0x55: {  	v44 =	vsub.f32 $1.000000000e+00, v5;
	v48 =	vmul.f32 v12, v12;
	v9 =	vmul.f32 v9, v29  }
0x56: {  	v6 =	vadd.f32 $1.000000000e+00, v6;
	v46 =	vmul.f32 v14, v30;
	v10 =	vmul.f32 v10, v29  }
0x57: {  	v7 =	vadd.f32 $8.333333770e-03, v7;
	v42 =	vpop (erf);
	v21 =	vmul.f32 $1.605904440e-10, v48;
	v54 =	vmul.f32 $2.087675590e-09, v48  }
0x58: {  	v11 =	vmul.f32 v42, v3;
	v8 =	vmul.f32 v8, v6;
	v45 =	vadd.f32 $-1.666666720e-01, v9  }
0x59: {  	v7 =	vmul.f32 v7, v30;
	v9 =	vadd.f32 $2.480158760e-05, v46;
	v10 =	vadd.f32 $4.166666790e-02, v10  }
0x5a: {  	v36 =	vadd.f32 $-2.755732000e-07, v33;
	v6 =	vmul.f32 v44, v6;
	v5 =	vmul.f32 v8, v11  }
0x5b: {  	v7 =	vadd.f32 $-1.666666720e-01, v7;
	v9 =	vmul.f32 v9, v30;
	v10 =	vmul.f32 v10, v29  }
0x5c: {  	v50 =	vadd.f32 $-2.505210790e-08, v21;
	v8 =	vmul.f32 v45, v29;
	v6 =	vmul.f32 v6, v11  }
0x5d: {  	v7 =	vmul.f32 v7, v30;
	v9 =	vadd.f32 $-1.388888920e-03, v9;
	v10 =	vadd.f32 $-5.000000000e-01, v10  }
0x5e: {  	v51 =	vmul.f32 v50, v48;
	v50 =	vmul.f32 $1.605904440e-10, v24;
	v8 =	vadd.f32 $1.000000000e+00, v8  }
0x5f: {  	v7 =	vadd.f32 $1.000000000e+00, v7;
	v9 =	vmul.f32 v9, v30;
	v10 =	vmul.f32 v10, v29  }
0x60: {  	v55 =	vadd.f32 $-2.755732000e-07, v54;
	v8 =	vmul.f32 v8, v15;
	v15 =	vmul.f32 v49, v47  }
0x61: {  	v7 =	vmul.f32 v7, v13;
	v9 =	vadd.f32 $4.166666790e-02, v9;
	v10 =	vadd.f32 $1.000000000e+00, v10  }
0x62: {  	v52 =	vadd.f32 $2.755731880e-06, v15;
	v53 =	vadd.f32 v8, v8;
	v13 =	vmul.f32 v55, v48  }
0x63: {  	v15 =	vld.idx.msk [tilespmem:v56+s25+$0x0], $0xffff;
	(erf) = vrcp.f32 v7;
	v9 =	vmul.f32 v9, v30;
	v7 =	vadd.f32 $2.755731880e-06, v51  }
0x64: {  	v11 =	vmul.f32 v52, v47;
	v10 =	vmul.f32 v53, v10;
	v13 =	vadd.f32 $2.480158760e-05, v13  }
0x65: {  	v8 =	vmul.f32 v53, v8;
	v9 =	vadd.f32 $-5.000000000e-01, v9;
	v7 =	vmul.f32 v7, v48  }
0x66: {  	v53 =	vmul.f32 $2.087675590e-09, v24;
	v11 =	vadd.f32 $-1.984127010e-04, v11;
	v13 =	vmul.f32 v13, v48  }
0x67: {  	v8 =	vsub.f32 $1.000000000e+00, v8;
	v9 =	vmul.f32 v9, v30;
	v7 =	vadd.f32 $-1.984127010e-04, v7  }
0x68: {  	v63 =	vmul.f32 v15, v15;
	v11 =	vmul.f32 v11, v47;
	v13 =	vadd.f32 $-1.388888920e-03, v13  }
0x69: {  	v30 =	vmul.f32 $1.605904440e-10, v28;
	v9 =	vadd.f32 $1.000000000e+00, v9;
	v7 =	vmul.f32 v7, v48  }
0x6a: {  	v27 =	vmul.f32 $1.605904440e-10, v63;
	v11 =	vadd.f32 $8.333333770e-03, v11;
	v13 =	vmul.f32 v13, v48  }
0x6b: {  	v32 =	vadd.f32 $-2.505210790e-08, v30;
	v10 =	vmul.f32 v10, v9;
	v7 =	vadd.f32 $8.333333770e-03, v7  }
0x6c: {  	v11 =	vmul.f32 v11, v47;
	v8 =	vmul.f32 v8, v9;
	v9 =	vadd.f32 $2.480158760e-05, v60  }
0x6d: {  	v44 =	vmul.f32 $2.087675590e-09, v63;
	v13 =	vadd.f32 $4.166666790e-02, v13;
	v35 =	vmul.f32 v32, v28  }
0x6e: {  	v59 =	vpop (erf);
	v61 =	vmul.f32 v7, v48;
	v11 =	vadd.f32 $-1.666666720e-01, v11;
	v9 =	vmul.f32 v9, v47  }
0x6f: {  	v29 =	vadd.f32 $-2.505210790e-08, v27;
	v20 =	vmul.f32 v59, v3;
	v13 =	vmul.f32 v13, v48  }
0x70: {  	v62 =	vadd.f32 $-1.666666720e-01, v61;
	v11 =	vmul.f32 v11, v47;
	v9 =	vadd.f32 $-1.388888920e-03, v9  }
0x71: {  	v7 =	vmul.f32 v10, v20;
	v8 =	vmul.f32 v8, v20;
	v13 =	vadd.f32 $-5.000000000e-01, v13;
	v20 =	vld.idx.msk [tilespmem:v38+s25+$0x0], $0xffff  }
0x72: {  	v10 =	vmul.f32 v62, v48;
	v11 =	vadd.f32 $1.000000000e+00, v11;
	v9 =	vmul.f32 v9, v47  }
0x73: {  	v56 =	vadd.s32 $0xD, v4;
	v31 =	vmul.f32 v29, v63;
	v13 =	vmul.f32 v13, v48  }
0x74: {  	v11 =	vmul.f32 v11, v18;
	v10 =	vadd.f32 $1.000000000e+00, v10;
	v9 =	vadd.f32 $4.166666790e-02, v9  }
0x75: {  	v34 =	vadd.f32 $1.000000000e+00, v13;
	v13 =	vadd.f32 $2.755731880e-06, v35;
	v18 =	vmul.f32 v36, v28  }
0x76: {  	v48 =	vmul.f32 v20, v20;
	(erf) = vrcp.f32 v11;
	v11 =	vadd.f32 $2.755731880e-06, v31  }
0x77: {  	v52 =	vadd.f32 $-2.505210790e-08, v50;
	v10 =	vmul.f32 v10, v12;
	v9 =	vmul.f32 v9, v47  }
0x78: {  	v13 =	vmul.f32 v13, v28;
	v39 =	vadd.f32 $2.480158760e-05, v18;
	v11 =	vmul.f32 v11, v63  }
0x79: {  	v49 =	vmul.f32 $1.605904440e-10, v48;
	v37 =	vadd.f32 v10, v10;
	v9 =	vadd.f32 $-5.000000000e-01, v9  }
0x7a: {  	v58 =	vmul.f32 $2.087675590e-09, v48;
	v14 =	vmul.f32 v39, v28;
	v11 =	vadd.f32 $-1.984127010e-04, v11  }
0x7b: {  	v13 =	vadd.f32 $-1.984127010e-04, v13;
	v12 =	vmul.f32 v37, v34;
	v9 =	vmul.f32 v9, v47  }
0x7c: {  	v59 =	vadd.f32 $-2.755732000e-07, v58;
	v10 =	vmul.f32 v37, v10;
	v11 =	vmul.f32 v11, v63  }
0x7d: {  	v13 =	vmul.f32 v13, v28;
	v14 =	vadd.f32 $-1.388888920e-03, v14;
	v40 =	vadd.f32 $1.000000000e+00, v9  }
0x7e: {  	v61 =	vmul.f32 v59, v48;
	v10 =	vsub.f32 $1.000000000e+00, v10;
	v43 =	vadd.f32 $8.333333770e-03, v11  }
0x7f: {  	v46 =	vmul.f32 v14, v28;
	v12 =	vmul.f32 v12, v40;
	v11 =	vadd.f32 $-2.755732000e-07, v44;
	v41 =	vpop (erf)  }
0x80: {  	v30 =	vadd.s32 $0x10, v4;
	v42 =	vmul.f32 v41, v3;
	v23 =	vmul.f32 v43, v63  }
0x81: {  	v45 =	vadd.f32 $8.333333770e-03, v13;
	v10 =	vmul.f32 v10, v40;
	v11 =	vmul.f32 v11, v63  }
0x82: {  	v13 =	vadd.f32 $4.166666790e-02, v46;
	v9 =	vmul.f32 v12, v42;
	v47 =	vadd.f32 $-1.666666720e-01, v23  }
0x83: {  	v12 =	vmul.f32 v45, v28;
	v11 =	vadd.f32 $2.480158760e-05, v11;
	v23 =	vadd.f32 $-2.505210790e-08, v49  }
0x84: {  	v62 =	vadd.f32 $2.480158760e-05, v61;
	v13 =	vmul.f32 v13, v28;
	v14 =	vmul.f32 v47, v63  }
0x85: {  	v12 =	vadd.f32 $-1.666666720e-01, v12;
	v11 =	vmul.f32 v11, v63;
	v51 =	vmul.f32 v23, v48;
	v23 =	vld.idx.msk [tilespmem:v57+s25+$0x0], $0xffff  }
0x86: {  	v61 =	vadd.s32 $0x11, v4;
	v13 =	vadd.f32 $-5.000000000e-01, v13;
	v14 =	vadd.f32 $1.000000000e+00, v14  }
0x87: {  	v10 =	vmul.f32 v10, v42;
	v12 =	vmul.f32 v12, v28;
	v11 =	vadd.f32 $-1.388888920e-03, v11  }
0x88: {  	v43 =	vadd.s32 $0xF, v4;
	v13 =	vmul.f32 v13, v28;
	v14 =	vmul.f32 v14, v15  }
0x89: {  	v54 =	vadd.f32 $2.755731880e-06, v51;
	v12 =	vadd.f32 $1.000000000e+00, v12;
	v11 =	vmul.f32 v11, v63  }
0x8a: {  	v15 =	vadd.f32 $-2.755732000e-07, v53;
	v33 =	vmul.f32 $5.000000000e-01, v23;
	(erf) = vrcp.f32 v14  }
0x8b: {  	v12 =	vmul.f32 v12, v16;
	v11 =	vadd.f32 $4.166666790e-02, v11;
	v14 =	vmul.f32 v52, v24  }
0x8c: {  	v13 =	vadd.f32 $1.000000000e+00, v13;
	v16 =	vmul.f32 v54, v48;
	v27 =	vmul.f32 v33, v33  }
0x8d: {  	v15 =	vmul.f32 v15, v24;
	v55 =	vadd.f32 v12, v12;
	v11 =	vmul.f32 v11, v63  }
0x8e: {  	v60 =	vld.idx.msk [tilespmem:v56+s25+$0x0], $0xffff;
	v14 =	vadd.f32 $2.755731880e-06, v14;
	v16 =	vadd.f32 $-1.984127010e-04, v16;
	v36 =	vmul.f32 $1.605904440e-10, v27  }
0x8f: {  	v15 =	vadd.f32 $2.480158760e-05, v15;
	v39 =	vmul.f32 $2.087675590e-09, v27;
	v13 =	vmul.f32 v55, v13  }
0x90: {  	v11 =	vadd.f32 $-5.000000000e-01, v11;
	v14 =	vmul.f32 v14, v24;
	v16 =	vmul.f32 v16, v48  }
0x91: {  	v15 =	vmul.f32 v15, v24;
	v12 =	vmul.f32 v55, v12;
	v23 =	vadd.f32 $-2.755732000e-07, v39  }
0x92: {  	v11 =	vmul.f32 v11, v63;
	v14 =	vadd.f32 $-1.984127010e-04, v14;
	v16 =	vadd.f32 $8.333333770e-03, v16  }
0x93: {  	v15 =	vadd.f32 $-1.388888920e-03, v15;
	v63 =	vmul.f32 v60, v60;
	v42 =	vmul.f32 v23, v27  }
0x94: {  	v26 =	vadd.f32 $1.000000000e+00, v11;
	v14 =	vmul.f32 v14, v24;
	v16 =	vmul.f32 v16, v48  }
0x95: {  	v12 =	vsub.f32 $1.000000000e+00, v12;
	v15 =	vmul.f32 v15, v24;
	v34 =	vmul.f32 $1.605904440e-10, v63;
	v25 =	vpop (erf)  }
0x96: {  	v23 =	vld.idx.msk [tilespmem:v43+s25+$0x0], $0xffff;
	v25 =	vmul.f32 v25, v3;
	v13 =	vmul.f32 v13, v26;
	v14 =	vadd.f32 $8.333333770e-03, v14  }
0x97: {  	v47 =	vmul.f32 $2.087675590e-09, v63;
	v16 =	vadd.f32 $-1.666666720e-01, v16;
	v12 =	vmul.f32 v12, v26  }
0x98: {  	v15 =	vadd.f32 $4.166666790e-02, v15;
	v11 =	vmul.f32 v13, v25;
	v14 =	vmul.f32 v14, v24  }
0x99: {  	v40 =	vadd.s32 $0xE, v4;
	v16 =	vmul.f32 v16, v48;
	v13 =	vmul.f32 v62, v48  }
0x9a: {  	v35 =	vadd.f32 $-2.505210790e-08, v34;
	v15 =	vmul.f32 v15, v24;
	v12 =	vmul.f32 v12, v25  }
0x9b: {  	v25 =	vadd.f32 $-2.755732000e-07, v47;
	v26 =	vmul.f32 v23, v23;
	v14 =	vadd.f32 $-1.666666720e-01, v14  }
0x9c: {  	v37 =	vmul.f32 v35, v63;
	v16 =	vadd.f32 $1.000000000e+00, v16;
	v13 =	vadd.f32 $-1.388888920e-03, v13  }
0x9d: {  	v15 =	vadd.f32 $-5.000000000e-01, v15;
	v25 =	vmul.f32 v25, v63;
	v29 =	vmul.f32 $1.605904440e-10, v26  }
0x9e: {  	v38 =	vadd.f32 $-2.505210790e-08, v36;
	v14 =	vmul.f32 v14, v24;
	v16 =	vmul.f32 v16, v20  }
0x9f: {  	v13 =	vmul.f32 v13, v48;
	v15 =	vmul.f32 v15, v24;
	v51 =	vadd.f32 $2.480158760e-05, v25  }
0xa0: {  	v20 =	vmul.f32 v38, v27;
	v24 =	vld.idx.msk [tilespmem:v40+s25+$0x0], $0xffff;
	v54 =	vadd.f32 $-2.505210790e-08, v29;
	v14 =	vadd.f32 $1.000000000e+00, v14  }
0xa1: {  	v13 =	vadd.f32 $4.166666790e-02, v13;
	(erf) = vrcp.f32 v16;
	v16 =	vadd.f32 $2.755731880e-06, v37  }
0xa2: {  	v20 =	vadd.f32 $2.755731880e-06, v20;
	v58 =	vmul.f32 v54, v26;
	v37 =	vmul.f32 $2.087675590e-09, v26  }
0xa3: {  	v15 =	vadd.f32 $1.000000000e+00, v15;
	v14 =	vmul.f32 v14, v22;
	v13 =	vmul.f32 v13, v48  }
0xa4: {  	v16 =	vmul.f32 v16, v63;
	v41 =	vmul.f32 v20, v27;
	v20 =	vadd.f32 $2.480158760e-05, v42  }
0xa5: {  	v50 =	vmul.f32 $5.000000000e-01, v24;
	v24 =	vmul.f32 v51, v63;
	v22 =	vadd.f32 v14, v14  }
0xa6: {  	v13 =	vadd.f32 $-5.000000000e-01, v13;
	v16 =	vadd.f32 $-1.984127010e-04, v16;
	v20 =	vmul.f32 v20, v27  }
0xa7: {  	v18 =	vadd.f32 $-1.984127010e-04, v41;
	v52 =	vmul.f32 v50, v50;
	v15 =	vmul.f32 v22, v15  }
0xa8: {  	v38 =	vld.idx.msk [tilespmem:v30+s25+$0x0], $0xffff;
	v24 =	vadd.f32 $-1.388888920e-03, v24;
	v13 =	vmul.f32 v13, v48;
	v14 =	vmul.f32 v22, v14  }
0xa9: {  	v45 =	vmul.f32 v16, v63;
	v18 =	vmul.f32 v18, v27;
	v20 =	vadd.f32 $-1.388888920e-03, v20  }
0xaa: {  	v28 =	vmul.f32 $1.605904440e-10, v52;
	v24 =	vmul.f32 v24, v63;
	v44 =	vadd.f32 $1.000000000e+00, v13  }
0xab: {  	v59 =	vmul.f32 $2.087675590e-09, v52;
	v48 =	vadd.f32 $8.333333770e-03, v45;
	v14 =	vsub.f32 $1.000000000e+00, v14  }
0xac: {  	v18 =	vadd.f32 $8.333333770e-03, v18;
	v20 =	vmul.f32 v20, v27;
	v46 =	vpop (erf);
	v53 =	vadd.f32 $-2.505210790e-08, v28  }
0xad: {  	v57 =	vadd.f32 $4.166666790e-02, v24;
	v28 =	vmul.f32 $5.000000000e-01, v38;
	v16 =	vmul.f32 v46, v3  }
0xae: {  	v45 =	vld.idx.msk [tilespmem:v61+s25+$0x0], $0xffff;
	v24 =	vadd.f32 $2.755731880e-06, v58;
	v15 =	vmul.f32 v15, v44;
	v49 =	vmul.f32 v48, v63  }
0xaf: {  	v21 =	vadd.f32 $-2.755732000e-07, v59;
	v14 =	vmul.f32 v14, v44;
	v18 =	vmul.f32 v18, v27  }
0xb0: {  	v20 =	vadd.f32 $4.166666790e-02, v20;
	v55 =	vmul.f32 v53, v52;
	v24 =	vmul.f32 v24, v26  }
0xb1: {  	v40 =	vadd.f32 $-2.755732000e-07, v37;
	v21 =	vmul.f32 v21, v52;
	v13 =	vmul.f32 v15, v16  }
0xb2: {  	v15 =	vadd.f32 $-1.666666720e-01, v49;
	v18 =	vadd.f32 $-1.666666720e-01, v18;
	v20 =	vmul.f32 v20, v27  }
0xb3: {  	v47 =	vmul.f32 v28, v28;
	v53 =	vadd.s32 $0x12, v4;
	v42 =	vmul.f32 v45, v45  }
0xb4: {  	v15 =	vmul.f32 v15, v63;
	v18 =	vmul.f32 v18, v27;
	v20 =	vadd.f32 $-5.000000000e-01, v20  }
0xb5: {  	v31 =	vadd.f32 $-1.984127010e-04, v24;
	v51 =	vmul.f32 $2.087675590e-09, v47;
	v46 =	vmul.f32 $1.605904440e-10, v42  }
0xb6: {  	v15 =	vadd.f32 $1.000000000e+00, v15;
	v18 =	vadd.f32 $1.000000000e+00, v18;
	v56 =	vmul.f32 v20, v27  }
0xb7: {  	v59 =	vmul.f32 $2.087675590e-09, v42;
	v20 =	vmul.f32 v57, v63;
	v29 =	vadd.f32 $-2.505210790e-08, v46  }
0xb8: {  	v15 =	vmul.f32 v15, v60;
	v18 =	vmul.f32 v18, v33;
	v17 =	vadd.f32 $1.000000000e+00, v56  }
0xb9: {  	v20 =	vadd.f32 $-5.000000000e-01, v20;
	v33 =	vadd.f32 $2.480158760e-05, v21;
	v48 =	vmul.f32 v29, v42  }
0xba: {  	(erf) = vrcp.f32 v15;
	v15 =	vadd.f32 $2.755731880e-06, v55;
	v60 =	vadd.f32 v18, v18  }
0xbb: {  	v29 =	vld.idx.msk [tilespmem:v53+s25+$0x0], $0xffff;
	v63 =	vmul.f32 v20, v63;
	v44 =	vmul.f32 v33, v52;
	v55 =	vadd.f32 $-2.755732000e-07, v51  }
0xbc: {  	v51 =	vadd.s32 $0x14, v4;
	v15 =	vmul.f32 v15, v52;
	v17 =	vmul.f32 v60, v17  }
0xbd: {  	v18 =	vmul.f32 v60, v18;
	v34 =	vadd.f32 $1.000000000e+00, v63;
	v19 =	vadd.f32 $-1.388888920e-03, v44  }
0xbe: {  	v62 =	vadd.f32 $-1.984127010e-04, v15;
	v15 =	vmul.f32 v14, v16;
	v16 =	vmul.f32 v31, v26  }
0xbf: {  	v58 =	vadd.s32 $0x13, v4;
	v17 =	vmul.f32 v17, v34;
	v19 =	vmul.f32 v19, v52  }
0xc0: {  	v18 =	vsub.f32 $1.000000000e+00, v18;
	v31 =	vmul.f32 $1.605904440e-10, v47;
	v37 =	vmul.f32 $5.000000000e-01, v29  }
0xc1: {  	v32 =	vmul.f32 v62, v52;
	v16 =	vadd.f32 $8.333333770e-03, v16;
	v19 =	vadd.f32 $4.166666790e-02, v19  }
0xc2: {  	v18 =	vmul.f32 v18, v34;
	v49 =	vadd.f32 $-2.505210790e-08, v31;
	v29 =	vmul.f32 v37, v37;
	v31 =	vld.idx.msk [tilespmem:v51+s25+$0x0], $0xffff  }
0xc3: {  	v62 =	vadd.f32 $-2.755732000e-07, v59;
	v16 =	vmul.f32 v16, v26;
	v19 =	vmul.f32 v19, v52  }
0xc4: {  	v43 =	vadd.f32 $8.333333770e-03, v32;
	v22 =	vmul.f32 v49, v47;
	v33 =	vmul.f32 $1.605904440e-10, v29;
	v35 =	vpop (erf)  }
0xc5: {  	v53 =	vmul.f32 $2.087675590e-09, v29;
	v36 =	vmul.f32 v35, v3;
	v16 =	vadd.f32 $-1.666666720e-01, v16  }
0xc6: {  	v39 =	vmul.f32 v43, v52;
	v19 =	vadd.f32 $-5.000000000e-01, v19;
	v54 =	vadd.f32 $2.755731880e-06, v22  }
0xc7: {  	v22 =	vmul.f32 v55, v47;
	v43 =	vadd.f32 $-2.505210790e-08, v33;
	v31 =	vmul.f32 $5.000000000e-01, v31  }
0xc8: {  	v14 =	vmul.f32 v17, v36;
	v41 =	vadd.f32 $-1.666666720e-01, v39;
	v16 =	vmul.f32 v16, v26  }
0xc9: {  	v55 =	vadd.s32 $0x15, v4;
	v17 =	vmul.f32 v40, v26;
	v20 =	vmul.f32 v43, v29  }
0xca: {  	v22 =	vadd.f32 $2.480158760e-05, v22;
	v21 =	vmul.f32 v41, v52;
	v16 =	vadd.f32 $1.000000000e+00, v16  }
0xcb: {  	v19 =	vmul.f32 v19, v52;
	v17 =	vadd.f32 $2.480158760e-05, v17;
	v20 =	vadd.f32 $2.755731880e-06, v20  }
0xcc: {  	v22 =	vmul.f32 v22, v47;
	v21 =	vadd.f32 $1.000000000e+00, v21;
	v16 =	vmul.f32 v16, v23  }
0xcd: {  	v19 =	vadd.f32 $1.000000000e+00, v19;
	v17 =	vmul.f32 v17, v26;
	v20 =	vmul.f32 v20, v29  }
0xce: {  	v23 =	vld.idx.msk [tilespmem:v58+s25+$0x0], $0xffff;
	v22 =	vadd.f32 $-1.388888920e-03, v22;
	v21 =	vmul.f32 v21, v50;
	(erf) = vrcp.f32 v16  }
0xcf: {  	v17 =	vadd.f32 $-1.388888920e-03, v17;
	v16 =	vmul.f32 v18, v36;
	v18 =	vmul.f32 v54, v47  }
0xd0: {  	v50 =	vadd.f32 $2.755731880e-06, v48;
	v36 =	vmul.f32 v62, v42;
	v22 =	vmul.f32 v22, v47  }
0xd1: {  	v20 =	vadd.f32 $-1.984127010e-04, v20;
	v17 =	vmul.f32 v17, v26;
	v56 =	vadd.f32 v21, v21  }
0xd2: {  	v52 =	vmul.f32 v50, v42;
	v18 =	vadd.f32 $-1.984127010e-04, v18;
	v25 =	vadd.f32 $2.480158760e-05, v36  }
0xd3: {  	v22 =	vadd.f32 $4.166666790e-02, v22;
	v20 =	vmul.f32 v20, v29;
	v32 =	vmul.f32 v23, v23  }
0xd4: {  	v17 =	vadd.f32 $4.166666790e-02, v17;
	v19 =	vmul.f32 v56, v19;
	v21 =	vmul.f32 v56, v21  }
0xd5: {  	v57 =	vadd.f32 $-1.984127010e-04, v52;
	v18 =	vmul.f32 v18, v47;
	v25 =	vmul.f32 v25, v42  }
0xd6: {  	v59 =	vadd.f32 $8.333333770e-03, v20;
	v34 =	vmul.f32 $1.605904440e-10, v32;
	v17 =	vmul.f32 v17, v26  }
0xd7: {  	v24 =	vmul.f32 v57, v42;
	v18 =	vadd.f32 $8.333333770e-03, v18;
	v21 =	vsub.f32 $1.000000000e+00, v21  }
0xd8: {  	v22 =	vmul.f32 v22, v47;
	v44 =	vadd.f32 $-2.505210790e-08, v34;
	v17 =	vadd.f32 $-5.000000000e-01, v17  }
0xd9: {  	v25 =	vadd.f32 $-1.388888920e-03, v25;
	v60 =	vadd.f32 $8.333333770e-03, v24;
	v18 =	vmul.f32 v18, v47  }
0xda: {  	v22 =	vadd.f32 $-5.000000000e-01, v22;
	v61 =	vpop (erf);
	v46 =	vmul.f32 v44, v32;
	v17 =	vmul.f32 v17, v26  }
0xdb: {  	v24 =	vmul.f32 v61, v3;
	v35 =	vmul.f32 v60, v42;
	v18 =	vadd.f32 $-1.666666720e-01, v18  }
0xdc: {  	v60 =	vmul.f32 $2.087675590e-09, v32;
	v61 =	vmul.f32 v59, v29;
	v48 =	vadd.f32 $2.755731880e-06, v46  }
0xdd: {  	v63 =	vadd.f32 $1.000000000e+00, v17;
	v17 =	vadd.f32 $-1.666666720e-01, v35;
	v18 =	vmul.f32 v18, v47  }
0xde: {  	v47 =	vmul.f32 v22, v47;
	v20 =	vadd.f32 $-2.755732000e-07, v60;
	v22 =	vmul.f32 v48, v32  }
0xdf: {  	v38 =	vadd.f32 $-1.666666720e-01, v61;
	v19 =	vmul.f32 v19, v63;
	v17 =	vmul.f32 v17, v42  }
0xe0: {  	v18 =	vadd.f32 $1.000000000e+00, v18;
	v21 =	vmul.f32 v21, v63;
	v63 =	vld.idx.msk [tilespmem:v55+s25+$0x0], $0xffff;
	v39 =	vmul.f32 v20, v32  }
0xe1: {  	v25 =	vmul.f32 v25, v42;
	v40 =	vmul.f32 v38, v29;
	v17 =	vadd.f32 $1.000000000e+00, v17  }
0xe2: {  	v22 =	vadd.f32 $-1.984127010e-04, v22;
	v28 =	vmul.f32 v18, v28;
	v41 =	vadd.f32 $2.480158760e-05, v39  }
0xe3: {  	v49 =	vadd.f32 $1.000000000e+00, v47;
	v18 =	vmul.f32 v21, v24;
	v17 =	vmul.f32 v17, v45  }
0xe4: {  	v22 =	vmul.f32 v22, v32;
	v45 =	vadd.f32 $4.166666790e-02, v25;
	v27 =	vmul.f32 v41, v32  }
0xe5: {  	v50 =	vadd.f32 v28, v28;
	v30 =	vmul.f32 v63, v63;
	(erf) = vrcp.f32 v17  }
0xe6: {  	v17 =	vmul.f32 v19, v24;
	v19 =	vmul.f32 v45, v42  }
0xe7: {  	v22 =	vadd.f32 $8.333333770e-03, v22;
	v52 =	vmul.f32 v50, v49;
	v54 =	vmul.f32 v50, v28  }
0xe8: {  	v24 =	vadd.f32 $-2.755732000e-07, v53;
	v27 =	vadd.f32 $-1.388888920e-03, v27;
	v50 =	vadd.s32 $0x16, v4  }
0xe9: {  	v4 =	vadd.s32 $0x17, v4;
	v22 =	vmul.f32 v22, v32;
	v19 =	vadd.f32 $-5.000000000e-01, v19  }
0xea: {  	v44 =	vmul.f32 $1.605904440e-10, v30;
	v24 =	vmul.f32 v24, v29  }
0xeb: {  	v46 =	vmul.f32 v27, v32;
	v22 =	vadd.f32 $-1.666666720e-01, v22;
	v19 =	vmul.f32 v19, v42  }
0xec: {  	v25 =	vsub.f32 $1.000000000e+00, v54;
	v54 =	vmul.f32 $2.087675590e-09, v30;
	v42 =	vmul.f32 v31, v31  }
0xed: {  	v47 =	vadd.f32 $-2.505210790e-08, v44;
	v22 =	vmul.f32 v22, v32;
	v56 =	vadd.f32 $1.000000000e+00, v19  }
0xee: {  	v34 =	vld.idx.msk [tilespmem:v4+s25+$0x0], $0xffff;
	v43 =	vmul.f32 $1.605904440e-10, v42;
	v49 =	vmul.f32 $2.087675590e-09, v42  }
0xef: {  	v48 =	vmul.f32 v47, v30;
	v22 =	vadd.f32 $1.000000000e+00, v22;
	v21 =	vmul.f32 v52, v56  }
0xf0: {  	v25 =	vmul.f32 v25, v56;
	v45 =	vadd.f32 $-2.505210790e-08, v43;
	v27 =	vadd.f32 $-2.755732000e-07, v49;
	v57 =	vpop (erf)  }
0xf1: {  	v33 =	vadd.f32 $-2.755732000e-07, v54;
	v22 =	vmul.f32 v22, v23;
	v58 =	vmul.f32 v57, v3  }
0xf2: {  	v62 =	vadd.f32 $2.480158760e-05, v24;
	v26 =	vmul.f32 v45, v42;
	v27 =	vmul.f32 v27, v42  }
0xf3: {  	v23 =	vadd.f32 $4.166666790e-02, v46;
	v57 =	vmul.f32 v33, v30;
	v35 =	vmul.f32 v34, v34  }
0xf4: {  	(erf) = vrcp.f32 v22;
	v22 =	vadd.f32 $2.755731880e-06, v48;
	v19 =	vmul.f32 v21, v58  }
0xf5: {  	v21 =	vmul.f32 v62, v29;
	v20 =	vmul.f32 v25, v58;
	v25 =	vadd.f32 $1.000000000e+00, v40  }
0xf6: {  	v26 =	vadd.f32 $2.755731880e-06, v26;
	v27 =	vadd.f32 $2.480158760e-05, v27;
	v22 =	vmul.f32 v22, v30  }
0xf7: {  	v23 =	vmul.f32 v23, v32;
	v60 =	vadd.f32 $2.480158760e-05, v57;
	v21 =	vadd.f32 $-1.388888920e-03, v21  }
0xf8: {  	v52 =	vld.idx.msk [tilespmem:v50+s25+$0x0], $0xffff;
	v36 =	vmul.f32 $1.605904440e-10, v35;
	v26 =	vmul.f32 v26, v42;
	v22 =	vadd.f32 $-1.984127010e-04, v22  }
0xf9: {  	v45 =	vmul.f32 $2.087675590e-09, v35;
	v23 =	vadd.f32 $-5.000000000e-01, v23;
	v21 =	vmul.f32 v21, v29  }
0xfa: {  	v25 =	vmul.f32 v25, v37;
	v26 =	vadd.f32 $-1.984127010e-04, v26;
	v22 =	vmul.f32 v22, v30  }
0xfb: {  	v27 =	vmul.f32 v27, v42;
	v37 =	vadd.f32 $-2.505210790e-08, v36;
	v21 =	vadd.f32 $4.166666790e-02, v21  }
0xfc: {  	v23 =	vmul.f32 v23, v32;
	v26 =	vmul.f32 v26, v42;
	v22 =	vadd.f32 $8.333333770e-03, v22  }
0xfd: {  	v32 =	vmul.f32 $5.000000000e-01, v52;
	v51 =	vadd.f32 v25, v25;
	v21 =	vmul.f32 v21, v29  }
0xfe: {  	v27 =	vadd.f32 $-1.388888920e-03, v27;
	v26 =	vadd.f32 $8.333333770e-03, v26;
	v22 =	vmul.f32 v22, v30  }
0xff: {  	v58 =	vmul.f32 v32, v32;
	v25 =	vmul.f32 v51, v25;
	v21 =	vadd.f32 $-5.000000000e-01, v21  }
0x100: {  	v56 =	vmul.f32 v27, v42;
	v26 =	vmul.f32 v26, v42;
	v22 =	vadd.f32 $-1.666666720e-01, v22  }
0x101: {  	v23 =	vadd.f32 $1.000000000e+00, v23;
	v61 =	vmul.f32 $1.605904440e-10, v58;
	v21 =	vmul.f32 v21, v29  }
0x102: {  	v55 =	vadd.f32 $-1.666666720e-01, v26;
	v26 =	vmul.f32 v60, v30;
	v22 =	vmul.f32 v22, v30  }
0x103: {  	v39 =	vmul.f32 $2.087675590e-09, v58;
	v25 =	vsub.f32 $1.000000000e+00, v25;
	v53 =	vpop (erf);
	v21 =	vadd.f32 $1.000000000e+00, v21  }
0x104: {  	v29 =	vmul.f32 v53, v3;
	v62 =	vadd.f32 $-1.388888920e-03, v26;
	v22 =	vadd.f32 $1.000000000e+00, v22  }
0x105: {  	v27 =	vadd.f32 $-2.505210790e-08, v61;
	v4 =	vmul.f32 v55, v42;
	v21 =	vmul.f32 v51, v21  }
0x106: {  	v59 =	vadd.f32 $4.166666790e-02, v56;
	v24 =	vmul.f32 v62, v30;
	v22 =	vmul.f32 v22, v63  }
0x107: {  	v4 =	vadd.f32 $1.000000000e+00, v4;
	v63 =	vmul.f32 v27, v58;
	v27 =	vmul.f32 v37, v35  }
0x108: {  	v0 =	vmul.u32 $0x27, v0;
	v21 =	vmul.f32 v21, v23;
	v23 =	vmul.f32 v25, v23  }
0x109: {  	v49 =	vadd.f32 $-2.755732000e-07, v45;
	v25 =	vmul.f32 v59, v42;
	v4 =	vmul.f32 v4, v31  }
0x10a: {  	v24 =	vadd.f32 $4.166666790e-02, v24;
	(erf) = vrcp.f32 v22;
	v38 =	vadd.f32 $2.755731880e-06, v63  }
0x10b: {  	v43 =	vadd.f32 $2.755731880e-06, v27;
	v21 =	vmul.f32 v21, v29;
	v25 =	vadd.f32 $-5.000000000e-01, v25  }
0x10c: {  	v40 =	vadd.f32 v4, v4;
	v24 =	vmul.f32 v24, v30;
	v41 =	vmul.f32 v38, v58  }
0x10d: {  	v26 =	vmul.f32 v43, v35;
	v25 =	vmul.f32 v25, v42;
	v42 =	vadd.f32 $-2.755732000e-07, v39  }
0x10e: {  	v24 =	vadd.f32 $-5.000000000e-01, v24;
	v28 =	vmul.f32 v40, v4;
	v4 =	vld [tilespmem:$0x180];
	v44 =	vadd.f32 $-1.984127010e-04, v41  }
0x10f: {  	v22 =	vmul.f32 v23, v29;
	v25 =	vadd.f32 $1.000000000e+00, v25;
	v23 =	vmul.f32 v42, v58  }
0x110: {  	v47 =	vadd.f32 $-1.984127010e-04, v26;
	v24 =	vmul.f32 v24, v30;
	v27 =	vmul.f32 v44, v58  }
0x111: {  	v28 =	vsub.f32 $1.000000000e+00, v28;
	v25 =	vmul.f32 v40, v25;
	v46 =	vadd.f32 $2.480158760e-05, v23  }
0x112: {  	v23 =	vmul.f32 v47, v35;
	v24 =	vadd.f32 $1.000000000e+00, v24;
	v48 =	vadd.f32 $8.333333770e-03, v27  }
0x113: {  	v27 =	vmul.f32 v49, v35;
	vm0 =	vgt.s32 v4, $0x1;
	vm1 =	vgt.s32 v4, $0x2  }
0x114: {  	vm2 =	vgt.s32 v4, $0x3;
	vm3 =	vgt.s32 v4, $0x4;
	vm4 =	vgt.s32 v4, $0x5  }
0x115: {  	vm5 =	vgt.s32 v4, $0x6;
	vm6 =	vgt.s32 v4, $0x7;
	vm7 =	vgt.s32 v4, $0x8  }
0x116: {  	vm8 =	vgt.s32 v4, $0x9;
	vm9 =	vgt.s32 v4, $0xA;
	vm10 =	vgt.s32 v4, $0xB  }
0x117: {  	vm11 =	vgt.s32 v4, $0xFFFFFFFF;
	vm15 =	veq.s32 v4, $0x1;
	vm12 =	veq.s32 v4, $0x3  }
0x118: {  	vm13 =	veq.s32 v4, $0x4;
	vm14 =	veq.s32 v4, $0x5;
	v50 =	vmul.f32 v46, v58  }
0x119: {  	v23 =	vadd.f32 $8.333333770e-03, v23;
	v25 =	vmul.f32 v25, v24;
	v52 =	vsel vm0, v5, v1  }
0x11a: {  	v53 =	vsel vm0, v6, v2;
	v24 =	vmul.f32 v28, v24;
	v57 =	vsel vm1, v7, v1  }
0x11b: {  	v51 =	vpop (erf);
	v42 =	vsel vm2, v9, v1;
	v43 =	vsel vm2, v10, v2;
	v26 =	vmul.f32 v48, v58  }
0x11c: {  	v30 =	vmul.f32 v51, v3;
	v27 =	vadd.f32 $2.480158760e-05, v27;
	v31 =	vsub.f32 v52, v1  }
0x11d: {  	v36 =	vsub.f32 v53, v2;
	v29 =	vadd.f32 $-1.388888920e-03, v50;
	v23 =	vmul.f32 v23, v35  }
0x11e: {  	v33 =	vsub.f32 v57, v5;
	v53 =	vsel vm3, v11, v1;
	v27 =	vmul.f32 v27, v35  }
0x11f: {  	v26 =	vadd.f32 $-1.666666720e-01, v26;
	v29 =	vmul.f32 v29, v58;
	v23 =	vadd.f32 $-1.666666720e-01, v23  }
0x120: {  	v37 =	vmul.f32 v31, v31;
	v38 =	vmul.f32 v36, v36;
	v27 =	vadd.f32 $-1.388888920e-03, v27  }
0x121: {  	v26 =	vmul.f32 v26, v58;
	v29 =	vadd.f32 $4.166666790e-02, v29;
	v23 =	vmul.f32 v23, v35  }
0x122: {  	v62 =	vmul.f32 v33, v33;
	v55 =	vadd.f32 v38, v37;
	v27 =	vmul.f32 v27, v35  }
0x123: {  	v26 =	vadd.f32 $1.000000000e+00, v26;
	v29 =	vmul.f32 v29, v58;
	v23 =	vadd.f32 $1.000000000e+00, v23  }
0x124: {  	v24 =	vmul.f32 v24, v30;
	v56 =	vshrl.u32 v55, $0x1;
	v27 =	vadd.f32 $4.166666790e-02, v27  }
0x125: {  	v26 =	vmul.f32 v26, v32;
	v54 =	vadd.f32 $-5.000000000e-01, v29;
	v23 =	vmul.f32 v23, v34  }
0x126: {  	v32 =	vsub.s32 $0x5F3759DF, v56;
	v29 =	vmul.f32 $5.000000000e-01, v55;
	v27 =	vmul.f32 v27, v35  }
0x127: {  	v61 =	vadd.f32 v26, v26;
	v28 =	vmul.f32 v54, v58;
	(erf) = vrcp.f32 v23  }
0x128: {  	v58 =	vsel vm1, v8, v2;
	v60 =	vmul.f32 v32, v29;
	v23 =	vmul.f32 v25, v30  }
0x129: {  	v30 =	vsub.f32 v42, v7;
	v54 =	vsel vm3, v12, v2;
	v42 =	vsel vm4, v15, v2  }
0x12a: {  	v34 =	vsub.f32 v58, v6;
	v39 =	vadd.f32 $-5.000000000e-01, v27;
	v26 =	vmul.f32 v61, v26  }
0x12b: {  	v37 =	vsub.f32 v54, v10;
	v12 =	vsub.f32 v42, v12;
	v42 =	vsel vm6, v18, v2  }
0x12c: {  	v59 =	vadd.f32 $1.000000000e+00, v28;
	v6 =	vmul.f32 v32, v60;
	v48 =	vmul.f32 v30, v30  }
0x12d: {  	v63 =	vmul.f32 v34, v34;
	v25 =	vmul.f32 v39, v35;
	v35 =	vsub.f32 v43, v8  }
0x12e: {  	v26 =	vsub.f32 $1.000000000e+00, v26;
	v58 =	vmul.f32 v37, v37;
	v6 =	vsub.f32 $1.500000000e+00, v6  }
0x12f: {  	v43 =	vsub.f32 $0.0e+00, v36;
	v5 =	vmul.f32 v61, v59;
	v40 =	vadd.f32 v63, v62  }
0x130: {  	v46 =	vadd.f32 $1.000000000e+00, v25;
	v49 =	vmul.f32 v35, v35;
	v44 =	vmul.f32 v32, v6  }
0x131: {  	v32 =	vsub.f32 v53, v9;
	v53 =	vsub.f32 $0.0e+00, v34;
	v41 =	vshrl.u32 v40, $0x1  }
0x132: {  	v27 =	vmul.f32 $5.000000000e-01, v40;
	v5 =	vmul.f32 v5, v46;
	v51 =	vadd.f32 v49, v48  }
0x133: {  	v7 =	vmul.f32 v26, v46;
	v46 =	vmul.f32 v12, v12;
	v12 =	vsub.f32 $0.0e+00, v12  }
0x134: {  	v28 =	vsub.s32 $0x5F3759DF, v41;
	v50 =	vmul.f32 v44, v29;
	v57 =	vmul.f32 v32, v32  }
0x135: {  	v41 =	vsel vm4, v13, v1;
	v45 =	vmul.f32 v28, v27;
	v47 =	vpop (erf);
	v29 =	vmul.f32 $5.000000000e-01, v51  }
0x136: {  	v52 =	vshrl.u32 v51, $0x1;
	v3 =	vmul.f32 v47, v3;
	v25 =	vmul.f32 v50, v44  }
0x137: {  	v26 =	vsub.s32 $0x5F3759DF, v52;
	v52 =	vsel vm5, v16, v2;
	v6 =	vmul.f32 v28, v45  }
0x138: {  	v62 =	vadd.f32 v58, v57;
	v56 =	vmul.f32 v26, v29;
	v36 =	vsub.f32 v52, v15  }
0x139: {  	v59 =	vsub.f32 $1.500000000e+00, v25;
	v7 =	vmul.f32 v7, v3;
	v6 =	vsub.f32 $1.500000000e+00, v6  }
0x13a: {  	v40 =	vshrl.u32 v62, $0x1;
	v10 =	vmul.f32 $5.000000000e-01, v62;
	v61 =	vmul.f32 v26, v56  }
0x13b: {  	v25 =	vsub.s32 $0x5F3759DF, v40;
	v57 =	vmul.f32 v36, v36;
	v55 =	vmul.f32 v28, v6  }
0x13c: {  	v6 =	vmul.f32 v5, v3;
	v5 =	vmul.f32 v59, v44;
	v3 =	vsub.f32 $1.500000000e+00, v61  }
0x13d: {  	v51 =	vsel vm5, v14, v1;
	v44 =	vmul.f32 v25, v10;
	v60 =	vmul.f32 v55, v27  }
0x13e: {  	v27 =	vsub.f32 v41, v11;
	v26 =	vmul.f32 v26, v3;
	v3 =	vmul.f32 v5, v43  }
0x13f: {  	v5 =	vmul.f32 v5, v31;
	v28 =	vmul.f32 v25, v44;
	v31 =	vsub.f32 v51, v13  }
0x140: {  	v41 =	vsel vm6, v17, v1;
	v63 =	vmul.f32 v60, v55;
	v45 =	vmul.f32 v27, v27  }
0x141: {  	v47 =	vmul.f32 v26, v29;
	v49 =	vsub.f32 $1.500000000e+00, v28;
	v60 =	vsub.f32 $0.0e+00, v35  }
0x142: {  	v56 =	vmul.f32 v31, v31;
	v35 =	vsub.f32 v42, v16;
	v8 =	vsub.f32 $1.500000000e+00, v63  }
0x143: {  	v48 =	vadd.f32 v46, v45;
	v11 =	vmul.f32 v47, v26;
	v54 =	vmul.f32 v25, v49  }
0x144: {  	v59 =	vadd.f32 v57, v56;
	v46 =	vmul.f32 v35, v35;
	v47 =	vsub.f32 $0.0e+00, v37  }
0x145: {  	v35 =	vsub.f32 $0.0e+00, v35;
	v8 =	vmul.f32 v8, v55;
	v50 =	vshrl.u32 v48, $0x1  }
0x146: {  	v29 =	vmul.f32 $5.000000000e-01, v48;
	v11 =	vsub.f32 $1.500000000e+00, v11;
	v10 =	vmul.f32 v54, v10  }
0x147: {  	v62 =	vshrl.u32 v59, $0x1;
	v25 =	vmul.f32 $5.000000000e-01, v59;
	v28 =	vsub.s32 $0x5F3759DF, v50  }
0x148: {  	v59 =	vsub.f32 $0.0e+00, v36;
	v63 =	vsub.s32 $0x5F3759DF, v62;
	v55 =	vmul.f32 v28, v29  }
0x149: {  	v62 =	vsel vm8, v22, v2;
	v9 =	vmul.f32 v8, v53;
	v8 =	vmul.f32 v8, v33  }
0x14a: {  	v11 =	vmul.f32 v11, v26;
	v61 =	vmul.f32 v10, v54;
	v53 =	vsel vm7, v19, v1  }
0x14b: {  	v40 =	vmul.f32 v63, v25;
	v26 =	vsub.f32 v41, v14;
	v34 =	vsub.f32 v53, v17  }
0x14c: {  	v53 =	vsel vm10, v6, v1;
	v6 =	vsub.f32 v1, v6;
	v58 =	vmul.f32 v28, v55  }
0x14d: {  	v10 =	vmul.f32 v11, v60;
	v43 =	vsub.f32 $1.500000000e+00, v61;
	v61 =	vsel vm8, v21, v1  }
0x14e: {  	v45 =	vmul.f32 v26, v26;
	v57 =	vmul.f32 v34, v34;
	v19 =	vsub.f32 v61, v19  }
0x14f: {  	v13 =	vsub.f32 $1.500000000e+00, v58;
	v14 =	vmul.f32 v43, v54;
	v54 =	vsel vm7, v20, v2  }
0x150: {  	v20 =	vsub.f32 v62, v20;
	v18 =	vsub.f32 v54, v18;
	v43 =	vmul.f32 v19, v19  }
0x151: {  	v54 =	vsel vm10, v7, v2;
	v28 =	vmul.f32 v28, v13;
	v13 =	vmul.f32 v63, v40  }
0x152: {  	v15 =	vmul.f32 v14, v32;
	v37 =	vmul.f32 v18, v18;
	v18 =	vsub.f32 $0.0e+00, v18  }
0x153: {  	v44 =	vmul.f32 v28, v29;
	v48 =	vsub.f32 $1.500000000e+00, v13;
	v13 =	vmul.f32 v11, v30  }
0x154: {  	v29 =	vadd.f32 v46, v45;
	v11 =	vmul.f32 v14, v47;
	v45 =	vsel vm9, v23, v1  }
0x155: {  	v46 =	vsel vm9, v24, v2;
	v23 =	vsub.f32 v53, v23;
	v24 =	vsub.f32 v54, v24  }
0x156: {  	v2 =	vsub.f32 v2, v7;
	v1 =	vimm.f32 $0.0e+00;
	v53 =	vadd.s32 $0x2, v0  }
0x157: {  	v54 =	vnsel vm11, $0x0, v3;
	v58 =	vadd.f32 v37, v57;
	v21 =	vsub.f32 v45, v21  }
0x158: {  	v22 =	vsub.f32 v46, v22;
	v16 =	vmul.f32 v44, v28;
	v49 =	vmul.f32 v63, v48  }
0x159: {  	v51 =	vshrl.u32 v29, $0x1;
	v29 =	vmul.f32 $5.000000000e-01, v29;
	v44 =	vmul.f32 v20, v20  }
0x15a: {  	v39 =	vmul.f32 v23, v23;
	v40 =	vmul.f32 v24, v24;
	v20 =	vsub.f32 $0.0e+00, v20  }
0x15b: {  	v24 =	vsub.f32 $0.0e+00, v24;
	v60 =	vshrl.u32 v58, $0x1;
	v50 =	vsub.f32 $1.500000000e+00, v16  }
0x15c: {  	v25 =	vmul.f32 v49, v25;
	v16 =	vsub.s32 $0x5F3759DF, v51;
	v63 =	vsub.s32 $0x5F3759DF, v60  }
0x15d: {  	v51 =	vmul.f32 v22, v22;
	v57 =	vadd.f32 v40, v39;
	v22 =	vsub.f32 $0.0e+00, v22  }
0x15e: {  	v39 =	vadd.s32 $0x9, v0;
	v52 =	vmul.f32 v16, v29;
	v28 =	vmul.f32 v50, v28  }
0x15f: {  	v55 =	vmul.f32 v25, v49;
	v50 =	vmul.f32 v21, v21;
	v61 =	vshrl.u32 v57, $0x1  }
0x160: {  	v56 =	vmul.f32 v16, v52;
	v62 =	vsub.s32 $0x5F3759DF, v61;
	v14 =	vmul.f32 v28, v12  }
0x161: {  	v17 =	vsub.f32 $1.500000000e+00, v55;
	v12 =	vmul.f32 v28, v27;
	v27 =	vmul.f32 $5.000000000e-01, v58  }
0x162: {  	v61 =	vadd.s32 $0x6, v0;
	v33 =	vadd.f32 v51, v50;
	v25 =	vsub.f32 $1.500000000e+00, v56  }
0x163: {  	v51 =	vadd.s32 $0x1, v0;
	v17 =	vmul.f32 v17, v49;
	v42 =	vmul.f32 v63, v27  }
0x164: {  	v49 =	vadd.f32 v44, v43;
	v56 =	vmul.f32 $5.000000000e-01, v33;
	v25 =	vmul.f32 v16, v25  }
0x165: {  	v33 =	vshrl.u32 v33, $0x1;
	v16 =	vmul.f32 v17, v59;
	v48 =	vmul.f32 v63, v42  }
0x166: {  	v33 =	vsub.s32 $0x5F3759DF, v33;
	v32 =	vmul.f32 $5.000000000e-01, v49;
	v17 =	vmul.f32 v17, v31  }
0x167: {  	v52 =	vshrl.u32 v49, $0x1;
	v58 =	vmul.f32 v33, v56;
	v31 =	vmul.f32 $5.000000000e-01, v57  }
0x168: {  	s30 =	simm.s32 $0x280;
	v49 =	vmul.f32 v2, v2;
	v57 =	vadd.s32 $0x4, v0;
	v37 =	vsub.s32 $0x5F3759DF, v52  }
0x169: {  	[tilespmem:v0+s30+$0x0] =	vst.idx.msk $0xffff, v54;
	v2 =	vsub.f32 $0.0e+00, v2;
	v29 =	vmul.f32 v25, v29;
	v55 =	vmul.f32 v37, v32  }
0x16a: {  	[tilespmem:v51+s30+$0x0] =	vst.idx.msk $0xffff, v1;
	v51 =	vadd.s32 $0xE, v0;
	v60 =	vmul.f32 v33, v58;
	v40 =	vmul.f32 v62, v31  }
0x16b: {  	v58 =	vnsel vm15, $0x0, v3;
	v47 =	vmul.f32 v29, v25;
	v29 =	vsub.f32 $1.500000000e+00, v48  }
0x16c: {  	v48 =	vmul.f32 v6, v6;
	v9 =	vsel vm0, v9, v58;
	v58 =	vnsel vm14, $0x0, v3  }
0x16d: {  	v36 =	vmul.f32 v37, v55;
	v41 =	vmul.f32 v62, v40;
	v55 =	vadd.s32 $0x3, v0  }
0x16e: {  	v28 =	vsub.f32 $1.500000000e+00, v47;
	v29 =	vmul.f32 v63, v29;
	v63 =	vsub.f32 $1.500000000e+00, v60  }
0x16f: {  	v50 =	vadd.f32 v49, v48;
	v60 =	vnsel vm15, $0x0, v5;
	v49 =	vadd.s32 $0xD, v0  }
0x170: {  	vm15 =	veq.s32 v4, $0x6;
	v59 =	vsub.f32 $1.500000000e+00, v36;
	v8 =	vsel vm0, v8, v60  }
0x171: {  	v60 =	vsel vm4, v16, v58;
	v36 =	vadd.s32 $0x19, v0;
	v27 =	vmul.f32 v29, v27  }
0x172: {  	v25 =	vmul.f32 v28, v25;
	v28 =	vmul.f32 v33, v63;
	v33 =	vsub.f32 $1.500000000e+00, v41  }
0x173: {  	v52 =	vshrl.u32 v50, $0x1;
	v63 =	vadd.s32 $0x7, v0;
	v30 =	vmul.f32 v37, v59  }
0x174: {  	v59 =	vadd.s32 $0x5, v0;
	v27 =	vmul.f32 v27, v29;
	v35 =	vmul.f32 v25, v35  }
0x175: {  	v37 =	vadd.s32 $0x8, v0;
	v42 =	vmul.f32 v28, v56;
	v44 =	vmul.f32 v62, v33  }
0x176: {  	v25 =	vmul.f32 v25, v26;
	v56 =	vnsel vm11, $0x0, v5;
	v32 =	vmul.f32 v30, v32  }
0x177: {  	vm11 =	veq.s32 v4, $0x2;
	v26 =	vmul.f32 v42, v28;
	v45 =	vmul.f32 v44, v31  }
0x178: {  	v38 =	vnsel vm11, $0x0, v3;
	v41 =	vnsel vm11, $0x0, v5;
	v32 =	vmul.f32 v32, v30  }
0x179: {  	[tilespmem:v53+s30+$0x0] =	vst.idx.msk $0xffff, v56;
	v53 =	vadd.s32 $0xF, v0;
	v26 =	vsub.f32 $1.500000000e+00, v26;
	v47 =	vmul.f32 v45, v44  }
0x17a: {  	v27 =	vsub.f32 $1.500000000e+00, v27;
	[tilespmem:v55+s30+$0x0] =	vst.idx.msk $0xffff, v9;
	v40 =	vsel vm1, v10, v38;
	v43 =	vsub.f32 $1.500000000e+00, v32  }
0x17b: {  	v42 =	vadd.s32 $0xA, v0;
	[tilespmem:v57+s30+$0x0] =	vst.idx.msk $0xffff, v1;
	v46 =	vmul.f32 v26, v28;
	v26 =	vsub.f32 $1.500000000e+00, v47  }
0x17c: {  	v27 =	vmul.f32 v27, v29;
	[tilespmem:v59+s30+$0x0] =	vst.idx.msk $0xffff, v8;
	v45 =	vnsel vm12, $0x0, v3;
	v29 =	vmul.f32 v43, v30  }
0x17d: {  	[tilespmem:v61+s30+$0x0] =	vst.idx.msk $0xffff, v40;
	v43 =	vsel vm1, v13, v41;
	v26 =	vmul.f32 v26, v44;
	v44 =	vadd.s32 $0xB, v0  }
0x17e: {  	[tilespmem:v63+s30+$0x0] =	vst.idx.msk $0xffff, v1;
	v22 =	vmul.f32 v46, v22;
	v7 =	vmul.f32 v46, v21;
	v46 =	vadd.s32 $0xC, v0  }
0x17f: {  	v56 =	vnsel vm13, $0x0, v5;
	v48 =	vsel vm2, v11, v45;
	v21 =	vmul.f32 $5.000000000e-01, v50;
	[tilespmem:v37+s30+$0x0] =	vst.idx.msk $0xffff, v43  }
0x180: {  	v50 =	vnsel vm12, $0x0, v5;
	v20 =	vmul.f32 v29, v20;
	v19 =	vmul.f32 v29, v19;
	[tilespmem:v39+s30+$0x0] =	vst.idx.msk $0xffff, v48  }
0x181: {  	v29 =	vsub.s32 $0x5F3759DF, v52;
	v15 =	vsel vm2, v15, v50;
	v52 =	vnsel vm13, $0x0, v3;
	[tilespmem:v42+s30+$0x0] =	vst.idx.msk $0xffff, v1  }
0x182: {  	v55 =	vadd.s32 $0x10, v0;
	v62 =	vmul.f32 v29, v21;
	v54 =	vsel vm3, v14, v52;
	[tilespmem:v44+s30+$0x0] =	vst.idx.msk $0xffff, v15  }
0x183: {  	v12 =	vsel vm3, v12, v56;
	v31 =	vnsel vm15, $0x0, v5;
	v57 =	vadd.s32 $0x11, v0;
	[tilespmem:v46+s30+$0x0] =	vst.idx.msk $0xffff, v54  }
0x184: {  	v59 =	vadd.s32 $0x12, v0;
	v61 =	vadd.s32 $0x13, v0;
	v30 =	vmul.f32 v29, v62;
	[tilespmem:v49+s30+$0x0] =	vst.idx.msk $0xffff, v1  }
0x185: {  	v32 =	vadd.s32 $0x17, v0;
	v63 =	vadd.s32 $0x14, v0;
	v24 =	vmul.f32 v26, v24;
	[tilespmem:v51+s30+$0x0] =	vst.idx.msk $0xffff, v12  }
0x186: {  	v13 =	vmul.f32 v26, v23;
	v62 =	vnsel vm14, $0x0, v5;
	v47 =	vsub.f32 $1.500000000e+00, v30;
	[tilespmem:v53+s30+$0x0] =	vst.idx.msk $0xffff, v60  }
0x187: {  	v23 =	vnsel vm15, $0x0, v3;
	v26 =	vadd.s32 $0x15, v0;
	v12 =	vsel vm4, v17, v62;
	[tilespmem:v55+s30+$0x0] =	vst.idx.msk $0xffff, v1  }
0x188: {  	v30 =	vadd.s32 $0x16, v0;
	v8 =	vmul.f32 v29, v47;
	v29 =	vsel vm5, v35, v23;
	[tilespmem:v57+s30+$0x0] =	vst.idx.msk $0xffff, v12  }
0x189: {  	v18 =	vmul.f32 v27, v18;
	v27 =	vmul.f32 v27, v34;
	vm4 =	veq.s32 v4, $0x7;
	[tilespmem:v59+s30+$0x0] =	vst.idx.msk $0xffff, v29  }
0x18a: {  	v34 =	vadd.s32 $0x18, v0;
	v14 =	vsel vm5, v25, v31;
	v33 =	vnsel vm4, $0x0, v3;
	[tilespmem:v61+s30+$0x0] =	vst.idx.msk $0xffff, v1  }
0x18b: {  	vm11 =	veq.s32 v4, $0x8;
	v38 =	vadd.s32 $0x1A, v0;
	v35 =	vsel vm6, v18, v33;
	[tilespmem:v63+s30+$0x0] =	vst.idx.msk $0xffff, v14  }
0x18c: {  	v40 =	vadd.s32 $0x1B, v0;
	v43 =	vnsel vm11, $0x0, v5;
	v37 =	vnsel vm4, $0x0, v5;
	[tilespmem:v26+s30+$0x0] =	vst.idx.msk $0xffff, v35  }
0x18d: {  	v39 =	vnsel vm11, $0x0, v3;
	v21 =	vmul.f32 v8, v21;
	v14 =	vsel vm6, v27, v37;
	[tilespmem:v30+s30+$0x0] =	vst.idx.msk $0xffff, v1  }
0x18e: {  	vm12 =	veq.s32 v4, $0x9;
	v42 =	vadd.s32 $0x1C, v0;
	v41 =	vsel vm7, v20, v39;
	[tilespmem:v32+s30+$0x0] =	vst.idx.msk $0xffff, v14  }
0x18f: {  	v45 =	vnsel vm12, $0x0, v3;
	v44 =	vadd.s32 $0x1D, v0;
	v28 =	vmul.f32 v21, v8;
	[tilespmem:v34+s30+$0x0] =	vst.idx.msk $0xffff, v41  }
0x190: {  	v48 =	vadd.s32 $0x1F, v0;
	v46 =	vadd.s32 $0x1E, v0;
	v14 =	vsel vm7, v19, v43;
	[tilespmem:v36+s30+$0x0] =	vst.idx.msk $0xffff, v1  }
0x191: {  	vm13 =	veq.s32 v4, $0xA;
	v47 =	vsel vm8, v22, v45;
	v17 =	vsub.f32 $1.500000000e+00, v28;
	[tilespmem:v38+s30+$0x0] =	vst.idx.msk $0xffff, v14  }
0x192: {  	v50 =	vadd.s32 $0x20, v0;
	v52 =	vadd.s32 $0x21, v0;
	v49 =	vnsel vm12, $0x0, v5;
	[tilespmem:v40+s30+$0x0] =	vst.idx.msk $0xffff, v47  }
0x193: {  	v7 =	vsel vm8, v7, v49;
	v51 =	vnsel vm13, $0x0, v3;
	v8 =	vmul.f32 v17, v8;
	[tilespmem:v42+s30+$0x0] =	vst.idx.msk $0xffff, v1  }
0x194: {  	v56 =	vadd.s32 $0x23, v0;
	v54 =	vadd.s32 $0x22, v0;
	v53 =	vsel vm9, v24, v51;
	[tilespmem:v44+s30+$0x0] =	vst.idx.msk $0xffff, v7  }
0x195: {  	vm14 =	veq.s32 v4, $0xB;
	v55 =	vnsel vm13, $0x0, v5;
	v2 =	vmul.f32 v8, v2;
	[tilespmem:v46+s30+$0x0] =	vst.idx.msk $0xffff, v53  }
0x196: {  	v58 =	vadd.s32 $0x24, v0;
	v12 =	vsel vm9, v13, v55;
	v57 =	vnsel vm14, $0x0, v3;
	[tilespmem:v48+s30+$0x0] =	vst.idx.msk $0xffff, v1  }
0x197: {  	v59 =	vadd.s32 $0x25, v0;
	v6 =	vmul.f32 v8, v6;
	v2 =	vsel vm10, v2, v57;
	[tilespmem:v50+s30+$0x0] =	vst.idx.msk $0xffff, v12  }
0x198: {  	v60 =	vnsel vm14, $0x0, v5;
	v0 =	vadd.s32 $0x26, v0;
	[tilespmem:v52+s30+$0x0] =	vst.idx.msk $0xffff, v2  }
0x199: {  	vm15 =	veq.s32 v4, $0xC;
	v61 =	vsel vm10, v6, v60;
	[tilespmem:v54+s30+$0x0] =	vst.idx.msk $0xffff, v1  }
0x19a: {  	v62 =	vnsel vm15, $0x0, v3;
	[tilespmem:v56+s30+$0x0] =	vst.idx.msk $0xffff, v61  }
0x19b: {  	[tilespmem:v58+s30+$0x0] =	vst.idx.msk $0xffff, v62  }
0x19c: {  	v63 =	vnsel vm15, $0x0, v5;
	[tilespmem:v59+s30+$0x0] =	vst.idx.msk $0xffff, v1  }
0x19d: {  	s31 =	simm.s32 $0x2;
	[tilespmem:v0+s30+$0x0] =	vst.idx.msk $0xffff, v63  }
0x19e: {  	[hbm4b:s1+s25] =	stream.linear.scatter [tilespmem:s30], [sflag:$0x2], $0x280, $0x38;
	[tilespmem:$0x500] =	vst v63  }
0x19f: {  	_ =	swait.ge [sflag:s31], $0x280  }
0x1a0: {  	[sflag:s31] =	ssyncset.done $0x0  }
0x1a1: {  	[sflag:s31] =	ssyncadd.s32 $0xFFFFFD80  }
.LBB2_2:
0x1a2: {  	_ =	sfence.sel $0x180000  }
0x1a3: {  	[bflag:$0x0] =	sbarrier.arrive $0xFFFF  }
0x1a4: {  	_ =	strace $0x90000047  }
0x1a5: {  	s0 =	sadd.s32 @!p0 $0x100000, s0;
	[bflag:$0x2] =	sbarrier.arrive $0xFFFF  }
0x1a6: {  	[sflag:s0] =	ssyncadd.tile.s32 @!p0 $0x1;
	_ =	shalt  }
.Lfunc_end2:
_tile_overlayer_lowered:
.L_overlay_start_2:
0x1a7: {  	(tag) =	ssettag $0x2  }
0x1a8: {  	s0 =	rddreg [dreg:$0x0];
	s2 =	stileid.u32  }
0x1a9: {  	s1 =	rddreg [dreg:$0x1];
	p0 =	sne.s32 s2, $0x0  }
0x1aa: {  	s3 =	rddreg [dreg:$0x2];
	[bflag:$0x3] =	sbarrier.arrive $0xFFFF;
	s2 =	simm.s32 @!p0 $0x1C02  }
0x1ab: {  	[timem:s3], [sflag:s2] =	dma.local @!p0 [hbm:s0], s1  }
0x1ac: {  	s0 =	simm.s32 @!p0 $0x2  }
0x1ad: {  	_ =	swait.ge @!p0 [sflag:s0], s1  }
0x1ae: {  	s1 =	ssub.s32 @!p0 $0x0, s1;
	[sflag:s0] =	ssyncset.done @!p0 $0x0  }
0x1af: {  	[sflag:s0] =	ssyncadd.s32 @!p0 s1  }
0x1b0: {  	[bflag:$0x3] =	sbarrier.arrive $0xFFFF  }
0x1b1: {  	_ =	shalt  }

</sc_bundles>
